<compile_context>
chip_gen: v7x
topology: tpu7x:2x2x1
jax: 0.10.2.dev20260603
libtpu: 0.0.44.dev20260713+nightly
codegen_flags: <defaults>
</compile_context>

<pallas_src>
import jax
import jax.numpy as jnp
from jax import lax
from jax.experimental import pallas as pl
from jax.experimental.pallas import tpu as pltpu, tpu_sc as plsc

N = 10000
E = 320000
D = 128
NPAD = 10240
NC = 2
NS = 16
NW = NC * NS
EPW = E // NW
CB = 16
NCHUNK = EPW // CB
NBLK = 25
BCH = NCHUNK // NBLK
DEPTH = 5
RPT = NPAD // NS


def _sc_body(x_hbm, src_hbm, dst_hbm, acc_out, cnt_out, *refs):
    idx_s, idx_d = refs[0], refs[1]
    sbufs = refs[2:2 + DEPTH]
    dbufs = refs[2 + DEPTH:2 + 2 * DEPTH]
    m0, m1, czero, ones_v = refs[2 + 2 * DEPTH:6 + 2 * DEPTH]
    sems = refs[6 + 2 * DEPTH:]
    ssems = sems[0:DEPTH]
    dsems = sems[DEPTH:2 * DEPTH]
    sem_m0, sem_m1, sem_c0, sem_c1 = sems[2 * DEPTH:2 * DEPTH + 4]
    acc_sh, cnt_sh = sems[2 * DEPTH + 4:]
    mbufs = (m0, m1)
    msems = (sem_m0, sem_m1)
    csems = (sem_c0, sem_c1)

    c = lax.axis_index("c")
    s = lax.axis_index("s")
    wid = c * NS + s

    def _zrow(r, _):
        for j in range(D // 16):
            m0[r, pl.ds(j * 16, 16)] = jnp.zeros((16,), jnp.float32)
        return 0
    lax.fori_loop(0, CB, _zrow, 0)

    def _zc(r, _):
        czero[pl.ds(r * 16, 16)] = jnp.zeros((16,), jnp.float32)
        return 0
    lax.fori_loop(0, RPT // 16, _zc, 0)

    ones_v[pl.ds(0, 16)] = jnp.ones((16,), jnp.float32)

    base = s * RPT
    for t in range(RPT // CB):
        pltpu.async_copy(m0, acc_sh.at[pl.ds(base + t * CB, CB)], sem_m0)
    for t in range(RPT // CB):
        pltpu.make_async_copy(m0, acc_sh.at[pl.ds(base, CB)], sem_m0).wait()
    pltpu.sync_copy(czero, cnt_sh.at[pl.ds(base, RPT)])
    plsc.subcore_barrier()

    def _wait(buf, sem):
        pltpu.make_async_copy(x_hbm.at[pl.ds(0, CB)], buf, sem).wait()

    def _drain_m(p):
        pltpu.make_async_copy(mbufs[p], acc_sh.at[idx_s.at[0]],
                              msems[p]).wait()
        pltpu.make_async_copy(ones_v.at[pl.ds(0, CB)], cnt_sh.at[idx_s.at[0]],
                              csems[p]).wait()

    def _compute(sb, db, mb):
        def _row(r, _):
            for j in range(D // 16):
                sl = pl.ds(j * 16, 16)
                mb[r, sl] = jnp.abs(sb[r, sl] - db[r, sl])
            return 0
        lax.fori_loop(0, CB, _row, 0)

    def _block(blk, _):
        pltpu.sync_copy(src_hbm.at[wid, blk], idx_s)
        pltpu.sync_copy(dst_hbm.at[wid, blk], idx_d)
        for i in range(DEPTH):
            pltpu.async_copy(x_hbm.at[idx_s.at[i]], sbufs[i], ssems[i])
            pltpu.async_copy(x_hbm.at[idx_d.at[i]], dbufs[i], dsems[i])

        def _round(kr, __):
            for i in range(DEPTH):
                t = DEPTH * kr + i
                p = i % 2
                _wait(sbufs[i], ssems[i])
                _wait(dbufs[i], dsems[i])
                if i < 2:
                    @pl.when(kr > 0)
                    def _():
                        _drain_m(p)
                else:
                    _drain_m(p)
                _compute(sbufs[i], dbufs[i], mbufs[p])
                pltpu.async_copy(mbufs[p], acc_sh.at[idx_s.at[t]],
                                 msems[p], add=True)
                pltpu.async_copy(ones_v.at[pl.ds(0, CB)],
                                 cnt_sh.at[idx_s.at[t]], csems[p], add=True)

                @pl.when(kr < BCH // DEPTH - 1)
                def _():
                    pltpu.async_copy(x_hbm.at[idx_s.at[t + DEPTH]],
                                     sbufs[i], ssems[i])
                    pltpu.async_copy(x_hbm.at[idx_d.at[t + DEPTH]],
                                     dbufs[i], dsems[i])
            return 0
        lax.fori_loop(0, BCH // DEPTH, _round, 0)
        _drain_m(0)
        _drain_m(1)
        return 0
    lax.fori_loop(0, NBLK, _block, 0)

    plsc.subcore_barrier()
    pltpu.sync_copy(acc_sh.at[pl.ds(base, RPT)],
                    acc_out.at[c].at[pl.ds(base, RPT)])
    pltpu.sync_copy(cnt_sh.at[pl.ds(base, RPT)],
                    cnt_out.at[pl.ds(c * NPAD + base, RPT)])


_sc_gather_scatter = pl.kernel(
    _sc_body,
    out_type=(
        jax.ShapeDtypeStruct((NC, NPAD, D), jnp.float32),
        jax.ShapeDtypeStruct((NC * NPAD,), jnp.float32),
    ),
    mesh=plsc.VectorSubcoreMesh(core_axis_name="c", subcore_axis_name="s"),
    scratch_types=(
        [pltpu.VMEM((BCH, CB), jnp.int32)] * 2
        + [pltpu.VMEM((CB, D), jnp.float32)] * (2 * DEPTH + 2)
        + [pltpu.VMEM((RPT,), jnp.float32), pltpu.VMEM((16,), jnp.float32)]
        + [pltpu.SemaphoreType.DMA] * (2 * DEPTH + 4)
        + [pltpu.VMEM_SHARED((NPAD, D), jnp.float32),
           pltpu.VMEM_SHARED((NPAD,), jnp.float32)]
    ),
)


BLK = 2000


def _tc_body(x_ref, acc_ref, cnt_ref, w_ref, b_ref, o_ref):
    a = x_ref[...] + acc_ref[0] + acc_ref[1]
    denom = cnt_ref[...].sum(axis=1, keepdims=True) + 1.0
    m = a / denom
    o_ref[...] = lax.dot_general(
        m, w_ref[...], (((1,), (1,)), ((), ())),
        preferred_element_type=jnp.float32) + b_ref[...]


_tc_combine = pl.pallas_call(
    _tc_body,
    grid=(N // BLK,),
    in_specs=[
        pl.BlockSpec((BLK, D), lambda i: (i, 0)),
        pl.BlockSpec((NC, BLK, D), lambda i: (0, i, 0)),
        pl.BlockSpec((BLK, NC), lambda i: (i, 0)),
        pl.BlockSpec((D, D), lambda i: (0, 0)),
        pl.BlockSpec((1, D), lambda i: (0, 0)),
    ],
    out_specs=pl.BlockSpec((BLK, D), lambda i: (i, 0)),
    out_shape=jax.ShapeDtypeStruct((N, D), jnp.float32),
    compiler_params=pltpu.CompilerParams(
        dimension_semantics=("arbitrary",)),
)


def kernel(x, edge_index, W, b):
    src = edge_index[0].reshape(NW, NBLK, BCH, CB)
    dst = edge_index[1].reshape(NW, NBLK, BCH, CB)
    acc, cnt = _sc_gather_scatter(x, src, dst)
    return _tc_combine(x, acc, cnt.reshape(NC, NPAD).T, W, b.reshape(1, D))

# --- scband reference (transcript-rebuilt; emitter-appended) ---
"""Pipeline reference for scband-onset-embedding-86285892976712 (READ-ONLY COPY).

The authoritative reference and input builder live on the scoring server;
editing this copy changes nothing except your own understanding.
"""

import jax, jax.numpy as jnp
import numpy as np

N = 10000
E = 320000
D_IN = 128
D_OUT = 128

def setup_inputs(seed: int = 0) -> dict:
    key = jax.random.key(seed)
    k1, k2, k3, k4 = jax.random.split(key, 4)
    x = jax.random.normal(k1, (N, D_IN), dtype=jnp.float32)
    edge_index = jax.random.randint(k2, (2, E), 0, N, dtype=jnp.int32)
    W = jax.random.normal(k3, (D_OUT, D_IN), dtype=jnp.float32) * (1.0 / np.sqrt(D_IN))
    b = jax.random.normal(k4, (D_OUT,), dtype=jnp.float32) * 0.01
    return {"x": x, "edge_index": edge_index, "W": W, "b": b}

def reference(x, edge_index, W, b):
    n = x.shape[0]
    # add self loops (matches add_self_loops=True)
    loops = jnp.arange(n, dtype=edge_index.dtype)
    self_loops = jnp.stack([loops, loops], axis=0)
    ei = jnp.concatenate([edge_index, self_loops], axis=1)
    src = jnp.take(x, ei[0], axis=0)
    dst = jnp.take(x, ei[1], axis=0)
    msg = jnp.abs(src - dst)
    # torch_scatter.scatter(..., out=x.clone(), reduce='mean'):
    # sum into the initial out buffer (x), then divide by per-index edge count (clamped to >=1)
    summed = x + jax.ops.segment_sum(msg, ei[0], num_segments=n)
    count = jax.ops.segment_sum(jnp.ones((ei.shape[1],), dtype=x.dtype), ei[0], num_segments=n)
    count = jnp.maximum(count, 1.0)
    out = summed / count[:, None]
    return out @ W.T + b

if __name__ == "__main__":
    import jax
    _d = setup_inputs()
    print(jax.jit(kernel)(*tuple(_d.values())))

</pallas_src>

<mosaic_0001>
#map = affine_map<(d0, d1) -> (0, 0)>
#map1 = affine_map<(d0, d1) -> (0, 0, 0, 0)>
#map2 = affine_map<(d0, d1) -> (0, 0, 0)>
#map3 = affine_map<(d0, d1) -> (0)>
module attributes {stable_mosaic.version = 14 : i64} {
  func.func @_sc_body(%arg0: i32, %arg1: i32, %arg2: memref<10000x128xf32, #tpu.memory_space<hbm>>, %arg3: memref<32x25x25x16xi32, #tpu.memory_space<hbm>>, %arg4: memref<32x25x25x16xi32, #tpu.memory_space<hbm>>, %arg5: memref<2x10240x128xf32, #tpu.memory_space<hbm>>, %arg6: memref<20480xf32, #tpu.memory_space<hbm>>, %arg7: memref<25x16xi32, #tpu.memory_space<vmem>>, %arg8: memref<25x16xi32, #tpu.memory_space<vmem>>, %arg9: memref<16x128xf32, #tpu.memory_space<vmem>>, %arg10: memref<16x128xf32, #tpu.memory_space<vmem>>, %arg11: memref<16x128xf32, #tpu.memory_space<vmem>>, %arg12: memref<16x128xf32, #tpu.memory_space<vmem>>, %arg13: memref<16x128xf32, #tpu.memory_space<vmem>>, %arg14: memref<16x128xf32, #tpu.memory_space<vmem>>, %arg15: memref<16x128xf32, #tpu.memory_space<vmem>>, %arg16: memref<16x128xf32, #tpu.memory_space<vmem>>, %arg17: memref<16x128xf32, #tpu.memory_space<vmem>>, %arg18: memref<16x128xf32, #tpu.memory_space<vmem>>, %arg19: memref<16x128xf32, #tpu.memory_space<vmem>>, %arg20: memref<16x128xf32, #tpu.memory_space<vmem>>, %arg21: memref<640xf32, #tpu.memory_space<vmem>>, %arg22: memref<16xf32, #tpu.memory_space<vmem>>, %arg23: memref<!tpu.dma_semaphore, #tpu.memory_space<semaphore_mem>>, %arg24: memref<!tpu.dma_semaphore, #tpu.memory_space<semaphore_mem>>, %arg25: memref<!tpu.dma_semaphore, #tpu.memory_space<semaphore_mem>>, %arg26: memref<!tpu.dma_semaphore, #tpu.memory_space<semaphore_mem>>, %arg27: memref<!tpu.dma_semaphore, #tpu.memory_space<semaphore_mem>>, %arg28: memref<!tpu.dma_semaphore, #tpu.memory_space<semaphore_mem>>, %arg29: memref<!tpu.dma_semaphore, #tpu.memory_space<semaphore_mem>>, %arg30: memref<!tpu.dma_semaphore, #tpu.memory_space<semaphore_mem>>, %arg31: memref<!tpu.dma_semaphore, #tpu.memory_space<semaphore_mem>>, %arg32: memref<!tpu.dma_semaphore, #tpu.memory_space<semaphore_mem>>, %arg33: memref<!tpu.dma_semaphore, #tpu.memory_space<semaphore_mem>>, %arg34: memref<!tpu.dma_semaphore, #tpu.memory_space<semaphore_mem>>, %arg35: memref<!tpu.dma_semaphore, #tpu.memory_space<semaphore_mem>>, %arg36: memref<!tpu.dma_semaphore, #tpu.memory_space<semaphore_mem>>, %arg37: memref<10240x128xf32, #tpu.memory_space<vmem_shared>>, %arg38: memref<10240xf32, #tpu.memory_space<vmem_shared>>) attributes {dimension_semantics = [#tpu.dimension_semantics<core_parallel>, #tpu.dimension_semantics<subcore_parallel>], iteration_bounds = array<i64: 2, 16>, scalar_prefetch = 0 : i64, scratch_operands = 32 : i64, tpu.core_type = #tpu.core_type<sc_vector_subcore>, window_params = [{transform_indices = #map}, {transform_indices = #map1}, {transform_indices = #map1}, {transform_indices = #map2}, {transform_indices = #map3}]} {
    %mul3A = arith.constant 16 : i32
    %mul3A_0 = arith.muli %arg0, %mul3A : i32
    %add3A = arith.addi %mul3A_0, %arg1 : i32
    %scan3A = arith.constant 0 : i32
    %scan3A_1 = arith.constant 0 : i32
    %scan3A_2 = arith.constant 16 : i32
    %scan3A_3 = arith.addi %scan3A_1, %scan3A_2 : i32
    %scan3A_4 = arith.constant 1 : i32
    %scan3A_5 = scf.for %scan3A_429 = %scan3A_1 to %scan3A_3 step %scan3A_4 iter_args(%scan3A_430 = %scan3A) -> (i32)  : i32 {
      %broadcast_in_dim3A_431 = arith.constant 0.000000e+00 : f32
      %broadcast_in_dim3A_432 = vector.broadcast %broadcast_in_dim3A_431 : f32 to vector<16xf32>
      %swap3A_433 = arith.index_cast %scan3A_429 : i32 to index
      %swap3A_434 = arith.constant 0 : index
      %swap3A_435 = tpu.vector_load %arg19[%swap3A_433, %swap3A_434] {strides = array<i32>} : memref<16x128xf32, #tpu.memory_space<vmem>>, vector<1x16xf32>,
      %swap3A_436 = vector.shape_cast %swap3A_435 : vector<1x16xf32> to vector<16xf32>
      %swap3A_437 = vector.shape_cast %broadcast_in_dim3A_432 : vector<16xf32> to vector<1x16xf32>
      tpu.vector_store %arg19[%swap3A_433, %swap3A_434], %swap3A_437 {strides = array<i32>} : memref<16x128xf32, #tpu.memory_space<vmem>>, vector<1x16xf32>,
      %broadcast_in_dim3A_438 = arith.constant 0.000000e+00 : f32
      %broadcast_in_dim3A_439 = vector.broadcast %broadcast_in_dim3A_438 : f32 to vector<16xf32>
      %swap3A_440 = arith.index_cast %scan3A_429 : i32 to index
      %swap3A_441 = arith.constant 16 : index
      %swap3A_442 = tpu.vector_load %arg19[%swap3A_440, %swap3A_441] {strides = array<i32>} : memref<16x128xf32, #tpu.memory_space<vmem>>, vector<1x16xf32>,
      %swap3A_443 = vector.shape_cast %swap3A_442 : vector<1x16xf32> to vector<16xf32>
      %swap3A_444 = vector.shape_cast %broadcast_in_dim3A_439 : vector<16xf32> to vector<1x16xf32>
      tpu.vector_store %arg19[%swap3A_440, %swap3A_441], %swap3A_444 {strides = array<i32>} : memref<16x128xf32, #tpu.memory_space<vmem>>, vector<1x16xf32>,
      %broadcast_in_dim3A_445 = arith.constant 0.000000e+00 : f32
      %broadcast_in_dim3A_446 = vector.broadcast %broadcast_in_dim3A_445 : f32 to vector<16xf32>
      %swap3A_447 = arith.index_cast %scan3A_429 : i32 to index
      %swap3A_448 = arith.constant 32 : index
      %swap3A_449 = tpu.vector_load %arg19[%swap3A_447, %swap3A_448] {strides = array<i32>} : memref<16x128xf32, #tpu.memory_space<vmem>>, vector<1x16xf32>,
      %swap3A_450 = vector.shape_cast %swap3A_449 : vector<1x16xf32> to vector<16xf32>
      %swap3A_451 = vector.shape_cast %broadcast_in_dim3A_446 : vector<16xf32> to vector<1x16xf32>
      tpu.vector_store %arg19[%swap3A_447, %swap3A_448], %swap3A_451 {strides = array<i32>} : memref<16x128xf32, #tpu.memory_space<vmem>>, vector<1x16xf32>,
      %broadcast_in_dim3A_452 = arith.constant 0.000000e+00 : f32
      %broadcast_in_dim3A_453 = vector.broadcast %broadcast_in_dim3A_452 : f32 to vector<16xf32>
      %swap3A_454 = arith.index_cast %scan3A_429 : i32 to index
      %swap3A_455 = arith.constant 48 : index
      %swap3A_456 = tpu.vector_load %arg19[%swap3A_454, %swap3A_455] {strides = array<i32>} : memref<16x128xf32, #tpu.memory_space<vmem>>, vector<1x16xf32>,
      %swap3A_457 = vector.shape_cast %swap3A_456 : vector<1x16xf32> to vector<16xf32>
      %swap3A_458 = vector.shape_cast %broadcast_in_dim3A_453 : vector<16xf32> to vector<1x16xf32>
      tpu.vector_store %arg19[%swap3A_454, %swap3A_455], %swap3A_458 {strides = array<i32>} : memref<16x128xf32, #tpu.memory_space<vmem>>, vector<1x16xf32>,
      %broadcast_in_dim3A_459 = arith.constant 0.000000e+00 : f32
      %broadcast_in_dim3A_460 = vector.broadcast %broadcast_in_dim3A_459 : f32 to vector<16xf32>
      %swap3A_461 = arith.index_cast %scan3A_429 : i32 to index
      %swap3A_462 = arith.constant 64 : index
      %swap3A_463 = tpu.vector_load %arg19[%swap3A_461, %swap3A_462] {strides = array<i32>} : memref<16x128xf32, #tpu.memory_space<vmem>>, vector<1x16xf32>,
      %swap3A_464 = vector.shape_cast %swap3A_463 : vector<1x16xf32> to vector<16xf32>
      %swap3A_465 = vector.shape_cast %broadcast_in_dim3A_460 : vector<16xf32> to vector<1x16xf32>
      tpu.vector_store %arg19[%swap3A_461, %swap3A_462], %swap3A_465 {strides = array<i32>} : memref<16x128xf32, #tpu.memory_space<vmem>>, vector<1x16xf32>,
      %broadcast_in_dim3A_466 = arith.constant 0.000000e+00 : f32
      %broadcast_in_dim3A_467 = vector.broadcast %broadcast_in_dim3A_466 : f32 to vector<16xf32>
      %swap3A_468 = arith.index_cast %scan3A_429 : i32 to index
      %swap3A_469 = arith.constant 80 : index
      %swap3A_470 = tpu.vector_load %arg19[%swap3A_468, %swap3A_469] {strides = array<i32>} : memref<16x128xf32, #tpu.memory_space<vmem>>, vector<1x16xf32>,
      %swap3A_471 = vector.shape_cast %swap3A_470 : vector<1x16xf32> to vector<16xf32>
      %swap3A_472 = vector.shape_cast %broadcast_in_dim3A_467 : vector<16xf32> to vector<1x16xf32>
      tpu.vector_store %arg19[%swap3A_468, %swap3A_469], %swap3A_472 {strides = array<i32>} : memref<16x128xf32, #tpu.memory_space<vmem>>, vector<1x16xf32>,
      %broadcast_in_dim3A_473 = arith.constant 0.000000e+00 : f32
      %broadcast_in_dim3A_474 = vector.broadcast %broadcast_in_dim3A_473 : f32 to vector<16xf32>
      %swap3A_475 = arith.index_cast %scan3A_429 : i32 to index
      %swap3A_476 = arith.constant 96 : index
      %swap3A_477 = tpu.vector_load %arg19[%swap3A_475, %swap3A_476] {strides = array<i32>} : memref<16x128xf32, #tpu.memory_space<vmem>>, vector<1x16xf32>,
      %swap3A_478 = vector.shape_cast %swap3A_477 : vector<1x16xf32> to vector<16xf32>
      %swap3A_479 = vector.shape_cast %broadcast_in_dim3A_474 : vector<16xf32> to vector<1x16xf32>
      tpu.vector_store %arg19[%swap3A_475, %swap3A_476], %swap3A_479 {strides = array<i32>} : memref<16x128xf32, #tpu.memory_space<vmem>>, vector<1x16xf32>,
      %broadcast_in_dim3A_480 = arith.constant 0.000000e+00 : f32
      %broadcast_in_dim3A_481 = vector.broadcast %broadcast_in_dim3A_480 : f32 to vector<16xf32>
      %swap3A_482 = arith.index_cast %scan3A_429 : i32 to index
      %swap3A_483 = arith.constant 112 : index
      %swap3A_484 = tpu.vector_load %arg19[%swap3A_482, %swap3A_483] {strides = array<i32>} : memref<16x128xf32, #tpu.memory_space<vmem>>, vector<1x16xf32>,
      %swap3A_485 = vector.shape_cast %swap3A_484 : vector<1x16xf32> to vector<16xf32>
      %swap3A_486 = vector.shape_cast %broadcast_in_dim3A_481 : vector<16xf32> to vector<1x16xf32>
      tpu.vector_store %arg19[%swap3A_482, %swap3A_483], %swap3A_486 {strides = array<i32>} : memref<16x128xf32, #tpu.memory_space<vmem>>, vector<1x16xf32>,
      %scan3A_487 = arith.constant 0 : i32
      scf.yield %scan3A_487 : i32
    }
    %scan3A_6 = arith.constant 16 : i32
    %scan3A_7 = arith.constant 0 : i32
    %scan3A_8 = arith.constant 0 : i32
    %scan3A_9 = arith.constant 40 : i32
    %scan3A_10 = arith.addi %scan3A_8, %scan3A_9 : i32
    %scan3A_11 = arith.constant 1 : i32
    %scan3A_12 = scf.for %scan3A_429 = %scan3A_8 to %scan3A_10 step %scan3A_11 iter_args(%scan3A_430 = %scan3A_7) -> (i32)  : i32 {
      %broadcast_in_dim3A_431 = arith.constant 0.000000e+00 : f32
      %broadcast_in_dim3A_432 = vector.broadcast %broadcast_in_dim3A_431 : f32 to vector<16xf32>
      %mul3A_433 = arith.constant 16 : i32
      %mul3A_434 = arith.muli %scan3A_429, %mul3A_433 : i32
      %swap3A_435 = arith.index_cast %mul3A_434 : i32 to index
      %swap3A_436 = tpu.vector_load %arg21[%swap3A_435] {strides = array<i32>} : memref<640xf32, #tpu.memory_space<vmem>>, vector<16xf32>,
      %swap3A_437 = vector.shape_cast %swap3A_436 : vector<16xf32> to vector<16xf32>
      %swap3A_438 = vector.shape_cast %broadcast_in_dim3A_432 : vector<16xf32> to vector<16xf32>
      tpu.vector_store %arg21[%swap3A_435], %swap3A_438 {strides = array<i32>} : memref<640xf32, #tpu.memory_space<vmem>>, vector<16xf32>,
      %scan3A_439 = arith.constant 0 : i32
      scf.yield %scan3A_439 : i32
    }
    %scan3A_13 = arith.constant 40 : i32
    %broadcast_in_dim3A = arith.constant 1.000000e+00 : f32
    %broadcast_in_dim3A_14 = vector.broadcast %broadcast_in_dim3A : f32 to vector<16xf32>
    %swap3A = arith.constant 0 : index
    %swap3A_15 = tpu.vector_load %arg22[%swap3A] {strides = array<i32>} : memref<16xf32, #tpu.memory_space<vmem>>, vector<16xf32>,
    %swap3A_16 = vector.shape_cast %swap3A_15 : vector<16xf32> to vector<16xf32>
    %swap3A_17 = vector.shape_cast %broadcast_in_dim3A_14 : vector<16xf32> to vector<16xf32>
    tpu.vector_store %arg22[%swap3A], %swap3A_17 {strides = array<i32>} : memref<16xf32, #tpu.memory_space<vmem>>, vector<16xf32>,
    %mul3A_18 = arith.constant 640 : i32
    %mul3A_19 = arith.muli %arg1, %mul3A_18 : i32
    %add3A_20 = arith.constant 0 : i32
    %add3A_21 = arith.addi %mul3A_19, %add3A_20 : i32
    %dma_start3A = arith.constant 0 : i32
    %dma_start3A_22 = tpu.memref_slice %arg37[%add3A_21, %dma_start3A] : memref<10240x128xf32, #tpu.memory_space<vmem_shared>> -> memref<16x128xf32, #tpu.memory_space<vmem_shared>>
    %dma_start3A_23 = arith.constant 0 : i32
    %dma_start3A_24 = tpu.memref_slice %arg37[%add3A_21, %dma_start3A_23] : memref<10240x128xf32, #tpu.memory_space<vmem_shared>> -> memref<16x128xf32, #tpu.memory_space<vmem_shared>>
    tpu.enqueue_dma source(%arg19 : memref<16x128xf32, #tpu.memory_space<vmem>>) target(%dma_start3A_24 : memref<16x128xf32, #tpu.memory_space<vmem_shared>>) target_semaphore(%arg33 : memref<!tpu.dma_semaphore, #tpu.memory_space<semaphore_mem>>)
    %add3A_25 = arith.constant 16 : i32
    %add3A_26 = arith.addi %mul3A_19, %add3A_25 : i32
    %dma_start3A_27 = arith.constant 0 : i32
    %dma_start3A_28 = tpu.memref_slice %arg37[%add3A_26, %dma_start3A_27] : memref<10240x128xf32, #tpu.memory_space<vmem_shared>> -> memref<16x128xf32, #tpu.memory_space<vmem_shared>>
    %dma_start3A_29 = arith.constant 0 : i32
    %dma_start3A_30 = tpu.memref_slice %arg37[%add3A_26, %dma_start3A_29] : memref<10240x128xf32, #tpu.memory_space<vmem_shared>> -> memref<16x128xf32, #tpu.memory_space<vmem_shared>>
    tpu.enqueue_dma source(%arg19 : memref<16x128xf32, #tpu.memory_space<vmem>>) target(%dma_start3A_30 : memref<16x128xf32, #tpu.memory_space<vmem_shared>>) target_semaphore(%arg33 : memref<!tpu.dma_semaphore, #tpu.memory_space<semaphore_mem>>)
    %add3A_31 = arith.constant 32 : i32
    %add3A_32 = arith.addi %mul3A_19, %add3A_31 : i32
    %dma_start3A_33 = arith.constant 0 : i32
    %dma_start3A_34 = tpu.memref_slice %arg37[%add3A_32, %dma_start3A_33] : memref<10240x128xf32, #tpu.memory_space<vmem_shared>> -> memref<16x128xf32, #tpu.memory_space<vmem_shared>>
    %dma_start3A_35 = arith.constant 0 : i32
    %dma_start3A_36 = tpu.memref_slice %arg37[%add3A_32, %dma_start3A_35] : memref<10240x128xf32, #tpu.memory_space<vmem_shared>> -> memref<16x128xf32, #tpu.memory_space<vmem_shared>>
    tpu.enqueue_dma source(%arg19 : memref<16x128xf32, #tpu.memory_space<vmem>>) target(%dma_start3A_36 : memref<16x128xf32, #tpu.memory_space<vmem_shared>>) target_semaphore(%arg33 : memref<!tpu.dma_semaphore, #tpu.memory_space<semaphore_mem>>)
    %add3A_37 = arith.constant 48 : i32
    %add3A_38 = arith.addi %mul3A_19, %add3A_37 : i32
    %dma_start3A_39 = arith.constant 0 : i32
    %dma_start3A_40 = tpu.memref_slice %arg37[%add3A_38, %dma_start3A_39] : memref<10240x128xf32, #tpu.memory_space<vmem_shared>> -> memref<16x128xf32, #tpu.memory_space<vmem_shared>>
    %dma_start3A_41 = arith.constant 0 : i32
    %dma_start3A_42 = tpu.memref_slice %arg37[%add3A_38, %dma_start3A_41] : memref<10240x128xf32, #tpu.memory_space<vmem_shared>> -> memref<16x128xf32, #tpu.memory_space<vmem_shared>>
    tpu.enqueue_dma source(%arg19 : memref<16x128xf32, #tpu.memory_space<vmem>>) target(%dma_start3A_42 : memref<16x128xf32, #tpu.memory_space<vmem_shared>>) target_semaphore(%arg33 : memref<!tpu.dma_semaphore, #tpu.memory_space<semaphore_mem>>)
    %add3A_43 = arith.constant 64 : i32
    %add3A_44 = arith.addi %mul3A_19, %add3A_43 : i32
    %dma_start3A_45 = arith.constant 0 : i32
    %dma_start3A_46 = tpu.memref_slice %arg37[%add3A_44, %dma_start3A_45] : memref<10240x128xf32, #tpu.memory_space<vmem_shared>> -> memref<16x128xf32, #tpu.memory_space<vmem_shared>>
    %dma_start3A_47 = arith.constant 0 : i32
    %dma_start3A_48 = tpu.memref_slice %arg37[%add3A_44, %dma_start3A_47] : memref<10240x128xf32, #tpu.memory_space<vmem_shared>> -> memref<16x128xf32, #tpu.memory_space<vmem_shared>>
    tpu.enqueue_dma source(%arg19 : memref<16x128xf32, #tpu.memory_space<vmem>>) target(%dma_start3A_48 : memref<16x128xf32, #tpu.memory_space<vmem_shared>>) target_semaphore(%arg33 : memref<!tpu.dma_semaphore, #tpu.memory_space<semaphore_mem>>)
    %add3A_49 = arith.constant 80 : i32
    %add3A_50 = arith.addi %mul3A_19, %add3A_49 : i32
    %dma_start3A_51 = arith.constant 0 : i32
    %dma_start3A_52 = tpu.memref_slice %arg37[%add3A_50, %dma_start3A_51] : memref<10240x128xf32, #tpu.memory_space<vmem_shared>> -> memref<16x128xf32, #tpu.memory_space<vmem_shared>>
    %dma_start3A_53 = arith.constant 0 : i32
    %dma_start3A_54 = tpu.memref_slice %arg37[%add3A_50, %dma_start3A_53] : memref<10240x128xf32, #tpu.memory_space<vmem_shared>> -> memref<16x128xf32, #tpu.memory_space<vmem_shared>>
    tpu.enqueue_dma source(%arg19 : memref<16x128xf32, #tpu.memory_space<vmem>>) target(%dma_start3A_54 : memref<16x128xf32, #tpu.memory_space<vmem_shared>>) target_semaphore(%arg33 : memref<!tpu.dma_semaphore, #tpu.memory_space<semaphore_mem>>)
    %add3A_55 = arith.constant 96 : i32
    %add3A_56 = arith.addi %mul3A_19, %add3A_55 : i32
    %dma_start3A_57 = arith.constant 0 : i32
    %dma_start3A_58 = tpu.memref_slice %arg37[%add3A_56, %dma_start3A_57] : memref<10240x128xf32, #tpu.memory_space<vmem_shared>> -> memref<16x128xf32, #tpu.memory_space<vmem_shared>>
    %dma_start3A_59 = arith.constant 0 : i32
    %dma_start3A_60 = tpu.memref_slice %arg37[%add3A_56, %dma_start3A_59] : memref<10240x128xf32, #tpu.memory_space<vmem_shared>> -> memref<16x128xf32, #tpu.memory_space<vmem_shared>>
    tpu.enqueue_dma source(%arg19 : memref<16x128xf32, #tpu.memory_space<vmem>>) target(%dma_start3A_60 : memref<16x128xf32, #tpu.memory_space<vmem_shared>>) target_semaphore(%arg33 : memref<!tpu.dma_semaphore, #tpu.memory_space<semaphore_mem>>)
    %add3A_61 = arith.constant 112 : i32
    %add3A_62 = arith.addi %mul3A_19, %add3A_61 : i32
    %dma_start3A_63 = arith.constant 0 : i32
    %dma_start3A_64 = tpu.memref_slice %arg37[%add3A_62, %dma_start3A_63] : memref<10240x128xf32, #tpu.memory_space<vmem_shared>> -> memref<16x128xf32, #tpu.memory_space<vmem_shared>>
    %dma_start3A_65 = arith.constant 0 : i32
    %dma_start3A_66 = tpu.memref_slice %arg37[%add3A_62, %dma_start3A_65] : memref<10240x128xf32, #tpu.memory_space<vmem_shared>> -> memref<16x128xf32, #tpu.memory_space<vmem_shared>>
    tpu.enqueue_dma source(%arg19 : memref<16x128xf32, #tpu.memory_space<vmem>>) target(%dma_start3A_66 : memref<16x128xf32, #tpu.memory_space<vmem_shared>>) target_semaphore(%arg33 : memref<!tpu.dma_semaphore, #tpu.memory_space<semaphore_mem>>)
    %add3A_67 = arith.constant 128 : i32
    %add3A_68 = arith.addi %mul3A_19, %add3A_67 : i32
    %dma_start3A_69 = arith.constant 0 : i32
    %dma_start3A_70 = tpu.memref_slice %arg37[%add3A_68, %dma_start3A_69] : memref<10240x128xf32, #tpu.memory_space<vmem_shared>> -> memref<16x128xf32, #tpu.memory_space<vmem_shared>>
    %dma_start3A_71 = arith.constant 0 : i32
    %dma_start3A_72 = tpu.memref_slice %arg37[%add3A_68, %dma_start3A_71] : memref<10240x128xf32, #tpu.memory_space<vmem_shared>> -> memref<16x128xf32, #tpu.memory_space<vmem_shared>>
    tpu.enqueue_dma source(%arg19 : memref<16x128xf32, #tpu.memory_space<vmem>>) target(%dma_start3A_72 : memref<16x128xf32, #tpu.memory_space<vmem_shared>>) target_semaphore(%arg33 : memref<!tpu.dma_semaphore, #tpu.memory_space<semaphore_mem>>)
    %add3A_73 = arith.constant 144 : i32
    %add3A_74 = arith.addi %mul3A_19, %add3A_73 : i32
    %dma_start3A_75 = arith.constant 0 : i32
    %dma_start3A_76 = tpu.memref_slice %arg37[%add3A_74, %dma_start3A_75] : memref<10240x128xf32, #tpu.memory_space<vmem_shared>> -> memref<16x128xf32, #tpu.memory_space<vmem_shared>>
    %dma_start3A_77 = arith.constant 0 : i32
    %dma_start3A_78 = tpu.memref_slice %arg37[%add3A_74, %dma_start3A_77] : memref<10240x128xf32, #tpu.memory_space<vmem_shared>> -> memref<16x128xf32, #tpu.memory_space<vmem_shared>>
    tpu.enqueue_dma source(%arg19 : memref<16x128xf32, #tpu.memory_space<vmem>>) target(%dma_start3A_78 : memref<16x128xf32, #tpu.memory_space<vmem_shared>>) target_semaphore(%arg33 : memref<!tpu.dma_semaphore, #tpu.memory_space<semaphore_mem>>)
    %add3A_79 = arith.constant 160 : i32
    %add3A_80 = arith.addi %mul3A_19, %add3A_79 : i32
    %dma_start3A_81 = arith.constant 0 : i32
    %dma_start3A_82 = tpu.memref_slice %arg37[%add3A_80, %dma_start3A_81] : memref<10240x128xf32, #tpu.memory_space<vmem_shared>> -> memref<16x128xf32, #tpu.memory_space<vmem_shared>>
    %dma_start3A_83 = arith.constant 0 : i32
    %dma_start3A_84 = tpu.memref_slice %arg37[%add3A_80, %dma_start3A_83] : memref<10240x128xf32, #tpu.memory_space<vmem_shared>> -> memref<16x128xf32, #tpu.memory_space<vmem_shared>>
    tpu.enqueue_dma source(%arg19 : memref<16x128xf32, #tpu.memory_space<vmem>>) target(%dma_start3A_84 : memref<16x128xf32, #tpu.memory_space<vmem_shared>>) target_semaphore(%arg33 : memref<!tpu.dma_semaphore, #tpu.memory_space<semaphore_mem>>)
    %add3A_85 = arith.constant 176 : i32
    %add3A_86 = arith.addi %mul3A_19, %add3A_85 : i32
    %dma_start3A_87 = arith.constant 0 : i32
    %dma_start3A_88 = tpu.memref_slice %arg37[%add3A_86, %dma_start3A_87] : memref<10240x128xf32, #tpu.memory_space<vmem_shared>> -> memref<16x128xf32, #tpu.memory_space<vmem_shared>>
    %dma_start3A_89 = arith.constant 0 : i32
    %dma_start3A_90 = tpu.memref_slice %arg37[%add3A_86, %dma_start3A_89] : memref<10240x128xf32, #tpu.memory_space<vmem_shared>> -> memref<16x128xf32, #tpu.memory_space<vmem_shared>>
    tpu.enqueue_dma source(%arg19 : memref<16x128xf32, #tpu.memory_space<vmem>>) target(%dma_start3A_90 : memref<16x128xf32, #tpu.memory_space<vmem_shared>>) target_semaphore(%arg33 : memref<!tpu.dma_semaphore, #tpu.memory_space<semaphore_mem>>)
    %add3A_91 = arith.constant 192 : i32
    %add3A_92 = arith.addi %mul3A_19, %add3A_91 : i32
    %dma_start3A_93 = arith.constant 0 : i32
    %dma_start3A_94 = tpu.memref_slice %arg37[%add3A_92, %dma_start3A_93] : memref<10240x128xf32, #tpu.memory_space<vmem_shared>> -> memref<16x128xf32, #tpu.memory_space<vmem_shared>>
    %dma_start3A_95 = arith.constant 0 : i32
    %dma_start3A_96 = tpu.memref_slice %arg37[%add3A_92, %dma_start3A_95] : memref<10240x128xf32, #tpu.memory_space<vmem_shared>> -> memref<16x128xf32, #tpu.memory_space<vmem_shared>>
    tpu.enqueue_dma source(%arg19 : memref<16x128xf32, #tpu.memory_space<vmem>>) target(%dma_start3A_96 : memref<16x128xf32, #tpu.memory_space<vmem_shared>>) target_semaphore(%arg33 : memref<!tpu.dma_semaphore, #tpu.memory_space<semaphore_mem>>)
    %add3A_97 = arith.constant 208 : i32
    %add3A_98 = arith.addi %mul3A_19, %add3A_97 : i32
    %dma_start3A_99 = arith.constant 0 : i32
    %dma_start3A_100 = tpu.memref_slice %arg37[%add3A_98, %dma_start3A_99] : memref<10240x128xf32, #tpu.memory_space<vmem_shared>> -> memref<16x128xf32, #tpu.memory_space<vmem_shared>>
    %dma_start3A_101 = arith.constant 0 : i32
    %dma_start3A_102 = tpu.memref_slice %arg37[%add3A_98, %dma_start3A_101] : memref<10240x128xf32, #tpu.memory_space<vmem_shared>> -> memref<16x128xf32, #tpu.memory_space<vmem_shared>>
    tpu.enqueue_dma source(%arg19 : memref<16x128xf32, #tpu.memory_space<vmem>>) target(%dma_start3A_102 : memref<16x128xf32, #tpu.memory_space<vmem_shared>>) target_semaphore(%arg33 : memref<!tpu.dma_semaphore, #tpu.memory_space<semaphore_mem>>)
    %add3A_103 = arith.constant 224 : i32
    %add3A_104 = arith.addi %mul3A_19, %add3A_103 : i32
    %dma_start3A_105 = arith.constant 0 : i32
    %dma_start3A_106 = tpu.memref_slice %arg37[%add3A_104, %dma_start3A_105] : memref<10240x128xf32, #tpu.memory_space<vmem_shared>> -> memref<16x128xf32, #tpu.memory_space<vmem_shared>>
    %dma_start3A_107 = arith.constant 0 : i32
    %dma_start3A_108 = tpu.memref_slice %arg37[%add3A_104, %dma_start3A_107] : memref<10240x128xf32, #tpu.memory_space<vmem_shared>> -> memref<16x128xf32, #tpu.memory_space<vmem_shared>>
    tpu.enqueue_dma source(%arg19 : memref<16x128xf32, #tpu.memory_space<vmem>>) target(%dma_start3A_108 : memref<16x128xf32, #tpu.memory_space<vmem_shared>>) target_semaphore(%arg33 : memref<!tpu.dma_semaphore, #tpu.memory_space<semaphore_mem>>)
    %add3A_109 = arith.constant 240 : i32
    %add3A_110 = arith.addi %mul3A_19, %add3A_109 : i32
    %dma_start3A_111 = arith.constant 0 : i32
    %dma_start3A_112 = tpu.memref_slice %arg37[%add3A_110, %dma_start3A_111] : memref<10240x128xf32, #tpu.memory_space<vmem_shared>> -> memref<16x128xf32, #tpu.memory_space<vmem_shared>>
    %dma_start3A_113 = arith.constant 0 : i32
    %dma_start3A_114 = tpu.memref_slice %arg37[%add3A_110, %dma_start3A_113] : memref<10240x128xf32, #tpu.memory_space<vmem_shared>> -> memref<16x128xf32, #tpu.memory_space<vmem_shared>>
    tpu.enqueue_dma source(%arg19 : memref<16x128xf32, #tpu.memory_space<vmem>>) target(%dma_start3A_114 : memref<16x128xf32, #tpu.memory_space<vmem_shared>>) target_semaphore(%arg33 : memref<!tpu.dma_semaphore, #tpu.memory_space<semaphore_mem>>)
    %add3A_115 = arith.constant 256 : i32
    %add3A_116 = arith.addi %mul3A_19, %add3A_115 : i32
    %dma_start3A_117 = arith.constant 0 : i32
    %dma_start3A_118 = tpu.memref_slice %arg37[%add3A_116, %dma_start3A_117] : memref<10240x128xf32, #tpu.memory_space<vmem_shared>> -> memref<16x128xf32, #tpu.memory_space<vmem_shared>>
    %dma_start3A_119 = arith.constant 0 : i32
    %dma_start3A_120 = tpu.memref_slice %arg37[%add3A_116, %dma_start3A_119] : memref<10240x128xf32, #tpu.memory_space<vmem_shared>> -> memref<16x128xf32, #tpu.memory_space<vmem_shared>>
    tpu.enqueue_dma source(%arg19 : memref<16x128xf32, #tpu.memory_space<vmem>>) target(%dma_start3A_120 : memref<16x128xf32, #tpu.memory_space<vmem_shared>>) target_semaphore(%arg33 : memref<!tpu.dma_semaphore, #tpu.memory_space<semaphore_mem>>)
    %add3A_121 = arith.constant 272 : i32
    %add3A_122 = arith.addi %mul3A_19, %add3A_121 : i32
    %dma_start3A_123 = arith.constant 0 : i32
    %dma_start3A_124 = tpu.memref_slice %arg37[%add3A_122, %dma_start3A_123] : memref<10240x128xf32, #tpu.memory_space<vmem_shared>> -> memref<16x128xf32, #tpu.memory_space<vmem_shared>>
    %dma_start3A_125 = arith.constant 0 : i32
    %dma_start3A_126 = tpu.memref_slice %arg37[%add3A_122, %dma_start3A_125] : memref<10240x128xf32, #tpu.memory_space<vmem_shared>> -> memref<16x128xf32, #tpu.memory_space<vmem_shared>>
    tpu.enqueue_dma source(%arg19 : memref<16x128xf32, #tpu.memory_space<vmem>>) target(%dma_start3A_126 : memref<16x128xf32, #tpu.memory_space<vmem_shared>>) target_semaphore(%arg33 : memref<!tpu.dma_semaphore, #tpu.memory_space<semaphore_mem>>)
    %add3A_127 = arith.constant 288 : i32
    %add3A_128 = arith.addi %mul3A_19, %add3A_127 : i32
    %dma_start3A_129 = arith.constant 0 : i32
    %dma_start3A_130 = tpu.memref_slice %arg37[%add3A_128, %dma_start3A_129] : memref<10240x128xf32, #tpu.memory_space<vmem_shared>> -> memref<16x128xf32, #tpu.memory_space<vmem_shared>>
    %dma_start3A_131 = arith.constant 0 : i32
    %dma_start3A_132 = tpu.memref_slice %arg37[%add3A_128, %dma_start3A_131] : memref<10240x128xf32, #tpu.memory_space<vmem_shared>> -> memref<16x128xf32, #tpu.memory_space<vmem_shared>>
    tpu.enqueue_dma source(%arg19 : memref<16x128xf32, #tpu.memory_space<vmem>>) target(%dma_start3A_132 : memref<16x128xf32, #tpu.memory_space<vmem_shared>>) target_semaphore(%arg33 : memref<!tpu.dma_semaphore, #tpu.memory_space<semaphore_mem>>)
    %add3A_133 = arith.constant 304 : i32
    %add3A_134 = arith.addi %mul3A_19, %add3A_133 : i32
    %dma_start3A_135 = arith.constant 0 : i32
    %dma_start3A_136 = tpu.memref_slice %arg37[%add3A_134, %dma_start3A_135] : memref<10240x128xf32, #tpu.memory_space<vmem_shared>> -> memref<16x128xf32, #tpu.memory_space<vmem_shared>>
    %dma_start3A_137 = arith.constant 0 : i32
    %dma_start3A_138 = tpu.memref_slice %arg37[%add3A_134, %dma_start3A_137] : memref<10240x128xf32, #tpu.memory_space<vmem_shared>> -> memref<16x128xf32, #tpu.memory_space<vmem_shared>>
    tpu.enqueue_dma source(%arg19 : memref<16x128xf32, #tpu.memory_space<vmem>>) target(%dma_start3A_138 : memref<16x128xf32, #tpu.memory_space<vmem_shared>>) target_semaphore(%arg33 : memref<!tpu.dma_semaphore, #tpu.memory_space<semaphore_mem>>)
    %add3A_139 = arith.constant 320 : i32
    %add3A_140 = arith.addi %mul3A_19, %add3A_139 : i32
    %dma_start3A_141 = arith.constant 0 : i32
    %dma_start3A_142 = tpu.memref_slice %arg37[%add3A_140, %dma_start3A_141] : memref<10240x128xf32, #tpu.memory_space<vmem_shared>> -> memref<16x128xf32, #tpu.memory_space<vmem_shared>>
    %dma_start3A_143 = arith.constant 0 : i32
    %dma_start3A_144 = tpu.memref_slice %arg37[%add3A_140, %dma_start3A_143] : memref<10240x128xf32, #tpu.memory_space<vmem_shared>> -> memref<16x128xf32, #tpu.memory_space<vmem_shared>>
    tpu.enqueue_dma source(%arg19 : memref<16x128xf32, #tpu.memory_space<vmem>>) target(%dma_start3A_144 : memref<16x128xf32, #tpu.memory_space<vmem_shared>>) target_semaphore(%arg33 : memref<!tpu.dma_semaphore, #tpu.memory_space<semaphore_mem>>)
    %add3A_145 = arith.constant 336 : i32
    %add3A_146 = arith.addi %mul3A_19, %add3A_145 : i32
    %dma_start3A_147 = arith.constant 0 : i32
    %dma_start3A_148 = tpu.memref_slice %arg37[%add3A_146, %dma_start3A_147] : memref<10240x128xf32, #tpu.memory_space<vmem_shared>> -> memref<16x128xf32, #tpu.memory_space<vmem_shared>>
    %dma_start3A_149 = arith.constant 0 : i32
    %dma_start3A_150 = tpu.memref_slice %arg37[%add3A_146, %dma_start3A_149] : memref<10240x128xf32, #tpu.memory_space<vmem_shared>> -> memref<16x128xf32, #tpu.memory_space<vmem_shared>>
    tpu.enqueue_dma source(%arg19 : memref<16x128xf32, #tpu.memory_space<vmem>>) target(%dma_start3A_150 : memref<16x128xf32, #tpu.memory_space<vmem_shared>>) target_semaphore(%arg33 : memref<!tpu.dma_semaphore, #tpu.memory_space<semaphore_mem>>)
    %add3A_151 = arith.constant 352 : i32
    %add3A_152 = arith.addi %mul3A_19, %add3A_151 : i32
    %dma_start3A_153 = arith.constant 0 : i32
    %dma_start3A_154 = tpu.memref_slice %arg37[%add3A_152, %dma_start3A_153] : memref<10240x128xf32, #tpu.memory_space<vmem_shared>> -> memref<16x128xf32, #tpu.memory_space<vmem_shared>>
    %dma_start3A_155 = arith.constant 0 : i32
    %dma_start3A_156 = tpu.memref_slice %arg37[%add3A_152, %dma_start3A_155] : memref<10240x128xf32, #tpu.memory_space<vmem_shared>> -> memref<16x128xf32, #tpu.memory_space<vmem_shared>>
    tpu.enqueue_dma source(%arg19 : memref<16x128xf32, #tpu.memory_space<vmem>>) target(%dma_start3A_156 : memref<16x128xf32, #tpu.memory_space<vmem_shared>>) target_semaphore(%arg33 : memref<!tpu.dma_semaphore, #tpu.memory_space<semaphore_mem>>)
    %add3A_157 = arith.constant 368 : i32
    %add3A_158 = arith.addi %mul3A_19, %add3A_157 : i32
    %dma_start3A_159 = arith.constant 0 : i32
    %dma_start3A_160 = tpu.memref_slice %arg37[%add3A_158, %dma_start3A_159] : memref<10240x128xf32, #tpu.memory_space<vmem_shared>> -> memref<16x128xf32, #tpu.memory_space<vmem_shared>>
    %dma_start3A_161 = arith.constant 0 : i32
    %dma_start3A_162 = tpu.memref_slice %arg37[%add3A_158, %dma_start3A_161] : memref<10240x128xf32, #tpu.memory_space<vmem_shared>> -> memref<16x128xf32, #tpu.memory_space<vmem_shared>>
    tpu.enqueue_dma source(%arg19 : memref<16x128xf32, #tpu.memory_space<vmem>>) target(%dma_start3A_162 : memref<16x128xf32, #tpu.memory_space<vmem_shared>>) target_semaphore(%arg33 : memref<!tpu.dma_semaphore, #tpu.memory_space<semaphore_mem>>)
    %add3A_163 = arith.constant 384 : i32
    %add3A_164 = arith.addi %mul3A_19, %add3A_163 : i32
    %dma_start3A_165 = arith.constant 0 : i32
    %dma_start3A_166 = tpu.memref_slice %arg37[%add3A_164, %dma_start3A_165] : memref<10240x128xf32, #tpu.memory_space<vmem_shared>> -> memref<16x128xf32, #tpu.memory_space<vmem_shared>>
    %dma_start3A_167 = arith.constant 0 : i32
    %dma_start3A_168 = tpu.memref_slice %arg37[%add3A_164, %dma_start3A_167] : memref<10240x128xf32, #tpu.memory_space<vmem_shared>> -> memref<16x128xf32, #tpu.memory_space<vmem_shared>>
    tpu.enqueue_dma source(%arg19 : memref<16x128xf32, #tpu.memory_space<vmem>>) target(%dma_start3A_168 : memref<16x128xf32, #tpu.memory_space<vmem_shared>>) target_semaphore(%arg33 : memref<!tpu.dma_semaphore, #tpu.memory_space<semaphore_mem>>)
    %add3A_169 = arith.constant 400 : i32
    %add3A_170 = arith.addi %mul3A_19, %add3A_169 : i32
    %dma_start3A_171 = arith.constant 0 : i32
    %dma_start3A_172 = tpu.memref_slice %arg37[%add3A_170, %dma_start3A_171] : memref<10240x128xf32, #tpu.memory_space<vmem_shared>> -> memref<16x128xf32, #tpu.memory_space<vmem_shared>>
    %dma_start3A_173 = arith.constant 0 : i32
    %dma_start3A_174 = tpu.memref_slice %arg37[%add3A_170, %dma_start3A_173] : memref<10240x128xf32, #tpu.memory_space<vmem_shared>> -> memref<16x128xf32, #tpu.memory_space<vmem_shared>>
    tpu.enqueue_dma source(%arg19 : memref<16x128xf32, #tpu.memory_space<vmem>>) target(%dma_start3A_174 : memref<16x128xf32, #tpu.memory_space<vmem_shared>>) target_semaphore(%arg33 : memref<!tpu.dma_semaphore, #tpu.memory_space<semaphore_mem>>)
    %add3A_175 = arith.constant 416 : i32
    %add3A_176 = arith.addi %mul3A_19, %add3A_175 : i32
    %dma_start3A_177 = arith.constant 0 : i32
    %dma_start3A_178 = tpu.memref_slice %arg37[%add3A_176, %dma_start3A_177] : memref<10240x128xf32, #tpu.memory_space<vmem_shared>> -> memref<16x128xf32, #tpu.memory_space<vmem_shared>>
    %dma_start3A_179 = arith.constant 0 : i32
    %dma_start3A_180 = tpu.memref_slice %arg37[%add3A_176, %dma_start3A_179] : memref<10240x128xf32, #tpu.memory_space<vmem_shared>> -> memref<16x128xf32, #tpu.memory_space<vmem_shared>>
    tpu.enqueue_dma source(%arg19 : memref<16x128xf32, #tpu.memory_space<vmem>>) target(%dma_start3A_180 : memref<16x128xf32, #tpu.memory_space<vmem_shared>>) target_semaphore(%arg33 : memref<!tpu.dma_semaphore, #tpu.memory_space<semaphore_mem>>)
    %add3A_181 = arith.constant 432 : i32
    %add3A_182 = arith.addi %mul3A_19, %add3A_181 : i32
    %dma_start3A_183 = arith.constant 0 : i32
    %dma_start3A_184 = tpu.memref_slice %arg37[%add3A_182, %dma_start3A_183] : memref<10240x128xf32, #tpu.memory_space<vmem_shared>> -> memref<16x128xf32, #tpu.memory_space<vmem_shared>>
    %dma_start3A_185 = arith.constant 0 : i32
    %dma_start3A_186 = tpu.memref_slice %arg37[%add3A_182, %dma_start3A_185] : memref<10240x128xf32, #tpu.memory_space<vmem_shared>> -> memref<16x128xf32, #tpu.memory_space<vmem_shared>>
    tpu.enqueue_dma source(%arg19 : memref<16x128xf32, #tpu.memory_space<vmem>>) target(%dma_start3A_186 : memref<16x128xf32, #tpu.memory_space<vmem_shared>>) target_semaphore(%arg33 : memref<!tpu.dma_semaphore, #tpu.memory_space<semaphore_mem>>)
    %add3A_187 = arith.constant 448 : i32
    %add3A_188 = arith.addi %mul3A_19, %add3A_187 : i32
    %dma_start3A_189 = arith.constant 0 : i32
    %dma_start3A_190 = tpu.memref_slice %arg37[%add3A_188, %dma_start3A_189] : memref<10240x128xf32, #tpu.memory_space<vmem_shared>> -> memref<16x128xf32, #tpu.memory_space<vmem_shared>>
    %dma_start3A_191 = arith.constant 0 : i32
    %dma_start3A_192 = tpu.memref_slice %arg37[%add3A_188, %dma_start3A_191] : memref<10240x128xf32, #tpu.memory_space<vmem_shared>> -> memref<16x128xf32, #tpu.memory_space<vmem_shared>>
    tpu.enqueue_dma source(%arg19 : memref<16x128xf32, #tpu.memory_space<vmem>>) target(%dma_start3A_192 : memref<16x128xf32, #tpu.memory_space<vmem_shared>>) target_semaphore(%arg33 : memref<!tpu.dma_semaphore, #tpu.memory_space<semaphore_mem>>)
    %add3A_193 = arith.constant 464 : i32
    %add3A_194 = arith.addi %mul3A_19, %add3A_193 : i32
    %dma_start3A_195 = arith.constant 0 : i32
    %dma_start3A_196 = tpu.memref_slice %arg37[%add3A_194, %dma_start3A_195] : memref<10240x128xf32, #tpu.memory_space<vmem_shared>> -> memref<16x128xf32, #tpu.memory_space<vmem_shared>>
    %dma_start3A_197 = arith.constant 0 : i32
    %dma_start3A_198 = tpu.memref_slice %arg37[%add3A_194, %dma_start3A_197] : memref<10240x128xf32, #tpu.memory_space<vmem_shared>> -> memref<16x128xf32, #tpu.memory_space<vmem_shared>>
    tpu.enqueue_dma source(%arg19 : memref<16x128xf32, #tpu.memory_space<vmem>>) target(%dma_start3A_198 : memref<16x128xf32, #tpu.memory_space<vmem_shared>>) target_semaphore(%arg33 : memref<!tpu.dma_semaphore, #tpu.memory_space<semaphore_mem>>)
    %add3A_199 = arith.constant 480 : i32
    %add3A_200 = arith.addi %mul3A_19, %add3A_199 : i32
    %dma_start3A_201 = arith.constant 0 : i32
    %dma_start3A_202 = tpu.memref_slice %arg37[%add3A_200, %dma_start3A_201] : memref<10240x128xf32, #tpu.memory_space<vmem_shared>> -> memref<16x128xf32, #tpu.memory_space<vmem_shared>>
    %dma_start3A_203 = arith.constant 0 : i32
    %dma_start3A_204 = tpu.memref_slice %arg37[%add3A_200, %dma_start3A_203] : memref<10240x128xf32, #tpu.memory_space<vmem_shared>> -> memref<16x128xf32, #tpu.memory_space<vmem_shared>>
    tpu.enqueue_dma source(%arg19 : memref<16x128xf32, #tpu.memory_space<vmem>>) target(%dma_start3A_204 : memref<16x128xf32, #tpu.memory_space<vmem_shared>>) target_semaphore(%arg33 : memref<!tpu.dma_semaphore, #tpu.memory_space<semaphore_mem>>)
    %add3A_205 = arith.constant 496 : i32
    %add3A_206 = arith.addi %mul3A_19, %add3A_205 : i32
    %dma_start3A_207 = arith.constant 0 : i32
    %dma_start3A_208 = tpu.memref_slice %arg37[%add3A_206, %dma_start3A_207] : memref<10240x128xf32, #tpu.memory_space<vmem_shared>> -> memref<16x128xf32, #tpu.memory_space<vmem_shared>>
    %dma_start3A_209 = arith.constant 0 : i32
    %dma_start3A_210 = tpu.memref_slice %arg37[%add3A_206, %dma_start3A_209] : memref<10240x128xf32, #tpu.memory_space<vmem_shared>> -> memref<16x128xf32, #tpu.memory_space<vmem_shared>>
    tpu.enqueue_dma source(%arg19 : memref<16x128xf32, #tpu.memory_space<vmem>>) target(%dma_start3A_210 : memref<16x128xf32, #tpu.memory_space<vmem_shared>>) target_semaphore(%arg33 : memref<!tpu.dma_semaphore, #tpu.memory_space<semaphore_mem>>)
    %add3A_211 = arith.constant 512 : i32
    %add3A_212 = arith.addi %mul3A_19, %add3A_211 : i32
    %dma_start3A_213 = arith.constant 0 : i32
    %dma_start3A_214 = tpu.memref_slice %arg37[%add3A_212, %dma_start3A_213] : memref<10240x128xf32, #tpu.memory_space<vmem_shared>> -> memref<16x128xf32, #tpu.memory_space<vmem_shared>>
    %dma_start3A_215 = arith.constant 0 : i32
    %dma_start3A_216 = tpu.memref_slice %arg37[%add3A_212, %dma_start3A_215] : memref<10240x128xf32, #tpu.memory_space<vmem_shared>> -> memref<16x128xf32, #tpu.memory_space<vmem_shared>>
    tpu.enqueue_dma source(%arg19 : memref<16x128xf32, #tpu.memory_space<vmem>>) target(%dma_start3A_216 : memref<16x128xf32, #tpu.memory_space<vmem_shared>>) target_semaphore(%arg33 : memref<!tpu.dma_semaphore, #tpu.memory_space<semaphore_mem>>)
    %add3A_217 = arith.constant 528 : i32
    %add3A_218 = arith.addi %mul3A_19, %add3A_217 : i32
    %dma_start3A_219 = arith.constant 0 : i32
    %dma_start3A_220 = tpu.memref_slice %arg37[%add3A_218, %dma_start3A_219] : memref<10240x128xf32, #tpu.memory_space<vmem_shared>> -> memref<16x128xf32, #tpu.memory_space<vmem_shared>>
    %dma_start3A_221 = arith.constant 0 : i32
    %dma_start3A_222 = tpu.memref_slice %arg37[%add3A_218, %dma_start3A_221] : memref<10240x128xf32, #tpu.memory_space<vmem_shared>> -> memref<16x128xf32, #tpu.memory_space<vmem_shared>>
    tpu.enqueue_dma source(%arg19 : memref<16x128xf32, #tpu.memory_space<vmem>>) target(%dma_start3A_222 : memref<16x128xf32, #tpu.memory_space<vmem_shared>>) target_semaphore(%arg33 : memref<!tpu.dma_semaphore, #tpu.memory_space<semaphore_mem>>)
    %add3A_223 = arith.constant 544 : i32
    %add3A_224 = arith.addi %mul3A_19, %add3A_223 : i32
    %dma_start3A_225 = arith.constant 0 : i32
    %dma_start3A_226 = tpu.memref_slice %arg37[%add3A_224, %dma_start3A_225] : memref<10240x128xf32, #tpu.memory_space<vmem_shared>> -> memref<16x128xf32, #tpu.memory_space<vmem_shared>>
    %dma_start3A_227 = arith.constant 0 : i32
    %dma_start3A_228 = tpu.memref_slice %arg37[%add3A_224, %dma_start3A_227] : memref<10240x128xf32, #tpu.memory_space<vmem_shared>> -> memref<16x128xf32, #tpu.memory_space<vmem_shared>>
    tpu.enqueue_dma source(%arg19 : memref<16x128xf32, #tpu.memory_space<vmem>>) target(%dma_start3A_228 : memref<16x128xf32, #tpu.memory_space<vmem_shared>>) target_semaphore(%arg33 : memref<!tpu.dma_semaphore, #tpu.memory_space<semaphore_mem>>)
    %add3A_229 = arith.constant 560 : i32
    %add3A_230 = arith.addi %mul3A_19, %add3A_229 : i32
    %dma_start3A_231 = arith.constant 0 : i32
    %dma_start3A_232 = tpu.memref_slice %arg37[%add3A_230, %dma_start3A_231] : memref<10240x128xf32, #tpu.memory_space<vmem_shared>> -> memref<16x128xf32, #tpu.memory_space<vmem_shared>>
    %dma_start3A_233 = arith.constant 0 : i32
    %dma_start3A_234 = tpu.memref_slice %arg37[%add3A_230, %dma_start3A_233] : memref<10240x128xf32, #tpu.memory_space<vmem_shared>> -> memref<16x128xf32, #tpu.memory_space<vmem_shared>>
    tpu.enqueue_dma source(%arg19 : memref<16x128xf32, #tpu.memory_space<vmem>>) target(%dma_start3A_234 : memref<16x128xf32, #tpu.memory_space<vmem_shared>>) target_semaphore(%arg33 : memref<!tpu.dma_semaphore, #tpu.memory_space<semaphore_mem>>)
    %add3A_235 = arith.constant 576 : i32
    %add3A_236 = arith.addi %mul3A_19, %add3A_235 : i32
    %dma_start3A_237 = arith.constant 0 : i32
    %dma_start3A_238 = tpu.memref_slice %arg37[%add3A_236, %dma_start3A_237] : memref<10240x128xf32, #tpu.memory_space<vmem_shared>> -> memref<16x128xf32, #tpu.memory_space<vmem_shared>>
    %dma_start3A_239 = arith.constant 0 : i32
    %dma_start3A_240 = tpu.memref_slice %arg37[%add3A_236, %dma_start3A_239] : memref<10240x128xf32, #tpu.memory_space<vmem_shared>> -> memref<16x128xf32, #tpu.memory_space<vmem_shared>>
    tpu.enqueue_dma source(%arg19 : memref<16x128xf32, #tpu.memory_space<vmem>>) target(%dma_start3A_240 : memref<16x128xf32, #tpu.memory_space<vmem_shared>>) target_semaphore(%arg33 : memref<!tpu.dma_semaphore, #tpu.memory_space<semaphore_mem>>)
    %add3A_241 = arith.constant 592 : i32
    %add3A_242 = arith.addi %mul3A_19, %add3A_241 : i32
    %dma_start3A_243 = arith.constant 0 : i32
    %dma_start3A_244 = tpu.memref_slice %arg37[%add3A_242, %dma_start3A_243] : memref<10240x128xf32, #tpu.memory_space<vmem_shared>> -> memref<16x128xf32, #tpu.memory_space<vmem_shared>>
    %dma_start3A_245 = arith.constant 0 : i32
    %dma_start3A_246 = tpu.memref_slice %arg37[%add3A_242, %dma_start3A_245] : memref<10240x128xf32, #tpu.memory_space<vmem_shared>> -> memref<16x128xf32, #tpu.memory_space<vmem_shared>>
    tpu.enqueue_dma source(%arg19 : memref<16x128xf32, #tpu.memory_space<vmem>>) target(%dma_start3A_246 : memref<16x128xf32, #tpu.memory_space<vmem_shared>>) target_semaphore(%arg33 : memref<!tpu.dma_semaphore, #tpu.memory_space<semaphore_mem>>)
    %add3A_247 = arith.constant 608 : i32
    %add3A_248 = arith.addi %mul3A_19, %add3A_247 : i32
    %dma_start3A_249 = arith.constant 0 : i32
    %dma_start3A_250 = tpu.memref_slice %arg37[%add3A_248, %dma_start3A_249] : memref<10240x128xf32, #tpu.memory_space<vmem_shared>> -> memref<16x128xf32, #tpu.memory_space<vmem_shared>>
    %dma_start3A_251 = arith.constant 0 : i32
    %dma_start3A_252 = tpu.memref_slice %arg37[%add3A_248, %dma_start3A_251] : memref<10240x128xf32, #tpu.memory_space<vmem_shared>> -> memref<16x128xf32, #tpu.memory_space<vmem_shared>>
    tpu.enqueue_dma source(%arg19 : memref<16x128xf32, #tpu.memory_space<vmem>>) target(%dma_start3A_252 : memref<16x128xf32, #tpu.memory_space<vmem_shared>>) target_semaphore(%arg33 : memref<!tpu.dma_semaphore, #tpu.memory_space<semaphore_mem>>)
    %add3A_253 = arith.constant 624 : i32
    %add3A_254 = arith.addi %mul3A_19, %add3A_253 : i32
    %dma_start3A_255 = arith.constant 0 : i32
    %dma_start3A_256 = tpu.memref_slice %arg37[%add3A_254, %dma_start3A_255] : memref<10240x128xf32, #tpu.memory_space<vmem_shared>> -> memref<16x128xf32, #tpu.memory_space<vmem_shared>>
    %dma_start3A_257 = arith.constant 0 : i32
    %dma_start3A_258 = tpu.memref_slice %arg37[%add3A_254, %dma_start3A_257] : memref<10240x128xf32, #tpu.memory_space<vmem_shared>> -> memref<16x128xf32, #tpu.memory_space<vmem_shared>>
    tpu.enqueue_dma source(%arg19 : memref<16x128xf32, #tpu.memory_space<vmem>>) target(%dma_start3A_258 : memref<16x128xf32, #tpu.memory_space<vmem_shared>>) target_semaphore(%arg33 : memref<!tpu.dma_semaphore, #tpu.memory_space<semaphore_mem>>)
    %dma_wait3A = arith.constant 0 : i32
    %dma_wait3A_259 = tpu.memref_slice %arg37[%mul3A_19, %dma_wait3A] : memref<10240x128xf32, #tpu.memory_space<vmem_shared>> -> memref<16x128xf32, #tpu.memory_space<vmem_shared>>
    %dma_wait3A_260 = arith.constant 0 : i32
    %dma_wait3A_261 = tpu.memref_slice %arg37[%mul3A_19, %dma_wait3A_260] : memref<10240x128xf32, #tpu.memory_space<vmem_shared>> -> memref<16x128xf32, #tpu.memory_space<vmem_shared>>
    tpu.wait_dma2 semaphore(%arg33 : memref<!tpu.dma_semaphore, #tpu.memory_space<semaphore_mem>>) src(%arg19 : memref<16x128xf32, #tpu.memory_space<vmem>>) dst(%dma_wait3A_261 : memref<16x128xf32, #tpu.memory_space<vmem_shared>>)
    %dma_wait3A_262 = arith.constant 0 : i32
    %dma_wait3A_263 = tpu.memref_slice %arg37[%mul3A_19, %dma_wait3A_262] : memref<10240x128xf32, #tpu.memory_space<vmem_shared>> -> memref<16x128xf32, #tpu.memory_space<vmem_shared>>
    %dma_wait3A_264 = arith.constant 0 : i32
    %dma_wait3A_265 = tpu.memref_slice %arg37[%mul3A_19, %dma_wait3A_264] : memref<10240x128xf32, #tpu.memory_space<vmem_shared>> -> memref<16x128xf32, #tpu.memory_space<vmem_shared>>
    tpu.wait_dma2 semaphore(%arg33 : memref<!tpu.dma_semaphore, #tpu.memory_space<semaphore_mem>>) src(%arg19 : memref<16x128xf32, #tpu.memory_space<vmem>>) dst(%dma_wait3A_265 : memref<16x128xf32, #tpu.memory_space<vmem_shared>>)
    %dma_wait3A_266 = arith.constant 0 : i32
    %dma_wait3A_267 = tpu.memref_slice %arg37[%mul3A_19, %dma_wait3A_266] : memref<10240x128xf32, #tpu.memory_space<vmem_shared>> -> memref<16x128xf32, #tpu.memory_space<vmem_shared>>
    %dma_wait3A_268 = arith.constant 0 : i32
    %dma_wait3A_269 = tpu.memref_slice %arg37[%mul3A_19, %dma_wait3A_268] : memref<10240x128xf32, #tpu.memory_space<vmem_shared>> -> memref<16x128xf32, #tpu.memory_space<vmem_shared>>
    tpu.wait_dma2 semaphore(%arg33 : memref<!tpu.dma_semaphore, #tpu.memory_space<semaphore_mem>>) src(%arg19 : memref<16x128xf32, #tpu.memory_space<vmem>>) dst(%dma_wait3A_269 : memref<16x128xf32, #tpu.memory_space<vmem_shared>>)
    %dma_wait3A_270 = arith.constant 0 : i32
    %dma_wait3A_271 = tpu.memref_slice %arg37[%mul3A_19, %dma_wait3A_270] : memref<10240x128xf32, #tpu.memory_space<vmem_shared>> -> memref<16x128xf32, #tpu.memory_space<vmem_shared>>
    %dma_wait3A_272 = arith.constant 0 : i32
    %dma_wait3A_273 = tpu.memref_slice %arg37[%mul3A_19, %dma_wait3A_272] : memref<10240x128xf32, #tpu.memory_space<vmem_shared>> -> memref<16x128xf32, #tpu.memory_space<vmem_shared>>
    tpu.wait_dma2 semaphore(%arg33 : memref<!tpu.dma_semaphore, #tpu.memory_space<semaphore_mem>>) src(%arg19 : memref<16x128xf32, #tpu.memory_space<vmem>>) dst(%dma_wait3A_273 : memref<16x128xf32, #tpu.memory_space<vmem_shared>>)
    %dma_wait3A_274 = arith.constant 0 : i32
    %dma_wait3A_275 = tpu.memref_slice %arg37[%mul3A_19, %dma_wait3A_274] : memref<10240x128xf32, #tpu.memory_space<vmem_shared>> -> memref<16x128xf32, #tpu.memory_space<vmem_shared>>
    %dma_wait3A_276 = arith.constant 0 : i32
    %dma_wait3A_277 = tpu.memref_slice %arg37[%mul3A_19, %dma_wait3A_276] : memref<10240x128xf32, #tpu.memory_space<vmem_shared>> -> memref<16x128xf32, #tpu.memory_space<vmem_shared>>
    tpu.wait_dma2 semaphore(%arg33 : memref<!tpu.dma_semaphore, #tpu.memory_space<semaphore_mem>>) src(%arg19 : memref<16x128xf32, #tpu.memory_space<vmem>>) dst(%dma_wait3A_277 : memref<16x128xf32, #tpu.memory_space<vmem_shared>>)
    %dma_wait3A_278 = arith.constant 0 : i32
    %dma_wait3A_279 = tpu.memref_slice %arg37[%mul3A_19, %dma_wait3A_278] : memref<10240x128xf32, #tpu.memory_space<vmem_shared>> -> memref<16x128xf32, #tpu.memory_space<vmem_shared>>
    %dma_wait3A_280 = arith.constant 0 : i32
    %dma_wait3A_281 = tpu.memref_slice %arg37[%mul3A_19, %dma_wait3A_280] : memref<10240x128xf32, #tpu.memory_space<vmem_shared>> -> memref<16x128xf32, #tpu.memory_space<vmem_shared>>
    tpu.wait_dma2 semaphore(%arg33 : memref<!tpu.dma_semaphore, #tpu.memory_space<semaphore_mem>>) src(%arg19 : memref<16x128xf32, #tpu.memory_space<vmem>>) dst(%dma_wait3A_281 : memref<16x128xf32, #tpu.memory_space<vmem_shared>>)
    %dma_wait3A_282 = arith.constant 0 : i32
    %dma_wait3A_283 = tpu.memref_slice %arg37[%mul3A_19, %dma_wait3A_282] : memref<10240x128xf32, #tpu.memory_space<vmem_shared>> -> memref<16x128xf32, #tpu.memory_space<vmem_shared>>
    %dma_wait3A_284 = arith.constant 0 : i32
    %dma_wait3A_285 = tpu.memref_slice %arg37[%mul3A_19, %dma_wait3A_284] : memref<10240x128xf32, #tpu.memory_space<vmem_shared>> -> memref<16x128xf32, #tpu.memory_space<vmem_shared>>
    tpu.wait_dma2 semaphore(%arg33 : memref<!tpu.dma_semaphore, #tpu.memory_space<semaphore_mem>>) src(%arg19 : memref<16x128xf32, #tpu.memory_space<vmem>>) dst(%dma_wait3A_285 : memref<16x128xf32, #tpu.memory_space<vmem_shared>>)
    %dma_wait3A_286 = arith.constant 0 : i32
    %dma_wait3A_287 = tpu.memref_slice %arg37[%mul3A_19, %dma_wait3A_286] : memref<10240x128xf32, #tpu.memory_space<vmem_shared>> -> memref<16x128xf32, #tpu.memory_space<vmem_shared>>
    %dma_wait3A_288 = arith.constant 0 : i32
    %dma_wait3A_289 = tpu.memref_slice %arg37[%mul3A_19, %dma_wait3A_288] : memref<10240x128xf32, #tpu.memory_space<vmem_shared>> -> memref<16x128xf32, #tpu.memory_space<vmem_shared>>
    tpu.wait_dma2 semaphore(%arg33 : memref<!tpu.dma_semaphore, #tpu.memory_space<semaphore_mem>>) src(%arg19 : memref<16x128xf32, #tpu.memory_space<vmem>>) dst(%dma_wait3A_289 : memref<16x128xf32, #tpu.memory_space<vmem_shared>>)
    %dma_wait3A_290 = arith.constant 0 : i32
    %dma_wait3A_291 = tpu.memref_slice %arg37[%mul3A_19, %dma_wait3A_290] : memref<10240x128xf32, #tpu.memory_space<vmem_shared>> -> memref<16x128xf32, #tpu.memory_space<vmem_shared>>
    %dma_wait3A_292 = arith.constant 0 : i32
    %dma_wait3A_293 = tpu.memref_slice %arg37[%mul3A_19, %dma_wait3A_292] : memref<10240x128xf32, #tpu.memory_space<vmem_shared>> -> memref<16x128xf32, #tpu.memory_space<vmem_shared>>
    tpu.wait_dma2 semaphore(%arg33 : memref<!tpu.dma_semaphore, #tpu.memory_space<semaphore_mem>>) src(%arg19 : memref<16x128xf32, #tpu.memory_space<vmem>>) dst(%dma_wait3A_293 : memref<16x128xf32, #tpu.memory_space<vmem_shared>>)
    %dma_wait3A_294 = arith.constant 0 : i32
    %dma_wait3A_295 = tpu.memref_slice %arg37[%mul3A_19, %dma_wait3A_294] : memref<10240x128xf32, #tpu.memory_space<vmem_shared>> -> memref<16x128xf32, #tpu.memory_space<vmem_shared>>
    %dma_wait3A_296 = arith.constant 0 : i32
    %dma_wait3A_297 = tpu.memref_slice %arg37[%mul3A_19, %dma_wait3A_296] : memref<10240x128xf32, #tpu.memory_space<vmem_shared>> -> memref<16x128xf32, #tpu.memory_space<vmem_shared>>
    tpu.wait_dma2 semaphore(%arg33 : memref<!tpu.dma_semaphore, #tpu.memory_space<semaphore_mem>>) src(%arg19 : memref<16x128xf32, #tpu.memory_space<vmem>>) dst(%dma_wait3A_297 : memref<16x128xf32, #tpu.memory_space<vmem_shared>>)
    %dma_wait3A_298 = arith.constant 0 : i32
    %dma_wait3A_299 = tpu.memref_slice %arg37[%mul3A_19, %dma_wait3A_298] : memref<10240x128xf32, #tpu.memory_space<vmem_shared>> -> memref<16x128xf32, #tpu.memory_space<vmem_shared>>
    %dma_wait3A_300 = arith.constant 0 : i32
    %dma_wait3A_301 = tpu.memref_slice %arg37[%mul3A_19, %dma_wait3A_300] : memref<10240x128xf32, #tpu.memory_space<vmem_shared>> -> memref<16x128xf32, #tpu.memory_space<vmem_shared>>
    tpu.wait_dma2 semaphore(%arg33 : memref<!tpu.dma_semaphore, #tpu.memory_space<semaphore_mem>>) src(%arg19 : memref<16x128xf32, #tpu.memory_space<vmem>>) dst(%dma_wait3A_301 : memref<16x128xf32, #tpu.memory_space<vmem_shared>>)
    %dma_wait3A_302 = arith.constant 0 : i32
    %dma_wait3A_303 = tpu.memref_slice %arg37[%mul3A_19, %dma_wait3A_302] : memref<10240x128xf32, #tpu.memory_space<vmem_shared>> -> memref<16x128xf32, #tpu.memory_space<vmem_shared>>
    %dma_wait3A_304 = arith.constant 0 : i32
    %dma_wait3A_305 = tpu.memref_slice %arg37[%mul3A_19, %dma_wait3A_304] : memref<10240x128xf32, #tpu.memory_space<vmem_shared>> -> memref<16x128xf32, #tpu.memory_space<vmem_shared>>
    tpu.wait_dma2 semaphore(%arg33 : memref<!tpu.dma_semaphore, #tpu.memory_space<semaphore_mem>>) src(%arg19 : memref<16x128xf32, #tpu.memory_space<vmem>>) dst(%dma_wait3A_305 : memref<16x128xf32, #tpu.memory_space<vmem_shared>>)
    %dma_wait3A_306 = arith.constant 0 : i32
    %dma_wait3A_307 = tpu.memref_slice %arg37[%mul3A_19, %dma_wait3A_306] : memref<10240x128xf32, #tpu.memory_space<vmem_shared>> -> memref<16x128xf32, #tpu.memory_space<vmem_shared>>
    %dma_wait3A_308 = arith.constant 0 : i32
    %dma_wait3A_309 = tpu.memref_slice %arg37[%mul3A_19, %dma_wait3A_308] : memref<10240x128xf32, #tpu.memory_space<vmem_shared>> -> memref<16x128xf32, #tpu.memory_space<vmem_shared>>
    tpu.wait_dma2 semaphore(%arg33 : memref<!tpu.dma_semaphore, #tpu.memory_space<semaphore_mem>>) src(%arg19 : memref<16x128xf32, #tpu.memory_space<vmem>>) dst(%dma_wait3A_309 : memref<16x128xf32, #tpu.memory_space<vmem_shared>>)
    %dma_wait3A_310 = arith.constant 0 : i32
    %dma_wait3A_311 = tpu.memref_slice %arg37[%mul3A_19, %dma_wait3A_310] : memref<10240x128xf32, #tpu.memory_space<vmem_shared>> -> memref<16x128xf32, #tpu.memory_space<vmem_shared>>
    %dma_wait3A_312 = arith.constant 0 : i32
    %dma_wait3A_313 = tpu.memref_slice %arg37[%mul3A_19, %dma_wait3A_312] : memref<10240x128xf32, #tpu.memory_space<vmem_shared>> -> memref<16x128xf32, #tpu.memory_space<vmem_shared>>
    tpu.wait_dma2 semaphore(%arg33 : memref<!tpu.dma_semaphore, #tpu.memory_space<semaphore_mem>>) src(%arg19 : memref<16x128xf32, #tpu.memory_space<vmem>>) dst(%dma_wait3A_313 : memref<16x128xf32, #tpu.memory_space<vmem_shared>>)
    %dma_wait3A_314 = arith.constant 0 : i32
    %dma_wait3A_315 = tpu.memref_slice %arg37[%mul3A_19, %dma_wait3A_314] : memref<10240x128xf32, #tpu.memory_space<vmem_shared>> -> memref<16x128xf32, #tpu.memory_space<vmem_shared>>
    %dma_wait3A_316 = arith.constant 0 : i32
    %dma_wait3A_317 = tpu.memref_slice %arg37[%mul3A_19, %dma_wait3A_316] : memref<10240x128xf32, #tpu.memory_space<vmem_shared>> -> memref<16x128xf32, #tpu.memory_space<vmem_shared>>
    tpu.wait_dma2 semaphore(%arg33 : memref<!tpu.dma_semaphore, #tpu.memory_space<semaphore_mem>>) src(%arg19 : memref<16x128xf32, #tpu.memory_space<vmem>>) dst(%dma_wait3A_317 : memref<16x128xf32, #tpu.memory_space<vmem_shared>>)
    %dma_wait3A_318 = arith.constant 0 : i32
    %dma_wait3A_319 = tpu.memref_slice %arg37[%mul3A_19, %dma_wait3A_318] : memref<10240x128xf32, #tpu.memory_space<vmem_shared>> -> memref<16x128xf32, #tpu.memory_space<vmem_shared>>
    %dma_wait3A_320 = arith.constant 0 : i32
    %dma_wait3A_321 = tpu.memref_slice %arg37[%mul3A_19, %dma_wait3A_320] : memref<10240x128xf32, #tpu.memory_space<vmem_shared>> -> memref<16x128xf32, #tpu.memory_space<vmem_shared>>
    tpu.wait_dma2 semaphore(%arg33 : memref<!tpu.dma_semaphore, #tpu.memory_space<semaphore_mem>>) src(%arg19 : memref<16x128xf32, #tpu.memory_space<vmem>>) dst(%dma_wait3A_321 : memref<16x128xf32, #tpu.memory_space<vmem_shared>>)
    %dma_wait3A_322 = arith.constant 0 : i32
    %dma_wait3A_323 = tpu.memref_slice %arg37[%mul3A_19, %dma_wait3A_322] : memref<10240x128xf32, #tpu.memory_space<vmem_shared>> -> memref<16x128xf32, #tpu.memory_space<vmem_shared>>
    %dma_wait3A_324 = arith.constant 0 : i32
    %dma_wait3A_325 = tpu.memref_slice %arg37[%mul3A_19, %dma_wait3A_324] : memref<10240x128xf32, #tpu.memory_space<vmem_shared>> -> memref<16x128xf32, #tpu.memory_space<vmem_shared>>
    tpu.wait_dma2 semaphore(%arg33 : memref<!tpu.dma_semaphore, #tpu.memory_space<semaphore_mem>>) src(%arg19 : memref<16x128xf32, #tpu.memory_space<vmem>>) dst(%dma_wait3A_325 : memref<16x128xf32, #tpu.memory_space<vmem_shared>>)
    %dma_wait3A_326 = arith.constant 0 : i32
    %dma_wait3A_327 = tpu.memref_slice %arg37[%mul3A_19, %dma_wait3A_326] : memref<10240x128xf32, #tpu.memory_space<vmem_shared>> -> memref<16x128xf32, #tpu.memory_space<vmem_shared>>
    %dma_wait3A_328 = arith.constant 0 : i32
    %dma_wait3A_329 = tpu.memref_slice %arg37[%mul3A_19, %dma_wait3A_328] : memref<10240x128xf32, #tpu.memory_space<vmem_shared>> -> memref<16x128xf32, #tpu.memory_space<vmem_shared>>
    tpu.wait_dma2 semaphore(%arg33 : memref<!tpu.dma_semaphore, #tpu.memory_space<semaphore_mem>>) src(%arg19 : memref<16x128xf32, #tpu.memory_space<vmem>>) dst(%dma_wait3A_329 : memref<16x128xf32, #tpu.memory_space<vmem_shared>>)
    %dma_wait3A_330 = arith.constant 0 : i32
    %dma_wait3A_331 = tpu.memref_slice %arg37[%mul3A_19, %dma_wait3A_330] : memref<10240x128xf32, #tpu.memory_space<vmem_shared>> -> memref<16x128xf32, #tpu.memory_space<vmem_shared>>
    %dma_wait3A_332 = arith.constant 0 : i32
    %dma_wait3A_333 = tpu.memref_slice %arg37[%mul3A_19, %dma_wait3A_332] : memref<10240x128xf32, #tpu.memory_space<vmem_shared>> -> memref<16x128xf32, #tpu.memory_space<vmem_shared>>
    tpu.wait_dma2 semaphore(%arg33 : memref<!tpu.dma_semaphore, #tpu.memory_space<semaphore_mem>>) src(%arg19 : memref<16x128xf32, #tpu.memory_space<vmem>>) dst(%dma_wait3A_333 : memref<16x128xf32, #tpu.memory_space<vmem_shared>>)
    %dma_wait3A_334 = arith.constant 0 : i32
    %dma_wait3A_335 = tpu.memref_slice %arg37[%mul3A_19, %dma_wait3A_334] : memref<10240x128xf32, #tpu.memory_space<vmem_shared>> -> memref<16x128xf32, #tpu.memory_space<vmem_shared>>
    %dma_wait3A_336 = arith.constant 0 : i32
    %dma_wait3A_337 = tpu.memref_slice %arg37[%mul3A_19, %dma_wait3A_336] : memref<10240x128xf32, #tpu.memory_space<vmem_shared>> -> memref<16x128xf32, #tpu.memory_space<vmem_shared>>
    tpu.wait_dma2 semaphore(%arg33 : memref<!tpu.dma_semaphore, #tpu.memory_space<semaphore_mem>>) src(%arg19 : memref<16x128xf32, #tpu.memory_space<vmem>>) dst(%dma_wait3A_337 : memref<16x128xf32, #tpu.memory_space<vmem_shared>>)
    %dma_wait3A_338 = arith.constant 0 : i32
    %dma_wait3A_339 = tpu.memref_slice %arg37[%mul3A_19, %dma_wait3A_338] : memref<10240x128xf32, #tpu.memory_space<vmem_shared>> -> memref<16x128xf32, #tpu.memory_space<vmem_shared>>
    %dma_wait3A_340 = arith.constant 0 : i32
    %dma_wait3A_341 = tpu.memref_slice %arg37[%mul3A_19, %dma_wait3A_340] : memref<10240x128xf32, #tpu.memory_space<vmem_shared>> -> memref<16x128xf32, #tpu.memory_space<vmem_shared>>
    tpu.wait_dma2 semaphore(%arg33 : memref<!tpu.dma_semaphore, #tpu.memory_space<semaphore_mem>>) src(%arg19 : memref<16x128xf32, #tpu.memory_space<vmem>>) dst(%dma_wait3A_341 : memref<16x128xf32, #tpu.memory_space<vmem_shared>>)
    %dma_wait3A_342 = arith.constant 0 : i32
    %dma_wait3A_343 = tpu.memref_slice %arg37[%mul3A_19, %dma_wait3A_342] : memref<10240x128xf32, #tpu.memory_space<vmem_shared>> -> memref<16x128xf32, #tpu.memory_space<vmem_shared>>
    %dma_wait3A_344 = arith.constant 0 : i32
    %dma_wait3A_345 = tpu.memref_slice %arg37[%mul3A_19, %dma_wait3A_344] : memref<10240x128xf32, #tpu.memory_space<vmem_shared>> -> memref<16x128xf32, #tpu.memory_space<vmem_shared>>
    tpu.wait_dma2 semaphore(%arg33 : memref<!tpu.dma_semaphore, #tpu.memory_space<semaphore_mem>>) src(%arg19 : memref<16x128xf32, #tpu.memory_space<vmem>>) dst(%dma_wait3A_345 : memref<16x128xf32, #tpu.memory_space<vmem_shared>>)
    %dma_wait3A_346 = arith.constant 0 : i32
    %dma_wait3A_347 = tpu.memref_slice %arg37[%mul3A_19, %dma_wait3A_346] : memref<10240x128xf32, #tpu.memory_space<vmem_shared>> -> memref<16x128xf32, #tpu.memory_space<vmem_shared>>
    %dma_wait3A_348 = arith.constant 0 : i32
    %dma_wait3A_349 = tpu.memref_slice %arg37[%mul3A_19, %dma_wait3A_348] : memref<10240x128xf32, #tpu.memory_space<vmem_shared>> -> memref<16x128xf32, #tpu.memory_space<vmem_shared>>
    tpu.wait_dma2 semaphore(%arg33 : memref<!tpu.dma_semaphore, #tpu.memory_space<semaphore_mem>>) src(%arg19 : memref<16x128xf32, #tpu.memory_space<vmem>>) dst(%dma_wait3A_349 : memref<16x128xf32, #tpu.memory_space<vmem_shared>>)
    %dma_wait3A_350 = arith.constant 0 : i32
    %dma_wait3A_351 = tpu.memref_slice %arg37[%mul3A_19, %dma_wait3A_350] : memref<10240x128xf32, #tpu.memory_space<vmem_shared>> -> memref<16x128xf32, #tpu.memory_space<vmem_shared>>
    %dma_wait3A_352 = arith.constant 0 : i32
    %dma_wait3A_353 = tpu.memref_slice %arg37[%mul3A_19, %dma_wait3A_352] : memref<10240x128xf32, #tpu.memory_space<vmem_shared>> -> memref<16x128xf32, #tpu.memory_space<vmem_shared>>
    tpu.wait_dma2 semaphore(%arg33 : memref<!tpu.dma_semaphore, #tpu.memory_space<semaphore_mem>>) src(%arg19 : memref<16x128xf32, #tpu.memory_space<vmem>>) dst(%dma_wait3A_353 : memref<16x128xf32, #tpu.memory_space<vmem_shared>>)
    %dma_wait3A_354 = arith.constant 0 : i32
    %dma_wait3A_355 = tpu.memref_slice %arg37[%mul3A_19, %dma_wait3A_354] : memref<10240x128xf32, #tpu.memory_space<vmem_shared>> -> memref<16x128xf32, #tpu.memory_space<vmem_shared>>
    %dma_wait3A_356 = arith.constant 0 : i32
    %dma_wait3A_357 = tpu.memref_slice %arg37[%mul3A_19, %dma_wait3A_356] : memref<10240x128xf32, #tpu.memory_space<vmem_shared>> -> memref<16x128xf32, #tpu.memory_space<vmem_shared>>
    tpu.wait_dma2 semaphore(%arg33 : memref<!tpu.dma_semaphore, #tpu.memory_space<semaphore_mem>>) src(%arg19 : memref<16x128xf32, #tpu.memory_space<vmem>>) dst(%dma_wait3A_357 : memref<16x128xf32, #tpu.memory_space<vmem_shared>>)
    %dma_wait3A_358 = arith.constant 0 : i32
    %dma_wait3A_359 = tpu.memref_slice %arg37[%mul3A_19, %dma_wait3A_358] : memref<10240x128xf32, #tpu.memory_space<vmem_shared>> -> memref<16x128xf32, #tpu.memory_space<vmem_shared>>
    %dma_wait3A_360 = arith.constant 0 : i32
    %dma_wait3A_361 = tpu.memref_slice %arg37[%mul3A_19, %dma_wait3A_360] : memref<10240x128xf32, #tpu.memory_space<vmem_shared>> -> memref<16x128xf32, #tpu.memory_space<vmem_shared>>
    tpu.wait_dma2 semaphore(%arg33 : memref<!tpu.dma_semaphore, #tpu.memory_space<semaphore_mem>>) src(%arg19 : memref<16x128xf32, #tpu.memory_space<vmem>>) dst(%dma_wait3A_361 : memref<16x128xf32, #tpu.memory_space<vmem_shared>>)
    %dma_wait3A_362 = arith.constant 0 : i32
    %dma_wait3A_363 = tpu.memref_slice %arg37[%mul3A_19, %dma_wait3A_362] : memref<10240x128xf32, #tpu.memory_space<vmem_shared>> -> memref<16x128xf32, #tpu.memory_space<vmem_shared>>
    %dma_wait3A_364 = arith.constant 0 : i32
    %dma_wait3A_365 = tpu.memref_slice %arg37[%mul3A_19, %dma_wait3A_364] : memref<10240x128xf32, #tpu.memory_space<vmem_shared>> -> memref<16x128xf32, #tpu.memory_space<vmem_shared>>
    tpu.wait_dma2 semaphore(%arg33 : memref<!tpu.dma_semaphore, #tpu.memory_space<semaphore_mem>>) src(%arg19 : memref<16x128xf32, #tpu.memory_space<vmem>>) dst(%dma_wait3A_365 : memref<16x128xf32, #tpu.memory_space<vmem_shared>>)
    %dma_wait3A_366 = arith.constant 0 : i32
    %dma_wait3A_367 = tpu.memref_slice %arg37[%mul3A_19, %dma_wait3A_366] : memref<10240x128xf32, #tpu.memory_space<vmem_shared>> -> memref<16x128xf32, #tpu.memory_space<vmem_shared>>
    %dma_wait3A_368 = arith.constant 0 : i32
    %dma_wait3A_369 = tpu.memref_slice %arg37[%mul3A_19, %dma_wait3A_368] : memref<10240x128xf32, #tpu.memory_space<vmem_shared>> -> memref<16x128xf32, #tpu.memory_space<vmem_shared>>
    tpu.wait_dma2 semaphore(%arg33 : memref<!tpu.dma_semaphore, #tpu.memory_space<semaphore_mem>>) src(%arg19 : memref<16x128xf32, #tpu.memory_space<vmem>>) dst(%dma_wait3A_369 : memref<16x128xf32, #tpu.memory_space<vmem_shared>>)
    %dma_wait3A_370 = arith.constant 0 : i32
    %dma_wait3A_371 = tpu.memref_slice %arg37[%mul3A_19, %dma_wait3A_370] : memref<10240x128xf32, #tpu.memory_space<vmem_shared>> -> memref<16x128xf32, #tpu.memory_space<vmem_shared>>
    %dma_wait3A_372 = arith.constant 0 : i32
    %dma_wait3A_373 = tpu.memref_slice %arg37[%mul3A_19, %dma_wait3A_372] : memref<10240x128xf32, #tpu.memory_space<vmem_shared>> -> memref<16x128xf32, #tpu.memory_space<vmem_shared>>
    tpu.wait_dma2 semaphore(%arg33 : memref<!tpu.dma_semaphore, #tpu.memory_space<semaphore_mem>>) src(%arg19 : memref<16x128xf32, #tpu.memory_space<vmem>>) dst(%dma_wait3A_373 : memref<16x128xf32, #tpu.memory_space<vmem_shared>>)
    %dma_wait3A_374 = arith.constant 0 : i32
    %dma_wait3A_375 = tpu.memref_slice %arg37[%mul3A_19, %dma_wait3A_374] : memref<10240x128xf32, #tpu.memory_space<vmem_shared>> -> memref<16x128xf32, #tpu.memory_space<vmem_shared>>
    %dma_wait3A_376 = arith.constant 0 : i32
    %dma_wait3A_377 = tpu.memref_slice %arg37[%mul3A_19, %dma_wait3A_376] : memref<10240x128xf32, #tpu.memory_space<vmem_shared>> -> memref<16x128xf32, #tpu.memory_space<vmem_shared>>
    tpu.wait_dma2 semaphore(%arg33 : memref<!tpu.dma_semaphore, #tpu.memory_space<semaphore_mem>>) src(%arg19 : memref<16x128xf32, #tpu.memory_space<vmem>>) dst(%dma_wait3A_377 : memref<16x128xf32, #tpu.memory_space<vmem_shared>>)
    %dma_wait3A_378 = arith.constant 0 : i32
    %dma_wait3A_379 = tpu.memref_slice %arg37[%mul3A_19, %dma_wait3A_378] : memref<10240x128xf32, #tpu.memory_space<vmem_shared>> -> memref<16x128xf32, #tpu.memory_space<vmem_shared>>
    %dma_wait3A_380 = arith.constant 0 : i32
    %dma_wait3A_381 = tpu.memref_slice %arg37[%mul3A_19, %dma_wait3A_380] : memref<10240x128xf32, #tpu.memory_space<vmem_shared>> -> memref<16x128xf32, #tpu.memory_space<vmem_shared>>
    tpu.wait_dma2 semaphore(%arg33 : memref<!tpu.dma_semaphore, #tpu.memory_space<semaphore_mem>>) src(%arg19 : memref<16x128xf32, #tpu.memory_space<vmem>>) dst(%dma_wait3A_381 : memref<16x128xf32, #tpu.memory_space<vmem_shared>>)
    %dma_wait3A_382 = arith.constant 0 : i32
    %dma_wait3A_383 = tpu.memref_slice %arg37[%mul3A_19, %dma_wait3A_382] : memref<10240x128xf32, #tpu.memory_space<vmem_shared>> -> memref<16x128xf32, #tpu.memory_space<vmem_shared>>
    %dma_wait3A_384 = arith.constant 0 : i32
    %dma_wait3A_385 = tpu.memref_slice %arg37[%mul3A_19, %dma_wait3A_384] : memref<10240x128xf32, #tpu.memory_space<vmem_shared>> -> memref<16x128xf32, #tpu.memory_space<vmem_shared>>
    tpu.wait_dma2 semaphore(%arg33 : memref<!tpu.dma_semaphore, #tpu.memory_space<semaphore_mem>>) src(%arg19 : memref<16x128xf32, #tpu.memory_space<vmem>>) dst(%dma_wait3A_385 : memref<16x128xf32, #tpu.memory_space<vmem_shared>>)
    %dma_wait3A_386 = arith.constant 0 : i32
    %dma_wait3A_387 = tpu.memref_slice %arg37[%mul3A_19, %dma_wait3A_386] : memref<10240x128xf32, #tpu.memory_space<vmem_shared>> -> memref<16x128xf32, #tpu.memory_space<vmem_shared>>
    %dma_wait3A_388 = arith.constant 0 : i32
    %dma_wait3A_389 = tpu.memref_slice %arg37[%mul3A_19, %dma_wait3A_388] : memref<10240x128xf32, #tpu.memory_space<vmem_shared>> -> memref<16x128xf32, #tpu.memory_space<vmem_shared>>
    tpu.wait_dma2 semaphore(%arg33 : memref<!tpu.dma_semaphore, #tpu.memory_space<semaphore_mem>>) src(%arg19 : memref<16x128xf32, #tpu.memory_space<vmem>>) dst(%dma_wait3A_389 : memref<16x128xf32, #tpu.memory_space<vmem_shared>>)
    %dma_wait3A_390 = arith.constant 0 : i32
    %dma_wait3A_391 = tpu.memref_slice %arg37[%mul3A_19, %dma_wait3A_390] : memref<10240x128xf32, #tpu.memory_space<vmem_shared>> -> memref<16x128xf32, #tpu.memory_space<vmem_shared>>
    %dma_wait3A_392 = arith.constant 0 : i32
    %dma_wait3A_393 = tpu.memref_slice %arg37[%mul3A_19, %dma_wait3A_392] : memref<10240x128xf32, #tpu.memory_space<vmem_shared>> -> memref<16x128xf32, #tpu.memory_space<vmem_shared>>
    tpu.wait_dma2 semaphore(%arg33 : memref<!tpu.dma_semaphore, #tpu.memory_space<semaphore_mem>>) src(%arg19 : memref<16x128xf32, #tpu.memory_space<vmem>>) dst(%dma_wait3A_393 : memref<16x128xf32, #tpu.memory_space<vmem_shared>>)
    %dma_wait3A_394 = arith.constant 0 : i32
    %dma_wait3A_395 = tpu.memref_slice %arg37[%mul3A_19, %dma_wait3A_394] : memref<10240x128xf32, #tpu.memory_space<vmem_shared>> -> memref<16x128xf32, #tpu.memory_space<vmem_shared>>
    %dma_wait3A_396 = arith.constant 0 : i32
    %dma_wait3A_397 = tpu.memref_slice %arg37[%mul3A_19, %dma_wait3A_396] : memref<10240x128xf32, #tpu.memory_space<vmem_shared>> -> memref<16x128xf32, #tpu.memory_space<vmem_shared>>
    tpu.wait_dma2 semaphore(%arg33 : memref<!tpu.dma_semaphore, #tpu.memory_space<semaphore_mem>>) src(%arg19 : memref<16x128xf32, #tpu.memory_space<vmem>>) dst(%dma_wait3A_397 : memref<16x128xf32, #tpu.memory_space<vmem_shared>>)
    %dma_wait3A_398 = arith.constant 0 : i32
    %dma_wait3A_399 = tpu.memref_slice %arg37[%mul3A_19, %dma_wait3A_398] : memref<10240x128xf32, #tpu.memory_space<vmem_shared>> -> memref<16x128xf32, #tpu.memory_space<vmem_shared>>
    %dma_wait3A_400 = arith.constant 0 : i32
    %dma_wait3A_401 = tpu.memref_slice %arg37[%mul3A_19, %dma_wait3A_400] : memref<10240x128xf32, #tpu.memory_space<vmem_shared>> -> memref<16x128xf32, #tpu.memory_space<vmem_shared>>
    tpu.wait_dma2 semaphore(%arg33 : memref<!tpu.dma_semaphore, #tpu.memory_space<semaphore_mem>>) src(%arg19 : memref<16x128xf32, #tpu.memory_space<vmem>>) dst(%dma_wait3A_401 : memref<16x128xf32, #tpu.memory_space<vmem_shared>>)
    %dma_wait3A_402 = arith.constant 0 : i32
    %dma_wait3A_403 = tpu.memref_slice %arg37[%mul3A_19, %dma_wait3A_402] : memref<10240x128xf32, #tpu.memory_space<vmem_shared>> -> memref<16x128xf32, #tpu.memory_space<vmem_shared>>
    %dma_wait3A_404 = arith.constant 0 : i32
    %dma_wait3A_405 = tpu.memref_slice %arg37[%mul3A_19, %dma_wait3A_404] : memref<10240x128xf32, #tpu.memory_space<vmem_shared>> -> memref<16x128xf32, #tpu.memory_space<vmem_shared>>
    tpu.wait_dma2 semaphore(%arg33 : memref<!tpu.dma_semaphore, #tpu.memory_space<semaphore_mem>>) src(%arg19 : memref<16x128xf32, #tpu.memory_space<vmem>>) dst(%dma_wait3A_405 : memref<16x128xf32, #tpu.memory_space<vmem_shared>>)
    %dma_wait3A_406 = arith.constant 0 : i32
    %dma_wait3A_407 = tpu.memref_slice %arg37[%mul3A_19, %dma_wait3A_406] : memref<10240x128xf32, #tpu.memory_space<vmem_shared>> -> memref<16x128xf32, #tpu.memory_space<vmem_shared>>
    %dma_wait3A_408 = arith.constant 0 : i32
    %dma_wait3A_409 = tpu.memref_slice %arg37[%mul3A_19, %dma_wait3A_408] : memref<10240x128xf32, #tpu.memory_space<vmem_shared>> -> memref<16x128xf32, #tpu.memory_space<vmem_shared>>
    tpu.wait_dma2 semaphore(%arg33 : memref<!tpu.dma_semaphore, #tpu.memory_space<semaphore_mem>>) src(%arg19 : memref<16x128xf32, #tpu.memory_space<vmem>>) dst(%dma_wait3A_409 : memref<16x128xf32, #tpu.memory_space<vmem_shared>>)
    %dma_wait3A_410 = arith.constant 0 : i32
    %dma_wait3A_411 = tpu.memref_slice %arg37[%mul3A_19, %dma_wait3A_410] : memref<10240x128xf32, #tpu.memory_space<vmem_shared>> -> memref<16x128xf32, #tpu.memory_space<vmem_shared>>
    %dma_wait3A_412 = arith.constant 0 : i32
    %dma_wait3A_413 = tpu.memref_slice %arg37[%mul3A_19, %dma_wait3A_412] : memref<10240x128xf32, #tpu.memory_space<vmem_shared>> -> memref<16x128xf32, #tpu.memory_space<vmem_shared>>
    tpu.wait_dma2 semaphore(%arg33 : memref<!tpu.dma_semaphore, #tpu.memory_space<semaphore_mem>>) src(%arg19 : memref<16x128xf32, #tpu.memory_space<vmem>>) dst(%dma_wait3A_413 : memref<16x128xf32, #tpu.memory_space<vmem_shared>>)
    %dma_wait3A_414 = arith.constant 0 : i32
    %dma_wait3A_415 = tpu.memref_slice %arg37[%mul3A_19, %dma_wait3A_414] : memref<10240x128xf32, #tpu.memory_space<vmem_shared>> -> memref<16x128xf32, #tpu.memory_space<vmem_shared>>
    %dma_wait3A_416 = arith.constant 0 : i32
    %dma_wait3A_417 = tpu.memref_slice %arg37[%mul3A_19, %dma_wait3A_416] : memref<10240x128xf32, #tpu.memory_space<vmem_shared>> -> memref<16x128xf32, #tpu.memory_space<vmem_shared>>
    tpu.wait_dma2 semaphore(%arg33 : memref<!tpu.dma_semaphore, #tpu.memory_space<semaphore_mem>>) src(%arg19 : memref<16x128xf32, #tpu.memory_space<vmem>>) dst(%dma_wait3A_417 : memref<16x128xf32, #tpu.memory_space<vmem_shared>>)
    "tpu.region"() ({
      %run_scoped3A = tpu.sem_alloc : memref<!tpu.dma_semaphore, #tpu.memory_space<semaphore_mem>>
      %dma_start3A_429 = tpu.memref_slice %arg38[%mul3A_19] : memref<10240xf32, #tpu.memory_space<vmem_shared>> -> memref<640xf32, #tpu.memory_space<vmem_shared>>
      %dma_start3A_430 = tpu.memref_slice %arg38[%mul3A_19] : memref<10240xf32, #tpu.memory_space<vmem_shared>> -> memref<640xf32, #tpu.memory_space<vmem_shared>>
      tpu.enqueue_dma source(%arg21 : memref<640xf32, #tpu.memory_space<vmem>>) target(%dma_start3A_430 : memref<640xf32, #tpu.memory_space<vmem_shared>>) target_semaphore(%run_scoped3A : memref<!tpu.dma_semaphore, #tpu.memory_space<semaphore_mem>>)
      %dma_wait3A_431 = tpu.memref_slice %arg38[%mul3A_19] : memref<10240xf32, #tpu.memory_space<vmem_shared>> -> memref<640xf32, #tpu.memory_space<vmem_shared>>
      %dma_wait3A_432 = tpu.memref_slice %arg38[%mul3A_19] : memref<10240xf32, #tpu.memory_space<vmem_shared>> -> memref<640xf32, #tpu.memory_space<vmem_shared>>
      tpu.wait_dma2 semaphore(%run_scoped3A : memref<!tpu.dma_semaphore, #tpu.memory_space<semaphore_mem>>) src(%arg21 : memref<640xf32, #tpu.memory_space<vmem>>) dst(%dma_wait3A_432 : memref<640xf32, #tpu.memory_space<vmem_shared>>)
      tpu.yield
    }) : () -> ()
    %barrier3A = arith.constant 0 : index
    tpu.barrier barrier_id(%barrier3A)
    %scan3A_418 = arith.constant 0 : i32
    %scan3A_419 = arith.constant 0 : i32
    %scan3A_420 = arith.constant 25 : i32
    %scan3A_421 = arith.addi %scan3A_419, %scan3A_420 : i32
    %scan3A_422 = arith.constant 1 : i32
    %scan3A_423 = scf.for %scan3A_429 = %scan3A_419 to %scan3A_421 step %scan3A_422 iter_args(%scan3A_430 = %scan3A_418) -> (i32)  : i32 {
      "tpu.region"() ({
        %run_scoped3A = tpu.sem_alloc : memref<!tpu.dma_semaphore, #tpu.memory_space<semaphore_mem>>
        %dma_start3A_539 = arith.constant 0 : i32
        %dma_start3A_540 = arith.constant 0 : i32
        %dma_start3A_541 = tpu.memref_slice %arg3[%add3A, %scan3A_429, %dma_start3A_539, %dma_start3A_540] : memref<32x25x25x16xi32, #tpu.memory_space<hbm>> -> memref<1x1x25x16xi32, #tpu.memory_space<hbm>>
        %dma_start3A_542 = tpu.memref_squeeze %dma_start3A_541 : memref<1x1x25x16xi32, #tpu.memory_space<hbm>> -> memref<25x16xi32, #tpu.memory_space<hbm>>
        %dma_start3A_543 = arith.constant 0 : i32
        %dma_start3A_544 = arith.constant 0 : i32
        %dma_start3A_545 = tpu.memref_slice %arg3[%add3A, %scan3A_429, %dma_start3A_543, %dma_start3A_544] : memref<32x25x25x16xi32, #tpu.memory_space<hbm>> -> memref<1x1x25x16xi32, #tpu.memory_space<hbm>>
        %dma_start3A_546 = tpu.memref_squeeze %dma_start3A_545 : memref<1x1x25x16xi32, #tpu.memory_space<hbm>> -> memref<25x16xi32, #tpu.memory_space<hbm>>
        tpu.enqueue_dma source(%dma_start3A_546 : memref<25x16xi32, #tpu.memory_space<hbm>>) target(%arg7 : memref<25x16xi32, #tpu.memory_space<vmem>>) target_semaphore(%run_scoped3A : memref<!tpu.dma_semaphore, #tpu.memory_space<semaphore_mem>>)
        %dma_wait3A_547 = arith.constant 0 : i32
        %dma_wait3A_548 = arith.constant 0 : i32
        %dma_wait3A_549 = tpu.memref_slice %arg3[%add3A, %scan3A_429, %dma_wait3A_547, %dma_wait3A_548] : memref<32x25x25x16xi32, #tpu.memory_space<hbm>> -> memref<1x1x25x16xi32, #tpu.memory_space<hbm>>
        %dma_wait3A_550 = tpu.memref_squeeze %dma_wait3A_549 : memref<1x1x25x16xi32, #tpu.memory_space<hbm>> -> memref<25x16xi32, #tpu.memory_space<hbm>>
        %dma_wait3A_551 = arith.constant 0 : i32
        %dma_wait3A_552 = arith.constant 0 : i32
        %dma_wait3A_553 = tpu.memref_slice %arg3[%add3A, %scan3A_429, %dma_wait3A_551, %dma_wait3A_552] : memref<32x25x25x16xi32, #tpu.memory_space<hbm>> -> memref<1x1x25x16xi32, #tpu.memory_space<hbm>>
        %dma_wait3A_554 = tpu.memref_squeeze %dma_wait3A_553 : memref<1x1x25x16xi32, #tpu.memory_space<hbm>> -> memref<25x16xi32, #tpu.memory_space<hbm>>
        tpu.wait_dma2 semaphore(%run_scoped3A : memref<!tpu.dma_semaphore, #tpu.memory_space<semaphore_mem>>) src(%dma_wait3A_554 : memref<25x16xi32, #tpu.memory_space<hbm>>) dst(%arg7 : memref<25x16xi32, #tpu.memory_space<vmem>>)
        tpu.yield
      }) : () -> ()
      "tpu.region"() ({
        %run_scoped3A = tpu.sem_alloc : memref<!tpu.dma_semaphore, #tpu.memory_space<semaphore_mem>>
        %dma_start3A_539 = arith.constant 0 : i32
        %dma_start3A_540 = arith.constant 0 : i32
        %dma_start3A_541 = tpu.memref_slice %arg4[%add3A, %scan3A_429, %dma_start3A_539, %dma_start3A_540] : memref<32x25x25x16xi32, #tpu.memory_space<hbm>> -> memref<1x1x25x16xi32, #tpu.memory_space<hbm>>
        %dma_start3A_542 = tpu.memref_squeeze %dma_start3A_541 : memref<1x1x25x16xi32, #tpu.memory_space<hbm>> -> memref<25x16xi32, #tpu.memory_space<hbm>>
        %dma_start3A_543 = arith.constant 0 : i32
        %dma_start3A_544 = arith.constant 0 : i32
        %dma_start3A_545 = tpu.memref_slice %arg4[%add3A, %scan3A_429, %dma_start3A_543, %dma_start3A_544] : memref<32x25x25x16xi32, #tpu.memory_space<hbm>> -> memref<1x1x25x16xi32, #tpu.memory_space<hbm>>
        %dma_start3A_546 = tpu.memref_squeeze %dma_start3A_545 : memref<1x1x25x16xi32, #tpu.memory_space<hbm>> -> memref<25x16xi32, #tpu.memory_space<hbm>>
        tpu.enqueue_dma source(%dma_start3A_546 : memref<25x16xi32, #tpu.memory_space<hbm>>) target(%arg8 : memref<25x16xi32, #tpu.memory_space<vmem>>) target_semaphore(%run_scoped3A : memref<!tpu.dma_semaphore, #tpu.memory_space<semaphore_mem>>)
        %dma_wait3A_547 = arith.constant 0 : i32
        %dma_wait3A_548 = arith.constant 0 : i32
        %dma_wait3A_549 = tpu.memref_slice %arg4[%add3A, %scan3A_429, %dma_wait3A_547, %dma_wait3A_548] : memref<32x25x25x16xi32, #tpu.memory_space<hbm>> -> memref<1x1x25x16xi32, #tpu.memory_space<hbm>>
        %dma_wait3A_550 = tpu.memref_squeeze %dma_wait3A_549 : memref<1x1x25x16xi32, #tpu.memory_space<hbm>> -> memref<25x16xi32, #tpu.memory_space<hbm>>
        %dma_wait3A_551 = arith.constant 0 : i32
        %dma_wait3A_552 = arith.constant 0 : i32
        %dma_wait3A_553 = tpu.memref_slice %arg4[%add3A, %scan3A_429, %dma_wait3A_551, %dma_wait3A_552] : memref<32x25x25x16xi32, #tpu.memory_space<hbm>> -> memref<1x1x25x16xi32, #tpu.memory_space<hbm>>
        %dma_wait3A_554 = tpu.memref_squeeze %dma_wait3A_553 : memref<1x1x25x16xi32, #tpu.memory_space<hbm>> -> memref<25x16xi32, #tpu.memory_space<hbm>>
        tpu.wait_dma2 semaphore(%run_scoped3A : memref<!tpu.dma_semaphore, #tpu.memory_space<semaphore_mem>>) src(%dma_wait3A_554 : memref<25x16xi32, #tpu.memory_space<hbm>>) dst(%arg8 : memref<25x16xi32, #tpu.memory_space<vmem>>)
        tpu.yield
      }) : () -> ()
      %dma_start3A_431 = arith.constant 0 : i32
      %dma_start3A_432 = arith.constant 0 : i32
      %dma_start3A_433 = tpu.memref_slice %arg7[%dma_start3A_431, %dma_start3A_432] : memref<25x16xi32, #tpu.memory_space<vmem>> -> memref<1x16xi32, #tpu.memory_space<vmem>>
      %dma_start3A_434 = tpu.memref_squeeze %dma_start3A_433 : memref<1x16xi32, #tpu.memory_space<vmem>> -> memref<16xi32, #tpu.memory_space<vmem>>
      %dma_start3A_435 = arith.constant 0 : i32
      %dma_start3A_436 = arith.constant 0 : i32
      %dma_start3A_437 = tpu.memref_slice %arg2[%dma_start3A_435, %dma_start3A_436] : memref<10000x128xf32, #tpu.memory_space<hbm>> -> memref<10000x128xf32, #tpu.memory_space<hbm>>
      tpu.enqueue_indirect_dma source(%dma_start3A_437 : memref<10000x128xf32, #tpu.memory_space<hbm>>) target(%arg9 : memref<16x128xf32, #tpu.memory_space<vmem>>) offsets(%dma_start3A_434 : memref<16xi32, #tpu.memory_space<vmem>>) semaphore(%arg23 : memref<!tpu.dma_semaphore, #tpu.memory_space<semaphore_mem>>)
      %dma_start3A_438 = arith.constant 0 : i32
      %dma_start3A_439 = arith.constant 0 : i32
      %dma_start3A_440 = tpu.memref_slice %arg8[%dma_start3A_438, %dma_start3A_439] : memref<25x16xi32, #tpu.memory_space<vmem>> -> memref<1x16xi32, #tpu.memory_space<vmem>>
      %dma_start3A_441 = tpu.memref_squeeze %dma_start3A_440 : memref<1x16xi32, #tpu.memory_space<vmem>> -> memref<16xi32, #tpu.memory_space<vmem>>
      %dma_start3A_442 = arith.constant 0 : i32
      %dma_start3A_443 = arith.constant 0 : i32
      %dma_start3A_444 = tpu.memref_slice %arg2[%dma_start3A_442, %dma_start3A_443] : memref<10000x128xf32, #tpu.memory_space<hbm>> -> memref<10000x128xf32, #tpu.memory_space<hbm>>
      tpu.enqueue_indirect_dma source(%dma_start3A_444 : memref<10000x128xf32, #tpu.memory_space<hbm>>) target(%arg14 : memref<16x128xf32, #tpu.memory_space<vmem>>) offsets(%dma_start3A_441 : memref<16xi32, #tpu.memory_space<vmem>>) semaphore(%arg28 : memref<!tpu.dma_semaphore, #tpu.memory_space<semaphore_mem>>)
      %dma_start3A_445 = arith.constant 1 : i32
      %dma_start3A_446 = arith.constant 0 : i32
      %dma_start3A_447 = tpu.memref_slice %arg7[%dma_start3A_445, %dma_start3A_446] : memref<25x16xi32, #tpu.memory_space<vmem>> -> memref<1x16xi32, #tpu.memory_space<vmem>>
      %dma_start3A_448 = tpu.memref_squeeze %dma_start3A_447 : memref<1x16xi32, #tpu.memory_space<vmem>> -> memref<16xi32, #tpu.memory_space<vmem>>
      %dma_start3A_449 = arith.constant 0 : i32
      %dma_start3A_450 = arith.constant 0 : i32
      %dma_start3A_451 = tpu.memref_slice %arg2[%dma_start3A_449, %dma_start3A_450] : memref<10000x128xf32, #tpu.memory_space<hbm>> -> memref<10000x128xf32, #tpu.memory_space<hbm>>
      tpu.enqueue_indirect_dma source(%dma_start3A_451 : memref<10000x128xf32, #tpu.memory_space<hbm>>) target(%arg10 : memref<16x128xf32, #tpu.memory_space<vmem>>) offsets(%dma_start3A_448 : memref<16xi32, #tpu.memory_space<vmem>>) semaphore(%arg24 : memref<!tpu.dma_semaphore, #tpu.memory_space<semaphore_mem>>)
      %dma_start3A_452 = arith.constant 1 : i32
      %dma_start3A_453 = arith.constant 0 : i32
      %dma_start3A_454 = tpu.memref_slice %arg8[%dma_start3A_452, %dma_start3A_453] : memref<25x16xi32, #tpu.memory_space<vmem>> -> memref<1x16xi32, #tpu.memory_space<vmem>>
      %dma_start3A_455 = tpu.memref_squeeze %dma_start3A_454 : memref<1x16xi32, #tpu.memory_space<vmem>> -> memref<16xi32, #tpu.memory_space<vmem>>
      %dma_start3A_456 = arith.constant 0 : i32
      %dma_start3A_457 = arith.constant 0 : i32
      %dma_start3A_458 = tpu.memref_slice %arg2[%dma_start3A_456, %dma_start3A_457] : memref<10000x128xf32, #tpu.memory_space<hbm>> -> memref<10000x128xf32, #tpu.memory_space<hbm>>
      tpu.enqueue_indirect_dma source(%dma_start3A_458 : memref<10000x128xf32, #tpu.memory_space<hbm>>) target(%arg15 : memref<16x128xf32, #tpu.memory_space<vmem>>) offsets(%dma_start3A_455 : memref<16xi32, #tpu.memory_space<vmem>>) semaphore(%arg29 : memref<!tpu.dma_semaphore, #tpu.memory_space<semaphore_mem>>)
      %dma_start3A_459 = arith.constant 2 : i32
      %dma_start3A_460 = arith.constant 0 : i32
      %dma_start3A_461 = tpu.memref_slice %arg7[%dma_start3A_459, %dma_start3A_460] : memref<25x16xi32, #tpu.memory_space<vmem>> -> memref<1x16xi32, #tpu.memory_space<vmem>>
      %dma_start3A_462 = tpu.memref_squeeze %dma_start3A_461 : memref<1x16xi32, #tpu.memory_space<vmem>> -> memref<16xi32, #tpu.memory_space<vmem>>
      %dma_start3A_463 = arith.constant 0 : i32
      %dma_start3A_464 = arith.constant 0 : i32
      %dma_start3A_465 = tpu.memref_slice %arg2[%dma_start3A_463, %dma_start3A_464] : memref<10000x128xf32, #tpu.memory_space<hbm>> -> memref<10000x128xf32, #tpu.memory_space<hbm>>
      tpu.enqueue_indirect_dma source(%dma_start3A_465 : memref<10000x128xf32, #tpu.memory_space<hbm>>) target(%arg11 : memref<16x128xf32, #tpu.memory_space<vmem>>) offsets(%dma_start3A_462 : memref<16xi32, #tpu.memory_space<vmem>>) semaphore(%arg25 : memref<!tpu.dma_semaphore, #tpu.memory_space<semaphore_mem>>)
      %dma_start3A_466 = arith.constant 2 : i32
      %dma_start3A_467 = arith.constant 0 : i32
      %dma_start3A_468 = tpu.memref_slice %arg8[%dma_start3A_466, %dma_start3A_467] : memref<25x16xi32, #tpu.memory_space<vmem>> -> memref<1x16xi32, #tpu.memory_space<vmem>>
      %dma_start3A_469 = tpu.memref_squeeze %dma_start3A_468 : memref<1x16xi32, #tpu.memory_space<vmem>> -> memref<16xi32, #tpu.memory_space<vmem>>
      %dma_start3A_470 = arith.constant 0 : i32
      %dma_start3A_471 = arith.constant 0 : i32
      %dma_start3A_472 = tpu.memref_slice %arg2[%dma_start3A_470, %dma_start3A_471] : memref<10000x128xf32, #tpu.memory_space<hbm>> -> memref<10000x128xf32, #tpu.memory_space<hbm>>
      tpu.enqueue_indirect_dma source(%dma_start3A_472 : memref<10000x128xf32, #tpu.memory_space<hbm>>) target(%arg16 : memref<16x128xf32, #tpu.memory_space<vmem>>) offsets(%dma_start3A_469 : memref<16xi32, #tpu.memory_space<vmem>>) semaphore(%arg30 : memref<!tpu.dma_semaphore, #tpu.memory_space<semaphore_mem>>)
      %dma_start3A_473 = arith.constant 3 : i32
      %dma_start3A_474 = arith.constant 0 : i32
      %dma_start3A_475 = tpu.memref_slice %arg7[%dma_start3A_473, %dma_start3A_474] : memref<25x16xi32, #tpu.memory_space<vmem>> -> memref<1x16xi32, #tpu.memory_space<vmem>>
      %dma_start3A_476 = tpu.memref_squeeze %dma_start3A_475 : memref<1x16xi32, #tpu.memory_space<vmem>> -> memref<16xi32, #tpu.memory_space<vmem>>
      %dma_start3A_477 = arith.constant 0 : i32
      %dma_start3A_478 = arith.constant 0 : i32
      %dma_start3A_479 = tpu.memref_slice %arg2[%dma_start3A_477, %dma_start3A_478] : memref<10000x128xf32, #tpu.memory_space<hbm>> -> memref<10000x128xf32, #tpu.memory_space<hbm>>
      tpu.enqueue_indirect_dma source(%dma_start3A_479 : memref<10000x128xf32, #tpu.memory_space<hbm>>) target(%arg12 : memref<16x128xf32, #tpu.memory_space<vmem>>) offsets(%dma_start3A_476 : memref<16xi32, #tpu.memory_space<vmem>>) semaphore(%arg26 : memref<!tpu.dma_semaphore, #tpu.memory_space<semaphore_mem>>)
      %dma_start3A_480 = arith.constant 3 : i32
      %dma_start3A_481 = arith.constant 0 : i32
      %dma_start3A_482 = tpu.memref_slice %arg8[%dma_start3A_480, %dma_start3A_481] : memref<25x16xi32, #tpu.memory_space<vmem>> -> memref<1x16xi32, #tpu.memory_space<vmem>>
      %dma_start3A_483 = tpu.memref_squeeze %dma_start3A_482 : memref<1x16xi32, #tpu.memory_space<vmem>> -> memref<16xi32, #tpu.memory_space<vmem>>
      %dma_start3A_484 = arith.constant 0 : i32
      %dma_start3A_485 = arith.constant 0 : i32
      %dma_start3A_486 = tpu.memref_slice %arg2[%dma_start3A_484, %dma_start3A_485] : memref<10000x128xf32, #tpu.memory_space<hbm>> -> memref<10000x128xf32, #tpu.memory_space<hbm>>
      tpu.enqueue_indirect_dma source(%dma_start3A_486 : memref<10000x128xf32, #tpu.memory_space<hbm>>) target(%arg17 : memref<16x128xf32, #tpu.memory_space<vmem>>) offsets(%dma_start3A_483 : memref<16xi32, #tpu.memory_space<vmem>>) semaphore(%arg31 : memref<!tpu.dma_semaphore, #tpu.memory_space<semaphore_mem>>)
      %dma_start3A_487 = arith.constant 4 : i32
      %dma_start3A_488 = arith.constant 0 : i32
      %dma_start3A_489 = tpu.memref_slice %arg7[%dma_start3A_487, %dma_start3A_488] : memref<25x16xi32, #tpu.memory_space<vmem>> -> memref<1x16xi32, #tpu.memory_space<vmem>>
      %dma_start3A_490 = tpu.memref_squeeze %dma_start3A_489 : memref<1x16xi32, #tpu.memory_space<vmem>> -> memref<16xi32, #tpu.memory_space<vmem>>
      %dma_start3A_491 = arith.constant 0 : i32
      %dma_start3A_492 = arith.constant 0 : i32
      %dma_start3A_493 = tpu.memref_slice %arg2[%dma_start3A_491, %dma_start3A_492] : memref<10000x128xf32, #tpu.memory_space<hbm>> -> memref<10000x128xf32, #tpu.memory_space<hbm>>
      tpu.enqueue_indirect_dma source(%dma_start3A_493 : memref<10000x128xf32, #tpu.memory_space<hbm>>) target(%arg13 : memref<16x128xf32, #tpu.memory_space<vmem>>) offsets(%dma_start3A_490 : memref<16xi32, #tpu.memory_space<vmem>>) semaphore(%arg27 : memref<!tpu.dma_semaphore, #tpu.memory_space<semaphore_mem>>)
      %dma_start3A_494 = arith.constant 4 : i32
      %dma_start3A_495 = arith.constant 0 : i32
      %dma_start3A_496 = tpu.memref_slice %arg8[%dma_start3A_494, %dma_start3A_495] : memref<25x16xi32, #tpu.memory_space<vmem>> -> memref<1x16xi32, #tpu.memory_space<vmem>>
      %dma_start3A_497 = tpu.memref_squeeze %dma_start3A_496 : memref<1x16xi32, #tpu.memory_space<vmem>> -> memref<16xi32, #tpu.memory_space<vmem>>
      %dma_start3A_498 = arith.constant 0 : i32
      %dma_start3A_499 = arith.constant 0 : i32
      %dma_start3A_500 = tpu.memref_slice %arg2[%dma_start3A_498, %dma_start3A_499] : memref<10000x128xf32, #tpu.memory_space<hbm>> -> memref<10000x128xf32, #tpu.memory_space<hbm>>
      tpu.enqueue_indirect_dma source(%dma_start3A_500 : memref<10000x128xf32, #tpu.memory_space<hbm>>) target(%arg18 : memref<16x128xf32, #tpu.memory_space<vmem>>) offsets(%dma_start3A_497 : memref<16xi32, #tpu.memory_space<vmem>>) semaphore(%arg32 : memref<!tpu.dma_semaphore, #tpu.memory_space<semaphore_mem>>)
      %scan3A_501 = arith.constant 0 : i32
      %scan3A_502 = arith.constant 0 : i32
      %scan3A_503 = arith.constant 5 : i32
      %scan3A_504 = arith.addi %scan3A_502, %scan3A_503 : i32
      %scan3A_505 = arith.constant 1 : i32
      %scan3A_506 = scf.for %scan3A_539 = %scan3A_502 to %scan3A_504 step %scan3A_505 iter_args(%scan3A_540 = %scan3A_501) -> (i32)  : i32 {
        %mul3A_541 = arith.constant 5 : i32
        %mul3A_542 = arith.muli %mul3A_541, %scan3A_539 : i32
        %add3A_543 = arith.constant 0 : i32
        %add3A_544 = arith.addi %mul3A_542, %add3A_543 : i32
        %dma_wait3A_545 = arith.constant 0 : i32
        %dma_wait3A_546 = arith.constant 0 : i32
        %dma_wait3A_547 = tpu.memref_slice %arg2[%dma_wait3A_545, %dma_wait3A_546] : memref<10000x128xf32, #tpu.memory_space<hbm>> -> memref<16x128xf32, #tpu.memory_space<hbm>>
        %dma_wait3A_548 = arith.constant 0 : i32
        %dma_wait3A_549 = arith.constant 0 : i32
        %dma_wait3A_550 = tpu.memref_slice %arg2[%dma_wait3A_548, %dma_wait3A_549] : memref<10000x128xf32, #tpu.memory_space<hbm>> -> memref<16x128xf32, #tpu.memory_space<hbm>>
        tpu.wait_dma2 semaphore(%arg23 : memref<!tpu.dma_semaphore, #tpu.memory_space<semaphore_mem>>) src(%dma_wait3A_550 : memref<16x128xf32, #tpu.memory_space<hbm>>) dst(%arg9 : memref<16x128xf32, #tpu.memory_space<vmem>>)
        %dma_wait3A_551 = arith.constant 0 : i32
        %dma_wait3A_552 = arith.constant 0 : i32
        %dma_wait3A_553 = tpu.memref_slice %arg2[%dma_wait3A_551, %dma_wait3A_552] : memref<10000x128xf32, #tpu.memory_space<hbm>> -> memref<16x128xf32, #tpu.memory_space<hbm>>
        %dma_wait3A_554 = arith.constant 0 : i32
        %dma_wait3A_555 = arith.constant 0 : i32
        %dma_wait3A_556 = tpu.memref_slice %arg2[%dma_wait3A_554, %dma_wait3A_555] : memref<10000x128xf32, #tpu.memory_space<hbm>> -> memref<16x128xf32, #tpu.memory_space<hbm>>
        tpu.wait_dma2 semaphore(%arg28 : memref<!tpu.dma_semaphore, #tpu.memory_space<semaphore_mem>>) src(%dma_wait3A_556 : memref<16x128xf32, #tpu.memory_space<hbm>>) dst(%arg14 : memref<16x128xf32, #tpu.memory_space<vmem>>)
        %gt3A = arith.constant 0 : i32
        %gt3A_557 = arith.cmpi sgt, %scan3A_539, %gt3A : i32
        %convert_element_type3A = arith.extui %gt3A_557 : i1 to i32
        %cond3A = arith.constant 0 : i32
        %cond3A_558 = arith.cmpi ne, %convert_element_type3A, %cond3A : i32
        scf.if %cond3A_558 {
          %dma_wait3A_798 = arith.constant 0 : i32
          %dma_wait3A_799 = arith.constant 0 : i32
          %dma_wait3A_800 = tpu.memref_slice %arg7[%dma_wait3A_798, %dma_wait3A_799] : memref<25x16xi32, #tpu.memory_space<vmem>> -> memref<1x16xi32, #tpu.memory_space<vmem>>
          %dma_wait3A_801 = tpu.memref_squeeze %dma_wait3A_800 : memref<1x16xi32, #tpu.memory_space<vmem>> -> memref<16xi32, #tpu.memory_space<vmem>>
          %dma_wait3A_802 = arith.constant 0 : i32
          %dma_wait3A_803 = arith.constant 0 : i32
          %dma_wait3A_804 = tpu.memref_slice %arg37[%dma_wait3A_802, %dma_wait3A_803] : memref<10240x128xf32, #tpu.memory_space<vmem_shared>> -> memref<10240x128xf32, #tpu.memory_space<vmem_shared>>
          tpu.wait_indirect_dma semaphore(%arg33 : memref<!tpu.dma_semaphore, #tpu.memory_space<semaphore_mem>>) src(%arg19 : memref<16x128xf32, #tpu.memory_space<vmem>>) dst(%dma_wait3A_804 : memref<10240x128xf32, #tpu.memory_space<vmem_shared>>)
          %dma_wait3A_805 = arith.constant 0 : i32
          %dma_wait3A_806 = arith.constant 0 : i32
          %dma_wait3A_807 = tpu.memref_slice %arg22[%dma_wait3A_806] : memref<16xf32, #tpu.memory_space<vmem>> -> memref<16xf32, #tpu.memory_space<vmem>>
          %dma_wait3A_808 = arith.constant 0 : i32
          %dma_wait3A_809 = tpu.memref_slice %arg7[%dma_wait3A_805, %dma_wait3A_808] : memref<25x16xi32, #tpu.memory_space<vmem>> -> memref<1x16xi32, #tpu.memory_space<vmem>>
          %dma_wait3A_810 = tpu.memref_squeeze %dma_wait3A_809 : memref<1x16xi32, #tpu.memory_space<vmem>> -> memref<16xi32, #tpu.memory_space<vmem>>
          %dma_wait3A_811 = arith.constant 0 : i32
          %dma_wait3A_812 = tpu.memref_slice %arg38[%dma_wait3A_811] : memref<10240xf32, #tpu.memory_space<vmem_shared>> -> memref<10240xf32, #tpu.memory_space<vmem_shared>>
          tpu.wait_indirect_dma semaphore(%arg35 : memref<!tpu.dma_semaphore, #tpu.memory_space<semaphore_mem>>) src(%dma_wait3A_807 : memref<16xf32, #tpu.memory_space<vmem>>) dst(%dma_wait3A_812 : memref<10240xf32, #tpu.memory_space<vmem_shared>>)
        } else {
        }
        %scan3A_559 = arith.constant 0 : i32
        %scan3A_560 = arith.constant 0 : i32
        %scan3A_561 = arith.constant 16 : i32
        %scan3A_562 = arith.addi %scan3A_560, %scan3A_561 : i32
        %scan3A_563 = arith.constant 1 : i32
        %scan3A_564 = scf.for %scan3A_798 = %scan3A_560 to %scan3A_562 step %scan3A_563 iter_args(%scan3A_799 = %scan3A_559) -> (i32)  : i32 {
          %get3A = arith.index_cast %scan3A_798 : i32 to index
          %get3A_800 = arith.constant 0 : index
          %get3A_801 = tpu.vector_load %arg9[%get3A, %get3A_800] {strides = array<i32>} : memref<16x128xf32, #tpu.memory_space<vmem>>, vector<1x16xf32>,
          %get3A_802 = vector.shape_cast %get3A_801 : vector<1x16xf32> to vector<16xf32>
          %get3A_803 = arith.index_cast %scan3A_798 : i32 to index
          %get3A_804 = arith.constant 0 : index
          %get3A_805 = tpu.vector_load %arg14[%get3A_803, %get3A_804] {strides = array<i32>} : memref<16x128xf32, #tpu.memory_space<vmem>>, vector<1x16xf32>,
          %get3A_806 = vector.shape_cast %get3A_805 : vector<1x16xf32> to vector<16xf32>
          %sub3A = arith.subf %get3A_802, %get3A_806 : vector<16xf32>
          %abs3A = math.absf %sub3A : vector<16xf32>
          %swap3A_807 = arith.index_cast %scan3A_798 : i32 to index
          %swap3A_808 = arith.constant 0 : index
          %swap3A_809 = tpu.vector_load %arg19[%swap3A_807, %swap3A_808] {strides = array<i32>} : memref<16x128xf32, #tpu.memory_space<vmem>>, vector<1x16xf32>,
          %swap3A_810 = vector.shape_cast %swap3A_809 : vector<1x16xf32> to vector<16xf32>
          %swap3A_811 = vector.shape_cast %abs3A : vector<16xf32> to vector<1x16xf32>
          tpu.vector_store %arg19[%swap3A_807, %swap3A_808], %swap3A_811 {strides = array<i32>} : memref<16x128xf32, #tpu.memory_space<vmem>>, vector<1x16xf32>,
          %get3A_812 = arith.index_cast %scan3A_798 : i32 to index
          %get3A_813 = arith.constant 16 : index
          %get3A_814 = tpu.vector_load %arg9[%get3A_812, %get3A_813] {strides = array<i32>} : memref<16x128xf32, #tpu.memory_space<vmem>>, vector<1x16xf32>,
          %get3A_815 = vector.shape_cast %get3A_814 : vector<1x16xf32> to vector<16xf32>
          %get3A_816 = arith.index_cast %scan3A_798 : i32 to index
          %get3A_817 = arith.constant 16 : index
          %get3A_818 = tpu.vector_load %arg14[%get3A_816, %get3A_817] {strides = array<i32>} : memref<16x128xf32, #tpu.memory_space<vmem>>, vector<1x16xf32>,
          %get3A_819 = vector.shape_cast %get3A_818 : vector<1x16xf32> to vector<16xf32>
          %sub3A_820 = arith.subf %get3A_815, %get3A_819 : vector<16xf32>
          %abs3A_821 = math.absf %sub3A_820 : vector<16xf32>
          %swap3A_822 = arith.index_cast %scan3A_798 : i32 to index
          %swap3A_823 = arith.constant 16 : index
          %swap3A_824 = tpu.vector_load %arg19[%swap3A_822, %swap3A_823] {strides = array<i32>} : memref<16x128xf32, #tpu.memory_space<vmem>>, vector<1x16xf32>,
          %swap3A_825 = vector.shape_cast %swap3A_824 : vector<1x16xf32> to vector<16xf32>
          %swap3A_826 = vector.shape_cast %abs3A_821 : vector<16xf32> to vector<1x16xf32>
          tpu.vector_store %arg19[%swap3A_822, %swap3A_823], %swap3A_826 {strides = array<i32>} : memref<16x128xf32, #tpu.memory_space<vmem>>, vector<1x16xf32>,
          %get3A_827 = arith.index_cast %scan3A_798 : i32 to index
          %get3A_828 = arith.constant 32 : index
          %get3A_829 = tpu.vector_load %arg9[%get3A_827, %get3A_828] {strides = array<i32>} : memref<16x128xf32, #tpu.memory_space<vmem>>, vector<1x16xf32>,
          %get3A_830 = vector.shape_cast %get3A_829 : vector<1x16xf32> to vector<16xf32>
          %get3A_831 = arith.index_cast %scan3A_798 : i32 to index
          %get3A_832 = arith.constant 32 : index
          %get3A_833 = tpu.vector_load %arg14[%get3A_831, %get3A_832] {strides = array<i32>} : memref<16x128xf32, #tpu.memory_space<vmem>>, vector<1x16xf32>,
          %get3A_834 = vector.shape_cast %get3A_833 : vector<1x16xf32> to vector<16xf32>
          %sub3A_835 = arith.subf %get3A_830, %get3A_834 : vector<16xf32>
          %abs3A_836 = math.absf %sub3A_835 : vector<16xf32>
          %swap3A_837 = arith.index_cast %scan3A_798 : i32 to index
          %swap3A_838 = arith.constant 32 : index
          %swap3A_839 = tpu.vector_load %arg19[%swap3A_837, %swap3A_838] {strides = array<i32>} : memref<16x128xf32, #tpu.memory_space<vmem>>, vector<1x16xf32>,
          %swap3A_840 = vector.shape_cast %swap3A_839 : vector<1x16xf32> to vector<16xf32>
          %swap3A_841 = vector.shape_cast %abs3A_836 : vector<16xf32> to vector<1x16xf32>
          tpu.vector_store %arg19[%swap3A_837, %swap3A_838], %swap3A_841 {strides = array<i32>} : memref<16x128xf32, #tpu.memory_space<vmem>>, vector<1x16xf32>,
          %get3A_842 = arith.index_cast %scan3A_798 : i32 to index
          %get3A_843 = arith.constant 48 : index
          %get3A_844 = tpu.vector_load %arg9[%get3A_842, %get3A_843] {strides = array<i32>} : memref<16x128xf32, #tpu.memory_space<vmem>>, vector<1x16xf32>,
          %get3A_845 = vector.shape_cast %get3A_844 : vector<1x16xf32> to vector<16xf32>
          %get3A_846 = arith.index_cast %scan3A_798 : i32 to index
          %get3A_847 = arith.constant 48 : index
          %get3A_848 = tpu.vector_load %arg14[%get3A_846, %get3A_847] {strides = array<i32>} : memref<16x128xf32, #tpu.memory_space<vmem>>, vector<1x16xf32>,
          %get3A_849 = vector.shape_cast %get3A_848 : vector<1x16xf32> to vector<16xf32>
          %sub3A_850 = arith.subf %get3A_845, %get3A_849 : vector<16xf32>
          %abs3A_851 = math.absf %sub3A_850 : vector<16xf32>
          %swap3A_852 = arith.index_cast %scan3A_798 : i32 to index
          %swap3A_853 = arith.constant 48 : index
          %swap3A_854 = tpu.vector_load %arg19[%swap3A_852, %swap3A_853] {strides = array<i32>} : memref<16x128xf32, #tpu.memory_space<vmem>>, vector<1x16xf32>,
          %swap3A_855 = vector.shape_cast %swap3A_854 : vector<1x16xf32> to vector<16xf32>
          %swap3A_856 = vector.shape_cast %abs3A_851 : vector<16xf32> to vector<1x16xf32>
          tpu.vector_store %arg19[%swap3A_852, %swap3A_853], %swap3A_856 {strides = array<i32>} : memref<16x128xf32, #tpu.memory_space<vmem>>, vector<1x16xf32>,
          %get3A_857 = arith.index_cast %scan3A_798 : i32 to index
          %get3A_858 = arith.constant 64 : index
          %get3A_859 = tpu.vector_load %arg9[%get3A_857, %get3A_858] {strides = array<i32>} : memref<16x128xf32, #tpu.memory_space<vmem>>, vector<1x16xf32>,
          %get3A_860 = vector.shape_cast %get3A_859 : vector<1x16xf32> to vector<16xf32>
          %get3A_861 = arith.index_cast %scan3A_798 : i32 to index
          %get3A_862 = arith.constant 64 : index
          %get3A_863 = tpu.vector_load %arg14[%get3A_861, %get3A_862] {strides = array<i32>} : memref<16x128xf32, #tpu.memory_space<vmem>>, vector<1x16xf32>,
          %get3A_864 = vector.shape_cast %get3A_863 : vector<1x16xf32> to vector<16xf32>
          %sub3A_865 = arith.subf %get3A_860, %get3A_864 : vector<16xf32>
          %abs3A_866 = math.absf %sub3A_865 : vector<16xf32>
          %swap3A_867 = arith.index_cast %scan3A_798 : i32 to index
          %swap3A_868 = arith.constant 64 : index
          %swap3A_869 = tpu.vector_load %arg19[%swap3A_867, %swap3A_868] {strides = array<i32>} : memref<16x128xf32, #tpu.memory_space<vmem>>, vector<1x16xf32>,
          %swap3A_870 = vector.shape_cast %swap3A_869 : vector<1x16xf32> to vector<16xf32>
          %swap3A_871 = vector.shape_cast %abs3A_866 : vector<16xf32> to vector<1x16xf32>
          tpu.vector_store %arg19[%swap3A_867, %swap3A_868], %swap3A_871 {strides = array<i32>} : memref<16x128xf32, #tpu.memory_space<vmem>>, vector<1x16xf32>,
          %get3A_872 = arith.index_cast %scan3A_798 : i32 to index
          %get3A_873 = arith.constant 80 : index
          %get3A_874 = tpu.vector_load %arg9[%get3A_872, %get3A_873] {strides = array<i32>} : memref<16x128xf32, #tpu.memory_space<vmem>>, vector<1x16xf32>,
          %get3A_875 = vector.shape_cast %get3A_874 : vector<1x16xf32> to vector<16xf32>
          %get3A_876 = arith.index_cast %scan3A_798 : i32 to index
          %get3A_877 = arith.constant 80 : index
          %get3A_878 = tpu.vector_load %arg14[%get3A_876, %get3A_877] {strides = array<i32>} : memref<16x128xf32, #tpu.memory_space<vmem>>, vector<1x16xf32>,
          %get3A_879 = vector.shape_cast %get3A_878 : vector<1x16xf32> to vector<16xf32>
          %sub3A_880 = arith.subf %get3A_875, %get3A_879 : vector<16xf32>
          %abs3A_881 = math.absf %sub3A_880 : vector<16xf32>
          %swap3A_882 = arith.index_cast %scan3A_798 : i32 to index
          %swap3A_883 = arith.constant 80 : index
          %swap3A_884 = tpu.vector_load %arg19[%swap3A_882, %swap3A_883] {strides = array<i32>} : memref<16x128xf32, #tpu.memory_space<vmem>>, vector<1x16xf32>,
          %swap3A_885 = vector.shape_cast %swap3A_884 : vector<1x16xf32> to vector<16xf32>
          %swap3A_886 = vector.shape_cast %abs3A_881 : vector<16xf32> to vector<1x16xf32>
          tpu.vector_store %arg19[%swap3A_882, %swap3A_883], %swap3A_886 {strides = array<i32>} : memref<16x128xf32, #tpu.memory_space<vmem>>, vector<1x16xf32>,
          %get3A_887 = arith.index_cast %scan3A_798 : i32 to index
          %get3A_888 = arith.constant 96 : index
          %get3A_889 = tpu.vector_load %arg9[%get3A_887, %get3A_888] {strides = array<i32>} : memref<16x128xf32, #tpu.memory_space<vmem>>, vector<1x16xf32>,
          %get3A_890 = vector.shape_cast %get3A_889 : vector<1x16xf32> to vector<16xf32>
          %get3A_891 = arith.index_cast %scan3A_798 : i32 to index
          %get3A_892 = arith.constant 96 : index
          %get3A_893 = tpu.vector_load %arg14[%get3A_891, %get3A_892] {strides = array<i32>} : memref<16x128xf32, #tpu.memory_space<vmem>>, vector<1x16xf32>,
          %get3A_894 = vector.shape_cast %get3A_893 : vector<1x16xf32> to vector<16xf32>
          %sub3A_895 = arith.subf %get3A_890, %get3A_894 : vector<16xf32>
          %abs3A_896 = math.absf %sub3A_895 : vector<16xf32>
          %swap3A_897 = arith.index_cast %scan3A_798 : i32 to index
          %swap3A_898 = arith.constant 96 : index
          %swap3A_899 = tpu.vector_load %arg19[%swap3A_897, %swap3A_898] {strides = array<i32>} : memref<16x128xf32, #tpu.memory_space<vmem>>, vector<1x16xf32>,
          %swap3A_900 = vector.shape_cast %swap3A_899 : vector<1x16xf32> to vector<16xf32>
          %swap3A_901 = vector.shape_cast %abs3A_896 : vector<16xf32> to vector<1x16xf32>
          tpu.vector_store %arg19[%swap3A_897, %swap3A_898], %swap3A_901 {strides = array<i32>} : memref<16x128xf32, #tpu.memory_space<vmem>>, vector<1x16xf32>,
          %get3A_902 = arith.index_cast %scan3A_798 : i32 to index
          %get3A_903 = arith.constant 112 : index
          %get3A_904 = tpu.vector_load %arg9[%get3A_902, %get3A_903] {strides = array<i32>} : memref<16x128xf32, #tpu.memory_space<vmem>>, vector<1x16xf32>,
          %get3A_905 = vector.shape_cast %get3A_904 : vector<1x16xf32> to vector<16xf32>
          %get3A_906 = arith.index_cast %scan3A_798 : i32 to index
          %get3A_907 = arith.constant 112 : index
          %get3A_908 = tpu.vector_load %arg14[%get3A_906, %get3A_907] {strides = array<i32>} : memref<16x128xf32, #tpu.memory_space<vmem>>, vector<1x16xf32>,
          %get3A_909 = vector.shape_cast %get3A_908 : vector<1x16xf32> to vector<16xf32>
          %sub3A_910 = arith.subf %get3A_905, %get3A_909 : vector<16xf32>
          %abs3A_911 = math.absf %sub3A_910 : vector<16xf32>
          %swap3A_912 = arith.index_cast %scan3A_798 : i32 to index
          %swap3A_913 = arith.constant 112 : index
          %swap3A_914 = tpu.vector_load %arg19[%swap3A_912, %swap3A_913] {strides = array<i32>} : memref<16x128xf32, #tpu.memory_space<vmem>>, vector<1x16xf32>,
          %swap3A_915 = vector.shape_cast %swap3A_914 : vector<1x16xf32> to vector<16xf32>
          %swap3A_916 = vector.shape_cast %abs3A_911 : vector<16xf32> to vector<1x16xf32>
          tpu.vector_store %arg19[%swap3A_912, %swap3A_913], %swap3A_916 {strides = array<i32>} : memref<16x128xf32, #tpu.memory_space<vmem>>, vector<1x16xf32>,
          %scan3A_917 = arith.constant 0 : i32
          scf.yield %scan3A_917 : i32
        }
        %scan3A_565 = arith.constant 16 : i32
        %dma_start3A_566 = arith.constant 0 : i32
        %dma_start3A_567 = tpu.memref_slice %arg7[%add3A_544, %dma_start3A_566] : memref<25x16xi32, #tpu.memory_space<vmem>> -> memref<1x16xi32, #tpu.memory_space<vmem>>
        %dma_start3A_568 = tpu.memref_squeeze %dma_start3A_567 : memref<1x16xi32, #tpu.memory_space<vmem>> -> memref<16xi32, #tpu.memory_space<vmem>>
        %dma_start3A_569 = arith.constant 0 : i32
        %dma_start3A_570 = arith.constant 0 : i32
        %dma_start3A_571 = tpu.memref_slice %arg37[%dma_start3A_569, %dma_start3A_570] : memref<10240x128xf32, #tpu.memory_space<vmem_shared>> -> memref<10240x128xf32, #tpu.memory_space<vmem_shared>>
        tpu.enqueue_indirect_dma source(%arg19 : memref<16x128xf32, #tpu.memory_space<vmem>>) target(%dma_start3A_571 : memref<10240x128xf32, #tpu.memory_space<vmem_shared>>) offsets(%dma_start3A_568 : memref<16xi32, #tpu.memory_space<vmem>>) semaphore(%arg33 : memref<!tpu.dma_semaphore, #tpu.memory_space<semaphore_mem>>) {add = true}
        %dma_start3A_572 = arith.constant 0 : i32
        %dma_start3A_573 = tpu.memref_slice %arg22[%dma_start3A_572] : memref<16xf32, #tpu.memory_space<vmem>> -> memref<16xf32, #tpu.memory_space<vmem>>
        %dma_start3A_574 = arith.constant 0 : i32
        %dma_start3A_575 = tpu.memref_slice %arg7[%add3A_544, %dma_start3A_574] : memref<25x16xi32, #tpu.memory_space<vmem>> -> memref<1x16xi32, #tpu.memory_space<vmem>>
        %dma_start3A_576 = tpu.memref_squeeze %dma_start3A_575 : memref<1x16xi32, #tpu.memory_space<vmem>> -> memref<16xi32, #tpu.memory_space<vmem>>
        %dma_start3A_577 = arith.constant 0 : i32
        %dma_start3A_578 = tpu.memref_slice %arg38[%dma_start3A_577] : memref<10240xf32, #tpu.memory_space<vmem_shared>> -> memref<10240xf32, #tpu.memory_space<vmem_shared>>
        tpu.enqueue_indirect_dma source(%dma_start3A_573 : memref<16xf32, #tpu.memory_space<vmem>>) target(%dma_start3A_578 : memref<10240xf32, #tpu.memory_space<vmem_shared>>) offsets(%dma_start3A_576 : memref<16xi32, #tpu.memory_space<vmem>>) semaphore(%arg35 : memref<!tpu.dma_semaphore, #tpu.memory_space<semaphore_mem>>) {add = true}
        %lt3A = arith.constant 4 : i32
        %lt3A_579 = arith.cmpi slt, %scan3A_539, %lt3A : i32
        %convert_element_type3A_580 = arith.extui %lt3A_579 : i1 to i32
        %cond3A_581 = arith.constant 0 : i32
        %cond3A_582 = arith.cmpi ne, %convert_element_type3A_580, %cond3A_581 : i32
        scf.if %cond3A_582 {
          %add3A_798 = arith.constant 5 : i32
          %add3A_799 = arith.addi %add3A_544, %add3A_798 : i32
          %dma_start3A_800 = arith.constant 0 : i32
          %dma_start3A_801 = tpu.memref_slice %arg7[%add3A_799, %dma_start3A_800] : memref<25x16xi32, #tpu.memory_space<vmem>> -> memref<1x16xi32, #tpu.memory_space<vmem>>
          %dma_start3A_802 = tpu.memref_squeeze %dma_start3A_801 : memref<1x16xi32, #tpu.memory_space<vmem>> -> memref<16xi32, #tpu.memory_space<vmem>>
          %dma_start3A_803 = arith.constant 0 : i32
          %dma_start3A_804 = arith.constant 0 : i32
          %dma_start3A_805 = tpu.memref_slice %arg2[%dma_start3A_803, %dma_start3A_804] : memref<10000x128xf32, #tpu.memory_space<hbm>> -> memref<10000x128xf32, #tpu.memory_space<hbm>>
          tpu.enqueue_indirect_dma source(%dma_start3A_805 : memref<10000x128xf32, #tpu.memory_space<hbm>>) target(%arg9 : memref<16x128xf32, #tpu.memory_space<vmem>>) offsets(%dma_start3A_802 : memref<16xi32, #tpu.memory_space<vmem>>) semaphore(%arg23 : memref<!tpu.dma_semaphore, #tpu.memory_space<semaphore_mem>>)
          %add3A_806 = arith.constant 5 : i32
          %add3A_807 = arith.addi %add3A_544, %add3A_806 : i32
          %dma_start3A_808 = arith.constant 0 : i32
          %dma_start3A_809 = tpu.memref_slice %arg8[%add3A_807, %dma_start3A_808] : memref<25x16xi32, #tpu.memory_space<vmem>> -> memref<1x16xi32, #tpu.memory_space<vmem>>
          %dma_start3A_810 = tpu.memref_squeeze %dma_start3A_809 : memref<1x16xi32, #tpu.memory_space<vmem>> -> memref<16xi32, #tpu.memory_space<vmem>>
          %dma_start3A_811 = arith.constant 0 : i32
          %dma_start3A_812 = arith.constant 0 : i32
          %dma_start3A_813 = tpu.memref_slice %arg2[%dma_start3A_811, %dma_start3A_812] : memref<10000x128xf32, #tpu.memory_space<hbm>> -> memref<10000x128xf32, #tpu.memory_space<hbm>>
          tpu.enqueue_indirect_dma source(%dma_start3A_813 : memref<10000x128xf32, #tpu.memory_space<hbm>>) target(%arg14 : memref<16x128xf32, #tpu.memory_space<vmem>>) offsets(%dma_start3A_810 : memref<16xi32, #tpu.memory_space<vmem>>) semaphore(%arg28 : memref<!tpu.dma_semaphore, #tpu.memory_space<semaphore_mem>>)
        } else {
        }
        %mul3A_583 = arith.constant 5 : i32
        %mul3A_584 = arith.muli %mul3A_583, %scan3A_539 : i32
        %add3A_585 = arith.constant 1 : i32
        %add3A_586 = arith.addi %mul3A_584, %add3A_585 : i32
        %dma_wait3A_587 = arith.constant 0 : i32
        %dma_wait3A_588 = arith.constant 0 : i32
        %dma_wait3A_589 = tpu.memref_slice %arg2[%dma_wait3A_587, %dma_wait3A_588] : memref<10000x128xf32, #tpu.memory_space<hbm>> -> memref<16x128xf32, #tpu.memory_space<hbm>>
        %dma_wait3A_590 = arith.constant 0 : i32
        %dma_wait3A_591 = arith.constant 0 : i32
        %dma_wait3A_592 = tpu.memref_slice %arg2[%dma_wait3A_590, %dma_wait3A_591] : memref<10000x128xf32, #tpu.memory_space<hbm>> -> memref<16x128xf32, #tpu.memory_space<hbm>>
        tpu.wait_dma2 semaphore(%arg24 : memref<!tpu.dma_semaphore, #tpu.memory_space<semaphore_mem>>) src(%dma_wait3A_592 : memref<16x128xf32, #tpu.memory_space<hbm>>) dst(%arg10 : memref<16x128xf32, #tpu.memory_space<vmem>>)
        %dma_wait3A_593 = arith.constant 0 : i32
        %dma_wait3A_594 = arith.constant 0 : i32
        %dma_wait3A_595 = tpu.memref_slice %arg2[%dma_wait3A_593, %dma_wait3A_594] : memref<10000x128xf32, #tpu.memory_space<hbm>> -> memref<16x128xf32, #tpu.memory_space<hbm>>
        %dma_wait3A_596 = arith.constant 0 : i32
        %dma_wait3A_597 = arith.constant 0 : i32
        %dma_wait3A_598 = tpu.memref_slice %arg2[%dma_wait3A_596, %dma_wait3A_597] : memref<10000x128xf32, #tpu.memory_space<hbm>> -> memref<16x128xf32, #tpu.memory_space<hbm>>
        tpu.wait_dma2 semaphore(%arg29 : memref<!tpu.dma_semaphore, #tpu.memory_space<semaphore_mem>>) src(%dma_wait3A_598 : memref<16x128xf32, #tpu.memory_space<hbm>>) dst(%arg15 : memref<16x128xf32, #tpu.memory_space<vmem>>)
        %gt3A_599 = arith.constant 0 : i32
        %gt3A_600 = arith.cmpi sgt, %scan3A_539, %gt3A_599 : i32
        %convert_element_type3A_601 = arith.extui %gt3A_600 : i1 to i32
        %cond3A_602 = arith.constant 0 : i32
        %cond3A_603 = arith.cmpi ne, %convert_element_type3A_601, %cond3A_602 : i32
        scf.if %cond3A_603 {
          %dma_wait3A_798 = arith.constant 0 : i32
          %dma_wait3A_799 = arith.constant 0 : i32
          %dma_wait3A_800 = tpu.memref_slice %arg7[%dma_wait3A_798, %dma_wait3A_799] : memref<25x16xi32, #tpu.memory_space<vmem>> -> memref<1x16xi32, #tpu.memory_space<vmem>>
          %dma_wait3A_801 = tpu.memref_squeeze %dma_wait3A_800 : memref<1x16xi32, #tpu.memory_space<vmem>> -> memref<16xi32, #tpu.memory_space<vmem>>
          %dma_wait3A_802 = arith.constant 0 : i32
          %dma_wait3A_803 = arith.constant 0 : i32
          %dma_wait3A_804 = tpu.memref_slice %arg37[%dma_wait3A_802, %dma_wait3A_803] : memref<10240x128xf32, #tpu.memory_space<vmem_shared>> -> memref<10240x128xf32, #tpu.memory_space<vmem_shared>>
          tpu.wait_indirect_dma semaphore(%arg34 : memref<!tpu.dma_semaphore, #tpu.memory_space<semaphore_mem>>) src(%arg20 : memref<16x128xf32, #tpu.memory_space<vmem>>) dst(%dma_wait3A_804 : memref<10240x128xf32, #tpu.memory_space<vmem_shared>>)
          %dma_wait3A_805 = arith.constant 0 : i32
          %dma_wait3A_806 = arith.constant 0 : i32
          %dma_wait3A_807 = tpu.memref_slice %arg22[%dma_wait3A_806] : memref<16xf32, #tpu.memory_space<vmem>> -> memref<16xf32, #tpu.memory_space<vmem>>
          %dma_wait3A_808 = arith.constant 0 : i32
          %dma_wait3A_809 = tpu.memref_slice %arg7[%dma_wait3A_805, %dma_wait3A_808] : memref<25x16xi32, #tpu.memory_space<vmem>> -> memref<1x16xi32, #tpu.memory_space<vmem>>
          %dma_wait3A_810 = tpu.memref_squeeze %dma_wait3A_809 : memref<1x16xi32, #tpu.memory_space<vmem>> -> memref<16xi32, #tpu.memory_space<vmem>>
          %dma_wait3A_811 = arith.constant 0 : i32
          %dma_wait3A_812 = tpu.memref_slice %arg38[%dma_wait3A_811] : memref<10240xf32, #tpu.memory_space<vmem_shared>> -> memref<10240xf32, #tpu.memory_space<vmem_shared>>
          tpu.wait_indirect_dma semaphore(%arg36 : memref<!tpu.dma_semaphore, #tpu.memory_space<semaphore_mem>>) src(%dma_wait3A_807 : memref<16xf32, #tpu.memory_space<vmem>>) dst(%dma_wait3A_812 : memref<10240xf32, #tpu.memory_space<vmem_shared>>)
        } else {
        }
        %scan3A_604 = arith.constant 0 : i32
        %scan3A_605 = arith.constant 0 : i32
        %scan3A_606 = arith.constant 16 : i32
        %scan3A_607 = arith.addi %scan3A_605, %scan3A_606 : i32
        %scan3A_608 = arith.constant 1 : i32
        %scan3A_609 = scf.for %scan3A_798 = %scan3A_605 to %scan3A_607 step %scan3A_608 iter_args(%scan3A_799 = %scan3A_604) -> (i32)  : i32 {
          %get3A = arith.index_cast %scan3A_798 : i32 to index
          %get3A_800 = arith.constant 0 : index
          %get3A_801 = tpu.vector_load %arg10[%get3A, %get3A_800] {strides = array<i32>} : memref<16x128xf32, #tpu.memory_space<vmem>>, vector<1x16xf32>,
          %get3A_802 = vector.shape_cast %get3A_801 : vector<1x16xf32> to vector<16xf32>
          %get3A_803 = arith.index_cast %scan3A_798 : i32 to index
          %get3A_804 = arith.constant 0 : index
          %get3A_805 = tpu.vector_load %arg15[%get3A_803, %get3A_804] {strides = array<i32>} : memref<16x128xf32, #tpu.memory_space<vmem>>, vector<1x16xf32>,
          %get3A_806 = vector.shape_cast %get3A_805 : vector<1x16xf32> to vector<16xf32>
          %sub3A = arith.subf %get3A_802, %get3A_806 : vector<16xf32>
          %abs3A = math.absf %sub3A : vector<16xf32>
          %swap3A_807 = arith.index_cast %scan3A_798 : i32 to index
          %swap3A_808 = arith.constant 0 : index
          %swap3A_809 = tpu.vector_load %arg20[%swap3A_807, %swap3A_808] {strides = array<i32>} : memref<16x128xf32, #tpu.memory_space<vmem>>, vector<1x16xf32>,
          %swap3A_810 = vector.shape_cast %swap3A_809 : vector<1x16xf32> to vector<16xf32>
          %swap3A_811 = vector.shape_cast %abs3A : vector<16xf32> to vector<1x16xf32>
          tpu.vector_store %arg20[%swap3A_807, %swap3A_808], %swap3A_811 {strides = array<i32>} : memref<16x128xf32, #tpu.memory_space<vmem>>, vector<1x16xf32>,
          %get3A_812 = arith.index_cast %scan3A_798 : i32 to index
          %get3A_813 = arith.constant 16 : index
          %get3A_814 = tpu.vector_load %arg10[%get3A_812, %get3A_813] {strides = array<i32>} : memref<16x128xf32, #tpu.memory_space<vmem>>, vector<1x16xf32>,
          %get3A_815 = vector.shape_cast %get3A_814 : vector<1x16xf32> to vector<16xf32>
          %get3A_816 = arith.index_cast %scan3A_798 : i32 to index
          %get3A_817 = arith.constant 16 : index
          %get3A_818 = tpu.vector_load %arg15[%get3A_816, %get3A_817] {strides = array<i32>} : memref<16x128xf32, #tpu.memory_space<vmem>>, vector<1x16xf32>,
          %get3A_819 = vector.shape_cast %get3A_818 : vector<1x16xf32> to vector<16xf32>
          %sub3A_820 = arith.subf %get3A_815, %get3A_819 : vector<16xf32>
          %abs3A_821 = math.absf %sub3A_820 : vector<16xf32>
          %swap3A_822 = arith.index_cast %scan3A_798 : i32 to index
          %swap3A_823 = arith.constant 16 : index
          %swap3A_824 = tpu.vector_load %arg20[%swap3A_822, %swap3A_823] {strides = array<i32>} : memref<16x128xf32, #tpu.memory_space<vmem>>, vector<1x16xf32>,
          %swap3A_825 = vector.shape_cast %swap3A_824 : vector<1x16xf32> to vector<16xf32>
          %swap3A_826 = vector.shape_cast %abs3A_821 : vector<16xf32> to vector<1x16xf32>
          tpu.vector_store %arg20[%swap3A_822, %swap3A_823], %swap3A_826 {strides = array<i32>} : memref<16x128xf32, #tpu.memory_space<vmem>>, vector<1x16xf32>,
          %get3A_827 = arith.index_cast %scan3A_798 : i32 to index
          %get3A_828 = arith.constant 32 : index
          %get3A_829 = tpu.vector_load %arg10[%get3A_827, %get3A_828] {strides = array<i32>} : memref<16x128xf32, #tpu.memory_space<vmem>>, vector<1x16xf32>,
          %get3A_830 = vector.shape_cast %get3A_829 : vector<1x16xf32> to vector<16xf32>
          %get3A_831 = arith.index_cast %scan3A_798 : i32 to index
          %get3A_832 = arith.constant 32 : index
          %get3A_833 = tpu.vector_load %arg15[%get3A_831, %get3A_832] {strides = array<i32>} : memref<16x128xf32, #tpu.memory_space<vmem>>, vector<1x16xf32>,
          %get3A_834 = vector.shape_cast %get3A_833 : vector<1x16xf32> to vector<16xf32>
          %sub3A_835 = arith.subf %get3A_830, %get3A_834 : vector<16xf32>
          %abs3A_836 = math.absf %sub3A_835 : vector<16xf32>
          %swap3A_837 = arith.index_cast %scan3A_798 : i32 to index
          %swap3A_838 = arith.constant 32 : index
          %swap3A_839 = tpu.vector_load %arg20[%swap3A_837, %swap3A_838] {strides = array<i32>} : memref<16x128xf32, #tpu.memory_space<vmem>>, vector<1x16xf32>,
          %swap3A_840 = vector.shape_cast %swap3A_839 : vector<1x16xf32> to vector<16xf32>
          %swap3A_841 = vector.shape_cast %abs3A_836 : vector<16xf32> to vector<1x16xf32>
          tpu.vector_store %arg20[%swap3A_837, %swap3A_838], %swap3A_841 {strides = array<i32>} : memref<16x128xf32, #tpu.memory_space<vmem>>, vector<1x16xf32>,
          %get3A_842 = arith.index_cast %scan3A_798 : i32 to index
          %get3A_843 = arith.constant 48 : index
          %get3A_844 = tpu.vector_load %arg10[%get3A_842, %get3A_843] {strides = array<i32>} : memref<16x128xf32, #tpu.memory_space<vmem>>, vector<1x16xf32>,
          %get3A_845 = vector.shape_cast %get3A_844 : vector<1x16xf32> to vector<16xf32>
          %get3A_846 = arith.index_cast %scan3A_798 : i32 to index
          %get3A_847 = arith.constant 48 : index
          %get3A_848 = tpu.vector_load %arg15[%get3A_846, %get3A_847] {strides = array<i32>} : memref<16x128xf32, #tpu.memory_space<vmem>>, vector<1x16xf32>,
          %get3A_849 = vector.shape_cast %get3A_848 : vector<1x16xf32> to vector<16xf32>
          %sub3A_850 = arith.subf %get3A_845, %get3A_849 : vector<16xf32>
          %abs3A_851 = math.absf %sub3A_850 : vector<16xf32>
          %swap3A_852 = arith.index_cast %scan3A_798 : i32 to index
          %swap3A_853 = arith.constant 48 : index
          %swap3A_854 = tpu.vector_load %arg20[%swap3A_852, %swap3A_853] {strides = array<i32>} : memref<16x128xf32, #tpu.memory_space<vmem>>, vector<1x16xf32>,
          %swap3A_855 = vector.shape_cast %swap3A_854 : vector<1x16xf32> to vector<16xf32>
          %swap3A_856 = vector.shape_cast %abs3A_851 : vector<16xf32> to vector<1x16xf32>
          tpu.vector_store %arg20[%swap3A_852, %swap3A_853], %swap3A_856 {strides = array<i32>} : memref<16x128xf32, #tpu.memory_space<vmem>>, vector<1x16xf32>,
          %get3A_857 = arith.index_cast %scan3A_798 : i32 to index
          %get3A_858 = arith.constant 64 : index
          %get3A_859 = tpu.vector_load %arg10[%get3A_857, %get3A_858] {strides = array<i32>} : memref<16x128xf32, #tpu.memory_space<vmem>>, vector<1x16xf32>,
          %get3A_860 = vector.shape_cast %get3A_859 : vector<1x16xf32> to vector<16xf32>
          %get3A_861 = arith.index_cast %scan3A_798 : i32 to index
          %get3A_862 = arith.constant 64 : index
          %get3A_863 = tpu.vector_load %arg15[%get3A_861, %get3A_862] {strides = array<i32>} : memref<16x128xf32, #tpu.memory_space<vmem>>, vector<1x16xf32>,
          %get3A_864 = vector.shape_cast %get3A_863 : vector<1x16xf32> to vector<16xf32>
          %sub3A_865 = arith.subf %get3A_860, %get3A_864 : vector<16xf32>
          %abs3A_866 = math.absf %sub3A_865 : vector<16xf32>
          %swap3A_867 = arith.index_cast %scan3A_798 : i32 to index
          %swap3A_868 = arith.constant 64 : index
          %swap3A_869 = tpu.vector_load %arg20[%swap3A_867, %swap3A_868] {strides = array<i32>} : memref<16x128xf32, #tpu.memory_space<vmem>>, vector<1x16xf32>,
          %swap3A_870 = vector.shape_cast %swap3A_869 : vector<1x16xf32> to vector<16xf32>
          %swap3A_871 = vector.shape_cast %abs3A_866 : vector<16xf32> to vector<1x16xf32>
          tpu.vector_store %arg20[%swap3A_867, %swap3A_868], %swap3A_871 {strides = array<i32>} : memref<16x128xf32, #tpu.memory_space<vmem>>, vector<1x16xf32>,
          %get3A_872 = arith.index_cast %scan3A_798 : i32 to index
          %get3A_873 = arith.constant 80 : index
          %get3A_874 = tpu.vector_load %arg10[%get3A_872, %get3A_873] {strides = array<i32>} : memref<16x128xf32, #tpu.memory_space<vmem>>, vector<1x16xf32>,
          %get3A_875 = vector.shape_cast %get3A_874 : vector<1x16xf32> to vector<16xf32>
          %get3A_876 = arith.index_cast %scan3A_798 : i32 to index
          %get3A_877 = arith.constant 80 : index
          %get3A_878 = tpu.vector_load %arg15[%get3A_876, %get3A_877] {strides = array<i32>} : memref<16x128xf32, #tpu.memory_space<vmem>>, vector<1x16xf32>,
          %get3A_879 = vector.shape_cast %get3A_878 : vector<1x16xf32> to vector<16xf32>
          %sub3A_880 = arith.subf %get3A_875, %get3A_879 : vector<16xf32>
          %abs3A_881 = math.absf %sub3A_880 : vector<16xf32>
          %swap3A_882 = arith.index_cast %scan3A_798 : i32 to index
          %swap3A_883 = arith.constant 80 : index
          %swap3A_884 = tpu.vector_load %arg20[%swap3A_882, %swap3A_883] {strides = array<i32>} : memref<16x128xf32, #tpu.memory_space<vmem>>, vector<1x16xf32>,
          %swap3A_885 = vector.shape_cast %swap3A_884 : vector<1x16xf32> to vector<16xf32>
          %swap3A_886 = vector.shape_cast %abs3A_881 : vector<16xf32> to vector<1x16xf32>
          tpu.vector_store %arg20[%swap3A_882, %swap3A_883], %swap3A_886 {strides = array<i32>} : memref<16x128xf32, #tpu.memory_space<vmem>>, vector<1x16xf32>,
          %get3A_887 = arith.index_cast %scan3A_798 : i32 to index
          %get3A_888 = arith.constant 96 : index
          %get3A_889 = tpu.vector_load %arg10[%get3A_887, %get3A_888] {strides = array<i32>} : memref<16x128xf32, #tpu.memory_space<vmem>>, vector<1x16xf32>,
          %get3A_890 = vector.shape_cast %get3A_889 : vector<1x16xf32> to vector<16xf32>
          %get3A_891 = arith.index_cast %scan3A_798 : i32 to index
          %get3A_892 = arith.constant 96 : index
          %get3A_893 = tpu.vector_load %arg15[%get3A_891, %get3A_892] {strides = array<i32>} : memref<16x128xf32, #tpu.memory_space<vmem>>, vector<1x16xf32>,
          %get3A_894 = vector.shape_cast %get3A_893 : vector<1x16xf32> to vector<16xf32>
          %sub3A_895 = arith.subf %get3A_890, %get3A_894 : vector<16xf32>
          %abs3A_896 = math.absf %sub3A_895 : vector<16xf32>
          %swap3A_897 = arith.index_cast %scan3A_798 : i32 to index
          %swap3A_898 = arith.constant 96 : index
          %swap3A_899 = tpu.vector_load %arg20[%swap3A_897, %swap3A_898] {strides = array<i32>} : memref<16x128xf32, #tpu.memory_space<vmem>>, vector<1x16xf32>,
          %swap3A_900 = vector.shape_cast %swap3A_899 : vector<1x16xf32> to vector<16xf32>
          %swap3A_901 = vector.shape_cast %abs3A_896 : vector<16xf32> to vector<1x16xf32>
          tpu.vector_store %arg20[%swap3A_897, %swap3A_898], %swap3A_901 {strides = array<i32>} : memref<16x128xf32, #tpu.memory_space<vmem>>, vector<1x16xf32>,
          %get3A_902 = arith.index_cast %scan3A_798 : i32 to index
          %get3A_903 = arith.constant 112 : index
          %get3A_904 = tpu.vector_load %arg10[%get3A_902, %get3A_903] {strides = array<i32>} : memref<16x128xf32, #tpu.memory_space<vmem>>, vector<1x16xf32>,
          %get3A_905 = vector.shape_cast %get3A_904 : vector<1x16xf32> to vector<16xf32>
          %get3A_906 = arith.index_cast %scan3A_798 : i32 to index
          %get3A_907 = arith.constant 112 : index
          %get3A_908 = tpu.vector_load %arg15[%get3A_906, %get3A_907] {strides = array<i32>} : memref<16x128xf32, #tpu.memory_space<vmem>>, vector<1x16xf32>,
          %get3A_909 = vector.shape_cast %get3A_908 : vector<1x16xf32> to vector<16xf32>
          %sub3A_910 = arith.subf %get3A_905, %get3A_909 : vector<16xf32>
          %abs3A_911 = math.absf %sub3A_910 : vector<16xf32>
          %swap3A_912 = arith.index_cast %scan3A_798 : i32 to index
          %swap3A_913 = arith.constant 112 : index
          %swap3A_914 = tpu.vector_load %arg20[%swap3A_912, %swap3A_913] {strides = array<i32>} : memref<16x128xf32, #tpu.memory_space<vmem>>, vector<1x16xf32>,
          %swap3A_915 = vector.shape_cast %swap3A_914 : vector<1x16xf32> to vector<16xf32>
          %swap3A_916 = vector.shape_cast %abs3A_911 : vector<16xf32> to vector<1x16xf32>
          tpu.vector_store %arg20[%swap3A_912, %swap3A_913], %swap3A_916 {strides = array<i32>} : memref<16x128xf32, #tpu.memory_space<vmem>>, vector<1x16xf32>,
          %scan3A_917 = arith.constant 0 : i32
          scf.yield %scan3A_917 : i32
        }
        %scan3A_610 = arith.constant 16 : i32
        %dma_start3A_611 = arith.constant 0 : i32
        %dma_start3A_612 = tpu.memref_slice %arg7[%add3A_586, %dma_start3A_611] : memref<25x16xi32, #tpu.memory_space<vmem>> -> memref<1x16xi32, #tpu.memory_space<vmem>>
        %dma_start3A_613 = tpu.memref_squeeze %dma_start3A_612 : memref<1x16xi32, #tpu.memory_space<vmem>> -> memref<16xi32, #tpu.memory_space<vmem>>
        %dma_start3A_614 = arith.constant 0 : i32
        %dma_start3A_615 = arith.constant 0 : i32
        %dma_start3A_616 = tpu.memref_slice %arg37[%dma_start3A_614, %dma_start3A_615] : memref<10240x128xf32, #tpu.memory_space<vmem_shared>> -> memref<10240x128xf32, #tpu.memory_space<vmem_shared>>
        tpu.enqueue_indirect_dma source(%arg20 : memref<16x128xf32, #tpu.memory_space<vmem>>) target(%dma_start3A_616 : memref<10240x128xf32, #tpu.memory_space<vmem_shared>>) offsets(%dma_start3A_613 : memref<16xi32, #tpu.memory_space<vmem>>) semaphore(%arg34 : memref<!tpu.dma_semaphore, #tpu.memory_space<semaphore_mem>>) {add = true}
        %dma_start3A_617 = arith.constant 0 : i32
        %dma_start3A_618 = tpu.memref_slice %arg22[%dma_start3A_617] : memref<16xf32, #tpu.memory_space<vmem>> -> memref<16xf32, #tpu.memory_space<vmem>>
        %dma_start3A_619 = arith.constant 0 : i32
        %dma_start3A_620 = tpu.memref_slice %arg7[%add3A_586, %dma_start3A_619] : memref<25x16xi32, #tpu.memory_space<vmem>> -> memref<1x16xi32, #tpu.memory_space<vmem>>
        %dma_start3A_621 = tpu.memref_squeeze %dma_start3A_620 : memref<1x16xi32, #tpu.memory_space<vmem>> -> memref<16xi32, #tpu.memory_space<vmem>>
        %dma_start3A_622 = arith.constant 0 : i32
        %dma_start3A_623 = tpu.memref_slice %arg38[%dma_start3A_622] : memref<10240xf32, #tpu.memory_space<vmem_shared>> -> memref<10240xf32, #tpu.memory_space<vmem_shared>>
        tpu.enqueue_indirect_dma source(%dma_start3A_618 : memref<16xf32, #tpu.memory_space<vmem>>) target(%dma_start3A_623 : memref<10240xf32, #tpu.memory_space<vmem_shared>>) offsets(%dma_start3A_621 : memref<16xi32, #tpu.memory_space<vmem>>) semaphore(%arg36 : memref<!tpu.dma_semaphore, #tpu.memory_space<semaphore_mem>>) {add = true}
        %lt3A_624 = arith.constant 4 : i32
        %lt3A_625 = arith.cmpi slt, %scan3A_539, %lt3A_624 : i32
        %convert_element_type3A_626 = arith.extui %lt3A_625 : i1 to i32
        %cond3A_627 = arith.constant 0 : i32
        %cond3A_628 = arith.cmpi ne, %convert_element_type3A_626, %cond3A_627 : i32
        scf.if %cond3A_628 {
          %add3A_798 = arith.constant 5 : i32
          %add3A_799 = arith.addi %add3A_586, %add3A_798 : i32
          %dma_start3A_800 = arith.constant 0 : i32
          %dma_start3A_801 = tpu.memref_slice %arg7[%add3A_799, %dma_start3A_800] : memref<25x16xi32, #tpu.memory_space<vmem>> -> memref<1x16xi32, #tpu.memory_space<vmem>>
          %dma_start3A_802 = tpu.memref_squeeze %dma_start3A_801 : memref<1x16xi32, #tpu.memory_space<vmem>> -> memref<16xi32, #tpu.memory_space<vmem>>
          %dma_start3A_803 = arith.constant 0 : i32
          %dma_start3A_804 = arith.constant 0 : i32
          %dma_start3A_805 = tpu.memref_slice %arg2[%dma_start3A_803, %dma_start3A_804] : memref<10000x128xf32, #tpu.memory_space<hbm>> -> memref<10000x128xf32, #tpu.memory_space<hbm>>
          tpu.enqueue_indirect_dma source(%dma_start3A_805 : memref<10000x128xf32, #tpu.memory_space<hbm>>) target(%arg10 : memref<16x128xf32, #tpu.memory_space<vmem>>) offsets(%dma_start3A_802 : memref<16xi32, #tpu.memory_space<vmem>>) semaphore(%arg24 : memref<!tpu.dma_semaphore, #tpu.memory_space<semaphore_mem>>)
          %add3A_806 = arith.constant 5 : i32
          %add3A_807 = arith.addi %add3A_586, %add3A_806 : i32
          %dma_start3A_808 = arith.constant 0 : i32
          %dma_start3A_809 = tpu.memref_slice %arg8[%add3A_807, %dma_start3A_808] : memref<25x16xi32, #tpu.memory_space<vmem>> -> memref<1x16xi32, #tpu.memory_space<vmem>>
          %dma_start3A_810 = tpu.memref_squeeze %dma_start3A_809 : memref<1x16xi32, #tpu.memory_space<vmem>> -> memref<16xi32, #tpu.memory_space<vmem>>
          %dma_start3A_811 = arith.constant 0 : i32
          %dma_start3A_812 = arith.constant 0 : i32
          %dma_start3A_813 = tpu.memref_slice %arg2[%dma_start3A_811, %dma_start3A_812] : memref<10000x128xf32, #tpu.memory_space<hbm>> -> memref<10000x128xf32, #tpu.memory_space<hbm>>
          tpu.enqueue_indirect_dma source(%dma_start3A_813 : memref<10000x128xf32, #tpu.memory_space<hbm>>) target(%arg15 : memref<16x128xf32, #tpu.memory_space<vmem>>) offsets(%dma_start3A_810 : memref<16xi32, #tpu.memory_space<vmem>>) semaphore(%arg29 : memref<!tpu.dma_semaphore, #tpu.memory_space<semaphore_mem>>)
        } else {
        }
        %mul3A_629 = arith.constant 5 : i32
        %mul3A_630 = arith.muli %mul3A_629, %scan3A_539 : i32
        %add3A_631 = arith.constant 2 : i32
        %add3A_632 = arith.addi %mul3A_630, %add3A_631 : i32
        %dma_wait3A_633 = arith.constant 0 : i32
        %dma_wait3A_634 = arith.constant 0 : i32
        %dma_wait3A_635 = tpu.memref_slice %arg2[%dma_wait3A_633, %dma_wait3A_634] : memref<10000x128xf32, #tpu.memory_space<hbm>> -> memref<16x128xf32, #tpu.memory_space<hbm>>
        %dma_wait3A_636 = arith.constant 0 : i32
        %dma_wait3A_637 = arith.constant 0 : i32
        %dma_wait3A_638 = tpu.memref_slice %arg2[%dma_wait3A_636, %dma_wait3A_637] : memref<10000x128xf32, #tpu.memory_space<hbm>> -> memref<16x128xf32, #tpu.memory_space<hbm>>
        tpu.wait_dma2 semaphore(%arg25 : memref<!tpu.dma_semaphore, #tpu.memory_space<semaphore_mem>>) src(%dma_wait3A_638 : memref<16x128xf32, #tpu.memory_space<hbm>>) dst(%arg11 : memref<16x128xf32, #tpu.memory_space<vmem>>)
        %dma_wait3A_639 = arith.constant 0 : i32
        %dma_wait3A_640 = arith.constant 0 : i32
        %dma_wait3A_641 = tpu.memref_slice %arg2[%dma_wait3A_639, %dma_wait3A_640] : memref<10000x128xf32, #tpu.memory_space<hbm>> -> memref<16x128xf32, #tpu.memory_space<hbm>>
        %dma_wait3A_642 = arith.constant 0 : i32
        %dma_wait3A_643 = arith.constant 0 : i32
        %dma_wait3A_644 = tpu.memref_slice %arg2[%dma_wait3A_642, %dma_wait3A_643] : memref<10000x128xf32, #tpu.memory_space<hbm>> -> memref<16x128xf32, #tpu.memory_space<hbm>>
        tpu.wait_dma2 semaphore(%arg30 : memref<!tpu.dma_semaphore, #tpu.memory_space<semaphore_mem>>) src(%dma_wait3A_644 : memref<16x128xf32, #tpu.memory_space<hbm>>) dst(%arg16 : memref<16x128xf32, #tpu.memory_space<vmem>>)
        %dma_wait3A_645 = arith.constant 0 : i32
        %dma_wait3A_646 = arith.constant 0 : i32
        %dma_wait3A_647 = tpu.memref_slice %arg7[%dma_wait3A_645, %dma_wait3A_646] : memref<25x16xi32, #tpu.memory_space<vmem>> -> memref<1x16xi32, #tpu.memory_space<vmem>>
        %dma_wait3A_648 = tpu.memref_squeeze %dma_wait3A_647 : memref<1x16xi32, #tpu.memory_space<vmem>> -> memref<16xi32, #tpu.memory_space<vmem>>
        %dma_wait3A_649 = arith.constant 0 : i32
        %dma_wait3A_650 = arith.constant 0 : i32
        %dma_wait3A_651 = tpu.memref_slice %arg37[%dma_wait3A_649, %dma_wait3A_650] : memref<10240x128xf32, #tpu.memory_space<vmem_shared>> -> memref<10240x128xf32, #tpu.memory_space<vmem_shared>>
        tpu.wait_indirect_dma semaphore(%arg33 : memref<!tpu.dma_semaphore, #tpu.memory_space<semaphore_mem>>) src(%arg19 : memref<16x128xf32, #tpu.memory_space<vmem>>) dst(%dma_wait3A_651 : memref<10240x128xf32, #tpu.memory_space<vmem_shared>>)
        %dma_wait3A_652 = arith.constant 0 : i32
        %dma_wait3A_653 = arith.constant 0 : i32
        %dma_wait3A_654 = tpu.memref_slice %arg22[%dma_wait3A_653] : memref<16xf32, #tpu.memory_space<vmem>> -> memref<16xf32, #tpu.memory_space<vmem>>
        %dma_wait3A_655 = arith.constant 0 : i32
        %dma_wait3A_656 = tpu.memref_slice %arg7[%dma_wait3A_652, %dma_wait3A_655] : memref<25x16xi32, #tpu.memory_space<vmem>> -> memref<1x16xi32, #tpu.memory_space<vmem>>
        %dma_wait3A_657 = tpu.memref_squeeze %dma_wait3A_656 : memref<1x16xi32, #tpu.memory_space<vmem>> -> memref<16xi32, #tpu.memory_space<vmem>>
        %dma_wait3A_658 = arith.constant 0 : i32
        %dma_wait3A_659 = tpu.memref_slice %arg38[%dma_wait3A_658] : memref<10240xf32, #tpu.memory_space<vmem_shared>> -> memref<10240xf32, #tpu.memory_space<vmem_shared>>
        tpu.wait_indirect_dma semaphore(%arg35 : memref<!tpu.dma_semaphore, #tpu.memory_space<semaphore_mem>>) src(%dma_wait3A_654 : memref<16xf32, #tpu.memory_space<vmem>>) dst(%dma_wait3A_659 : memref<10240xf32, #tpu.memory_space<vmem_shared>>)
        %scan3A_660 = arith.constant 0 : i32
        %scan3A_661 = arith.constant 0 : i32
        %scan3A_662 = arith.constant 16 : i32
        %scan3A_663 = arith.addi %scan3A_661, %scan3A_662 : i32
        %scan3A_664 = arith.constant 1 : i32
        %scan3A_665 = scf.for %scan3A_798 = %scan3A_661 to %scan3A_663 step %scan3A_664 iter_args(%scan3A_799 = %scan3A_660) -> (i32)  : i32 {
          %get3A = arith.index_cast %scan3A_798 : i32 to index
          %get3A_800 = arith.constant 0 : index
          %get3A_801 = tpu.vector_load %arg11[%get3A, %get3A_800] {strides = array<i32>} : memref<16x128xf32, #tpu.memory_space<vmem>>, vector<1x16xf32>,
          %get3A_802 = vector.shape_cast %get3A_801 : vector<1x16xf32> to vector<16xf32>
          %get3A_803 = arith.index_cast %scan3A_798 : i32 to index
          %get3A_804 = arith.constant 0 : index
          %get3A_805 = tpu.vector_load %arg16[%get3A_803, %get3A_804] {strides = array<i32>} : memref<16x128xf32, #tpu.memory_space<vmem>>, vector<1x16xf32>,
          %get3A_806 = vector.shape_cast %get3A_805 : vector<1x16xf32> to vector<16xf32>
          %sub3A = arith.subf %get3A_802, %get3A_806 : vector<16xf32>
          %abs3A = math.absf %sub3A : vector<16xf32>
          %swap3A_807 = arith.index_cast %scan3A_798 : i32 to index
          %swap3A_808 = arith.constant 0 : index
          %swap3A_809 = tpu.vector_load %arg19[%swap3A_807, %swap3A_808] {strides = array<i32>} : memref<16x128xf32, #tpu.memory_space<vmem>>, vector<1x16xf32>,
          %swap3A_810 = vector.shape_cast %swap3A_809 : vector<1x16xf32> to vector<16xf32>
          %swap3A_811 = vector.shape_cast %abs3A : vector<16xf32> to vector<1x16xf32>
          tpu.vector_store %arg19[%swap3A_807, %swap3A_808], %swap3A_811 {strides = array<i32>} : memref<16x128xf32, #tpu.memory_space<vmem>>, vector<1x16xf32>,
          %get3A_812 = arith.index_cast %scan3A_798 : i32 to index
          %get3A_813 = arith.constant 16 : index
          %get3A_814 = tpu.vector_load %arg11[%get3A_812, %get3A_813] {strides = array<i32>} : memref<16x128xf32, #tpu.memory_space<vmem>>, vector<1x16xf32>,
          %get3A_815 = vector.shape_cast %get3A_814 : vector<1x16xf32> to vector<16xf32>
          %get3A_816 = arith.index_cast %scan3A_798 : i32 to index
          %get3A_817 = arith.constant 16 : index
          %get3A_818 = tpu.vector_load %arg16[%get3A_816, %get3A_817] {strides = array<i32>} : memref<16x128xf32, #tpu.memory_space<vmem>>, vector<1x16xf32>,
          %get3A_819 = vector.shape_cast %get3A_818 : vector<1x16xf32> to vector<16xf32>
          %sub3A_820 = arith.subf %get3A_815, %get3A_819 : vector<16xf32>
          %abs3A_821 = math.absf %sub3A_820 : vector<16xf32>
          %swap3A_822 = arith.index_cast %scan3A_798 : i32 to index
          %swap3A_823 = arith.constant 16 : index
          %swap3A_824 = tpu.vector_load %arg19[%swap3A_822, %swap3A_823] {strides = array<i32>} : memref<16x128xf32, #tpu.memory_space<vmem>>, vector<1x16xf32>,
          %swap3A_825 = vector.shape_cast %swap3A_824 : vector<1x16xf32> to vector<16xf32>
          %swap3A_826 = vector.shape_cast %abs3A_821 : vector<16xf32> to vector<1x16xf32>
          tpu.vector_store %arg19[%swap3A_822, %swap3A_823], %swap3A_826 {strides = array<i32>} : memref<16x128xf32, #tpu.memory_space<vmem>>, vector<1x16xf32>,
          %get3A_827 = arith.index_cast %scan3A_798 : i32 to index
          %get3A_828 = arith.constant 32 : index
          %get3A_829 = tpu.vector_load %arg11[%get3A_827, %get3A_828] {strides = array<i32>} : memref<16x128xf32, #tpu.memory_space<vmem>>, vector<1x16xf32>,
          %get3A_830 = vector.shape_cast %get3A_829 : vector<1x16xf32> to vector<16xf32>
          %get3A_831 = arith.index_cast %scan3A_798 : i32 to index
          %get3A_832 = arith.constant 32 : index
          %get3A_833 = tpu.vector_load %arg16[%get3A_831, %get3A_832] {strides = array<i32>} : memref<16x128xf32, #tpu.memory_space<vmem>>, vector<1x16xf32>,
          %get3A_834 = vector.shape_cast %get3A_833 : vector<1x16xf32> to vector<16xf32>
          %sub3A_835 = arith.subf %get3A_830, %get3A_834 : vector<16xf32>
          %abs3A_836 = math.absf %sub3A_835 : vector<16xf32>
          %swap3A_837 = arith.index_cast %scan3A_798 : i32 to index
          %swap3A_838 = arith.constant 32 : index
          %swap3A_839 = tpu.vector_load %arg19[%swap3A_837, %swap3A_838] {strides = array<i32>} : memref<16x128xf32, #tpu.memory_space<vmem>>, vector<1x16xf32>,
          %swap3A_840 = vector.shape_cast %swap3A_839 : vector<1x16xf32> to vector<16xf32>
          %swap3A_841 = vector.shape_cast %abs3A_836 : vector<16xf32> to vector<1x16xf32>
          tpu.vector_store %arg19[%swap3A_837, %swap3A_838], %swap3A_841 {strides = array<i32>} : memref<16x128xf32, #tpu.memory_space<vmem>>, vector<1x16xf32>,
          %get3A_842 = arith.index_cast %scan3A_798 : i32 to index
          %get3A_843 = arith.constant 48 : index
          %get3A_844 = tpu.vector_load %arg11[%get3A_842, %get3A_843] {strides = array<i32>} : memref<16x128xf32, #tpu.memory_space<vmem>>, vector<1x16xf32>,
          %get3A_845 = vector.shape_cast %get3A_844 : vector<1x16xf32> to vector<16xf32>
          %get3A_846 = arith.index_cast %scan3A_798 : i32 to index
          %get3A_847 = arith.constant 48 : index
          %get3A_848 = tpu.vector_load %arg16[%get3A_846, %get3A_847] {strides = array<i32>} : memref<16x128xf32, #tpu.memory_space<vmem>>, vector<1x16xf32>,
          %get3A_849 = vector.shape_cast %get3A_848 : vector<1x16xf32> to vector<16xf32>
          %sub3A_850 = arith.subf %get3A_845, %get3A_849 : vector<16xf32>
          %abs3A_851 = math.absf %sub3A_850 : vector<16xf32>
          %swap3A_852 = arith.index_cast %scan3A_798 : i32 to index
          %swap3A_853 = arith.constant 48 : index
          %swap3A_854 = tpu.vector_load %arg19[%swap3A_852, %swap3A_853] {strides = array<i32>} : memref<16x128xf32, #tpu.memory_space<vmem>>, vector<1x16xf32>,
          %swap3A_855 = vector.shape_cast %swap3A_854 : vector<1x16xf32> to vector<16xf32>
          %swap3A_856 = vector.shape_cast %abs3A_851 : vector<16xf32> to vector<1x16xf32>
          tpu.vector_store %arg19[%swap3A_852, %swap3A_853], %swap3A_856 {strides = array<i32>} : memref<16x128xf32, #tpu.memory_space<vmem>>, vector<1x16xf32>,
          %get3A_857 = arith.index_cast %scan3A_798 : i32 to index
          %get3A_858 = arith.constant 64 : index
          %get3A_859 = tpu.vector_load %arg11[%get3A_857, %get3A_858] {strides = array<i32>} : memref<16x128xf32, #tpu.memory_space<vmem>>, vector<1x16xf32>,
          %get3A_860 = vector.shape_cast %get3A_859 : vector<1x16xf32> to vector<16xf32>
          %get3A_861 = arith.index_cast %scan3A_798 : i32 to index
          %get3A_862 = arith.constant 64 : index
          %get3A_863 = tpu.vector_load %arg16[%get3A_861, %get3A_862] {strides = array<i32>} : memref<16x128xf32, #tpu.memory_space<vmem>>, vector<1x16xf32>,
          %get3A_864 = vector.shape_cast %get3A_863 : vector<1x16xf32> to vector<16xf32>
          %sub3A_865 = arith.subf %get3A_860, %get3A_864 : vector<16xf32>
          %abs3A_866 = math.absf %sub3A_865 : vector<16xf32>
          %swap3A_867 = arith.index_cast %scan3A_798 : i32 to index
          %swap3A_868 = arith.constant 64 : index
          %swap3A_869 = tpu.vector_load %arg19[%swap3A_867, %swap3A_868] {strides = array<i32>} : memref<16x128xf32, #tpu.memory_space<vmem>>, vector<1x16xf32>,
          %swap3A_870 = vector.shape_cast %swap3A_869 : vector<1x16xf32> to vector<16xf32>
          %swap3A_871 = vector.shape_cast %abs3A_866 : vector<16xf32> to vector<1x16xf32>
          tpu.vector_store %arg19[%swap3A_867, %swap3A_868], %swap3A_871 {strides = array<i32>} : memref<16x128xf32, #tpu.memory_space<vmem>>, vector<1x16xf32>,
          %get3A_872 = arith.index_cast %scan3A_798 : i32 to index
          %get3A_873 = arith.constant 80 : index
          %get3A_874 = tpu.vector_load %arg11[%get3A_872, %get3A_873] {strides = array<i32>} : memref<16x128xf32, #tpu.memory_space<vmem>>, vector<1x16xf32>,
          %get3A_875 = vector.shape_cast %get3A_874 : vector<1x16xf32> to vector<16xf32>
          %get3A_876 = arith.index_cast %scan3A_798 : i32 to index
          %get3A_877 = arith.constant 80 : index
          %get3A_878 = tpu.vector_load %arg16[%get3A_876, %get3A_877] {strides = array<i32>} : memref<16x128xf32, #tpu.memory_space<vmem>>, vector<1x16xf32>,
          %get3A_879 = vector.shape_cast %get3A_878 : vector<1x16xf32> to vector<16xf32>
          %sub3A_880 = arith.subf %get3A_875, %get3A_879 : vector<16xf32>
          %abs3A_881 = math.absf %sub3A_880 : vector<16xf32>
          %swap3A_882 = arith.index_cast %scan3A_798 : i32 to index
          %swap3A_883 = arith.constant 80 : index
          %swap3A_884 = tpu.vector_load %arg19[%swap3A_882, %swap3A_883] {strides = array<i32>} : memref<16x128xf32, #tpu.memory_space<vmem>>, vector<1x16xf32>,
          %swap3A_885 = vector.shape_cast %swap3A_884 : vector<1x16xf32> to vector<16xf32>
          %swap3A_886 = vector.shape_cast %abs3A_881 : vector<16xf32> to vector<1x16xf32>
          tpu.vector_store %arg19[%swap3A_882, %swap3A_883], %swap3A_886 {strides = array<i32>} : memref<16x128xf32, #tpu.memory_space<vmem>>, vector<1x16xf32>,
          %get3A_887 = arith.index_cast %scan3A_798 : i32 to index
          %get3A_888 = arith.constant 96 : index
          %get3A_889 = tpu.vector_load %arg11[%get3A_887, %get3A_888] {strides = array<i32>} : memref<16x128xf32, #tpu.memory_space<vmem>>, vector<1x16xf32>,
          %get3A_890 = vector.shape_cast %get3A_889 : vector<1x16xf32> to vector<16xf32>
          %get3A_891 = arith.index_cast %scan3A_798 : i32 to index
          %get3A_892 = arith.constant 96 : index
          %get3A_893 = tpu.vector_load %arg16[%get3A_891, %get3A_892] {strides = array<i32>} : memref<16x128xf32, #tpu.memory_space<vmem>>, vector<1x16xf32>,
          %get3A_894 = vector.shape_cast %get3A_893 : vector<1x16xf32> to vector<16xf32>
          %sub3A_895 = arith.subf %get3A_890, %get3A_894 : vector<16xf32>
          %abs3A_896 = math.absf %sub3A_895 : vector<16xf32>
          %swap3A_897 = arith.index_cast %scan3A_798 : i32 to index
          %swap3A_898 = arith.constant 96 : index
          %swap3A_899 = tpu.vector_load %arg19[%swap3A_897, %swap3A_898] {strides = array<i32>} : memref<16x128xf32, #tpu.memory_space<vmem>>, vector<1x16xf32>,
          %swap3A_900 = vector.shape_cast %swap3A_899 : vector<1x16xf32> to vector<16xf32>
          %swap3A_901 = vector.shape_cast %abs3A_896 : vector<16xf32> to vector<1x16xf32>
          tpu.vector_store %arg19[%swap3A_897, %swap3A_898], %swap3A_901 {strides = array<i32>} : memref<16x128xf32, #tpu.memory_space<vmem>>, vector<1x16xf32>,
          %get3A_902 = arith.index_cast %scan3A_798 : i32 to index
          %get3A_903 = arith.constant 112 : index
          %get3A_904 = tpu.vector_load %arg11[%get3A_902, %get3A_903] {strides = array<i32>} : memref<16x128xf32, #tpu.memory_space<vmem>>, vector<1x16xf32>,
          %get3A_905 = vector.shape_cast %get3A_904 : vector<1x16xf32> to vector<16xf32>
          %get3A_906 = arith.index_cast %scan3A_798 : i32 to index
          %get3A_907 = arith.constant 112 : index
          %get3A_908 = tpu.vector_load %arg16[%get3A_906, %get3A_907] {strides = array<i32>} : memref<16x128xf32, #tpu.memory_space<vmem>>, vector<1x16xf32>,
          %get3A_909 = vector.shape_cast %get3A_908 : vector<1x16xf32> to vector<16xf32>
          %sub3A_910 = arith.subf %get3A_905, %get3A_909 : vector<16xf32>
          %abs3A_911 = math.absf %sub3A_910 : vector<16xf32>
          %swap3A_912 = arith.index_cast %scan3A_798 : i32 to index
          %swap3A_913 = arith.constant 112 : index
          %swap3A_914 = tpu.vector_load %arg19[%swap3A_912, %swap3A_913] {strides = array<i32>} : memref<16x128xf32, #tpu.memory_space<vmem>>, vector<1x16xf32>,
          %swap3A_915 = vector.shape_cast %swap3A_914 : vector<1x16xf32> to vector<16xf32>
          %swap3A_916 = vector.shape_cast %abs3A_911 : vector<16xf32> to vector<1x16xf32>
          tpu.vector_store %arg19[%swap3A_912, %swap3A_913], %swap3A_916 {strides = array<i32>} : memref<16x128xf32, #tpu.memory_space<vmem>>, vector<1x16xf32>,
          %scan3A_917 = arith.constant 0 : i32
          scf.yield %scan3A_917 : i32
        }
        %scan3A_666 = arith.constant 16 : i32
        %dma_start3A_667 = arith.constant 0 : i32
        %dma_start3A_668 = tpu.memref_slice %arg7[%add3A_632, %dma_start3A_667] : memref<25x16xi32, #tpu.memory_space<vmem>> -> memref<1x16xi32, #tpu.memory_space<vmem>>
        %dma_start3A_669 = tpu.memref_squeeze %dma_start3A_668 : memref<1x16xi32, #tpu.memory_space<vmem>> -> memref<16xi32, #tpu.memory_space<vmem>>
        %dma_start3A_670 = arith.constant 0 : i32
        %dma_start3A_671 = arith.constant 0 : i32
        %dma_start3A_672 = tpu.memref_slice %arg37[%dma_start3A_670, %dma_start3A_671] : memref<10240x128xf32, #tpu.memory_space<vmem_shared>> -> memref<10240x128xf32, #tpu.memory_space<vmem_shared>>
        tpu.enqueue_indirect_dma source(%arg19 : memref<16x128xf32, #tpu.memory_space<vmem>>) target(%dma_start3A_672 : memref<10240x128xf32, #tpu.memory_space<vmem_shared>>) offsets(%dma_start3A_669 : memref<16xi32, #tpu.memory_space<vmem>>) semaphore(%arg33 : memref<!tpu.dma_semaphore, #tpu.memory_space<semaphore_mem>>) {add = true}
        %dma_start3A_673 = arith.constant 0 : i32
        %dma_start3A_674 = tpu.memref_slice %arg22[%dma_start3A_673] : memref<16xf32, #tpu.memory_space<vmem>> -> memref<16xf32, #tpu.memory_space<vmem>>
        %dma_start3A_675 = arith.constant 0 : i32
        %dma_start3A_676 = tpu.memref_slice %arg7[%add3A_632, %dma_start3A_675] : memref<25x16xi32, #tpu.memory_space<vmem>> -> memref<1x16xi32, #tpu.memory_space<vmem>>
        %dma_start3A_677 = tpu.memref_squeeze %dma_start3A_676 : memref<1x16xi32, #tpu.memory_space<vmem>> -> memref<16xi32, #tpu.memory_space<vmem>>
        %dma_start3A_678 = arith.constant 0 : i32
        %dma_start3A_679 = tpu.memref_slice %arg38[%dma_start3A_678] : memref<10240xf32, #tpu.memory_space<vmem_shared>> -> memref<10240xf32, #tpu.memory_space<vmem_shared>>
        tpu.enqueue_indirect_dma source(%dma_start3A_674 : memref<16xf32, #tpu.memory_space<vmem>>) target(%dma_start3A_679 : memref<10240xf32, #tpu.memory_space<vmem_shared>>) offsets(%dma_start3A_677 : memref<16xi32, #tpu.memory_space<vmem>>) semaphore(%arg35 : memref<!tpu.dma_semaphore, #tpu.memory_space<semaphore_mem>>) {add = true}
        %lt3A_680 = arith.constant 4 : i32
        %lt3A_681 = arith.cmpi slt, %scan3A_539, %lt3A_680 : i32
        %convert_element_type3A_682 = arith.extui %lt3A_681 : i1 to i32
        %cond3A_683 = arith.constant 0 : i32
        %cond3A_684 = arith.cmpi ne, %convert_element_type3A_682, %cond3A_683 : i32
        scf.if %cond3A_684 {
          %add3A_798 = arith.constant 5 : i32
          %add3A_799 = arith.addi %add3A_632, %add3A_798 : i32
          %dma_start3A_800 = arith.constant 0 : i32
          %dma_start3A_801 = tpu.memref_slice %arg7[%add3A_799, %dma_start3A_800] : memref<25x16xi32, #tpu.memory_space<vmem>> -> memref<1x16xi32, #tpu.memory_space<vmem>>
          %dma_start3A_802 = tpu.memref_squeeze %dma_start3A_801 : memref<1x16xi32, #tpu.memory_space<vmem>> -> memref<16xi32, #tpu.memory_space<vmem>>
          %dma_start3A_803 = arith.constant 0 : i32
          %dma_start3A_804 = arith.constant 0 : i32
          %dma_start3A_805 = tpu.memref_slice %arg2[%dma_start3A_803, %dma_start3A_804] : memref<10000x128xf32, #tpu.memory_space<hbm>> -> memref<10000x128xf32, #tpu.memory_space<hbm>>
          tpu.enqueue_indirect_dma source(%dma_start3A_805 : memref<10000x128xf32, #tpu.memory_space<hbm>>) target(%arg11 : memref<16x128xf32, #tpu.memory_space<vmem>>) offsets(%dma_start3A_802 : memref<16xi32, #tpu.memory_space<vmem>>) semaphore(%arg25 : memref<!tpu.dma_semaphore, #tpu.memory_space<semaphore_mem>>)
          %add3A_806 = arith.constant 5 : i32
          %add3A_807 = arith.addi %add3A_632, %add3A_806 : i32
          %dma_start3A_808 = arith.constant 0 : i32
          %dma_start3A_809 = tpu.memref_slice %arg8[%add3A_807, %dma_start3A_808] : memref<25x16xi32, #tpu.memory_space<vmem>> -> memref<1x16xi32, #tpu.memory_space<vmem>>
          %dma_start3A_810 = tpu.memref_squeeze %dma_start3A_809 : memref<1x16xi32, #tpu.memory_space<vmem>> -> memref<16xi32, #tpu.memory_space<vmem>>
          %dma_start3A_811 = arith.constant 0 : i32
          %dma_start3A_812 = arith.constant 0 : i32
          %dma_start3A_813 = tpu.memref_slice %arg2[%dma_start3A_811, %dma_start3A_812] : memref<10000x128xf32, #tpu.memory_space<hbm>> -> memref<10000x128xf32, #tpu.memory_space<hbm>>
          tpu.enqueue_indirect_dma source(%dma_start3A_813 : memref<10000x128xf32, #tpu.memory_space<hbm>>) target(%arg16 : memref<16x128xf32, #tpu.memory_space<vmem>>) offsets(%dma_start3A_810 : memref<16xi32, #tpu.memory_space<vmem>>) semaphore(%arg30 : memref<!tpu.dma_semaphore, #tpu.memory_space<semaphore_mem>>)
        } else {
        }
        %mul3A_685 = arith.constant 5 : i32
        %mul3A_686 = arith.muli %mul3A_685, %scan3A_539 : i32
        %add3A_687 = arith.constant 3 : i32
        %add3A_688 = arith.addi %mul3A_686, %add3A_687 : i32
        %dma_wait3A_689 = arith.constant 0 : i32
        %dma_wait3A_690 = arith.constant 0 : i32
        %dma_wait3A_691 = tpu.memref_slice %arg2[%dma_wait3A_689, %dma_wait3A_690] : memref<10000x128xf32, #tpu.memory_space<hbm>> -> memref<16x128xf32, #tpu.memory_space<hbm>>
        %dma_wait3A_692 = arith.constant 0 : i32
        %dma_wait3A_693 = arith.constant 0 : i32
        %dma_wait3A_694 = tpu.memref_slice %arg2[%dma_wait3A_692, %dma_wait3A_693] : memref<10000x128xf32, #tpu.memory_space<hbm>> -> memref<16x128xf32, #tpu.memory_space<hbm>>
        tpu.wait_dma2 semaphore(%arg26 : memref<!tpu.dma_semaphore, #tpu.memory_space<semaphore_mem>>) src(%dma_wait3A_694 : memref<16x128xf32, #tpu.memory_space<hbm>>) dst(%arg12 : memref<16x128xf32, #tpu.memory_space<vmem>>)
        %dma_wait3A_695 = arith.constant 0 : i32
        %dma_wait3A_696 = arith.constant 0 : i32
        %dma_wait3A_697 = tpu.memref_slice %arg2[%dma_wait3A_695, %dma_wait3A_696] : memref<10000x128xf32, #tpu.memory_space<hbm>> -> memref<16x128xf32, #tpu.memory_space<hbm>>
        %dma_wait3A_698 = arith.constant 0 : i32
        %dma_wait3A_699 = arith.constant 0 : i32
        %dma_wait3A_700 = tpu.memref_slice %arg2[%dma_wait3A_698, %dma_wait3A_699] : memref<10000x128xf32, #tpu.memory_space<hbm>> -> memref<16x128xf32, #tpu.memory_space<hbm>>
        tpu.wait_dma2 semaphore(%arg31 : memref<!tpu.dma_semaphore, #tpu.memory_space<semaphore_mem>>) src(%dma_wait3A_700 : memref<16x128xf32, #tpu.memory_space<hbm>>) dst(%arg17 : memref<16x128xf32, #tpu.memory_space<vmem>>)
        %dma_wait3A_701 = arith.constant 0 : i32
        %dma_wait3A_702 = arith.constant 0 : i32
        %dma_wait3A_703 = tpu.memref_slice %arg7[%dma_wait3A_701, %dma_wait3A_702] : memref<25x16xi32, #tpu.memory_space<vmem>> -> memref<1x16xi32, #tpu.memory_space<vmem>>
        %dma_wait3A_704 = tpu.memref_squeeze %dma_wait3A_703 : memref<1x16xi32, #tpu.memory_space<vmem>> -> memref<16xi32, #tpu.memory_space<vmem>>
        %dma_wait3A_705 = arith.constant 0 : i32
        %dma_wait3A_706 = arith.constant 0 : i32
        %dma_wait3A_707 = tpu.memref_slice %arg37[%dma_wait3A_705, %dma_wait3A_706] : memref<10240x128xf32, #tpu.memory_space<vmem_shared>> -> memref<10240x128xf32, #tpu.memory_space<vmem_shared>>
        tpu.wait_indirect_dma semaphore(%arg34 : memref<!tpu.dma_semaphore, #tpu.memory_space<semaphore_mem>>) src(%arg20 : memref<16x128xf32, #tpu.memory_space<vmem>>) dst(%dma_wait3A_707 : memref<10240x128xf32, #tpu.memory_space<vmem_shared>>)
        %dma_wait3A_708 = arith.constant 0 : i32
        %dma_wait3A_709 = arith.constant 0 : i32
        %dma_wait3A_710 = tpu.memref_slice %arg22[%dma_wait3A_709] : memref<16xf32, #tpu.memory_space<vmem>> -> memref<16xf32, #tpu.memory_space<vmem>>
        %dma_wait3A_711 = arith.constant 0 : i32
        %dma_wait3A_712 = tpu.memref_slice %arg7[%dma_wait3A_708, %dma_wait3A_711] : memref<25x16xi32, #tpu.memory_space<vmem>> -> memref<1x16xi32, #tpu.memory_space<vmem>>
        %dma_wait3A_713 = tpu.memref_squeeze %dma_wait3A_712 : memref<1x16xi32, #tpu.memory_space<vmem>> -> memref<16xi32, #tpu.memory_space<vmem>>
        %dma_wait3A_714 = arith.constant 0 : i32
        %dma_wait3A_715 = tpu.memref_slice %arg38[%dma_wait3A_714] : memref<10240xf32, #tpu.memory_space<vmem_shared>> -> memref<10240xf32, #tpu.memory_space<vmem_shared>>
        tpu.wait_indirect_dma semaphore(%arg36 : memref<!tpu.dma_semaphore, #tpu.memory_space<semaphore_mem>>) src(%dma_wait3A_710 : memref<16xf32, #tpu.memory_space<vmem>>) dst(%dma_wait3A_715 : memref<10240xf32, #tpu.memory_space<vmem_shared>>)
        %scan3A_716 = arith.constant 0 : i32
        %scan3A_717 = arith.constant 0 : i32
        %scan3A_718 = arith.constant 16 : i32
        %scan3A_719 = arith.addi %scan3A_717, %scan3A_718 : i32
        %scan3A_720 = arith.constant 1 : i32
        %scan3A_721 = scf.for %scan3A_798 = %scan3A_717 to %scan3A_719 step %scan3A_720 iter_args(%scan3A_799 = %scan3A_716) -> (i32)  : i32 {
          %get3A = arith.index_cast %scan3A_798 : i32 to index
          %get3A_800 = arith.constant 0 : index
          %get3A_801 = tpu.vector_load %arg12[%get3A, %get3A_800] {strides = array<i32>} : memref<16x128xf32, #tpu.memory_space<vmem>>, vector<1x16xf32>,
          %get3A_802 = vector.shape_cast %get3A_801 : vector<1x16xf32> to vector<16xf32>
          %get3A_803 = arith.index_cast %scan3A_798 : i32 to index
          %get3A_804 = arith.constant 0 : index
          %get3A_805 = tpu.vector_load %arg17[%get3A_803, %get3A_804] {strides = array<i32>} : memref<16x128xf32, #tpu.memory_space<vmem>>, vector<1x16xf32>,
          %get3A_806 = vector.shape_cast %get3A_805 : vector<1x16xf32> to vector<16xf32>
          %sub3A = arith.subf %get3A_802, %get3A_806 : vector<16xf32>
          %abs3A = math.absf %sub3A : vector<16xf32>
          %swap3A_807 = arith.index_cast %scan3A_798 : i32 to index
          %swap3A_808 = arith.constant 0 : index
          %swap3A_809 = tpu.vector_load %arg20[%swap3A_807, %swap3A_808] {strides = array<i32>} : memref<16x128xf32, #tpu.memory_space<vmem>>, vector<1x16xf32>,
          %swap3A_810 = vector.shape_cast %swap3A_809 : vector<1x16xf32> to vector<16xf32>
          %swap3A_811 = vector.shape_cast %abs3A : vector<16xf32> to vector<1x16xf32>
          tpu.vector_store %arg20[%swap3A_807, %swap3A_808], %swap3A_811 {strides = array<i32>} : memref<16x128xf32, #tpu.memory_space<vmem>>, vector<1x16xf32>,
          %get3A_812 = arith.index_cast %scan3A_798 : i32 to index
          %get3A_813 = arith.constant 16 : index
          %get3A_814 = tpu.vector_load %arg12[%get3A_812, %get3A_813] {strides = array<i32>} : memref<16x128xf32, #tpu.memory_space<vmem>>, vector<1x16xf32>,
          %get3A_815 = vector.shape_cast %get3A_814 : vector<1x16xf32> to vector<16xf32>
          %get3A_816 = arith.index_cast %scan3A_798 : i32 to index
          %get3A_817 = arith.constant 16 : index
          %get3A_818 = tpu.vector_load %arg17[%get3A_816, %get3A_817] {strides = array<i32>} : memref<16x128xf32, #tpu.memory_space<vmem>>, vector<1x16xf32>,
          %get3A_819 = vector.shape_cast %get3A_818 : vector<1x16xf32> to vector<16xf32>
          %sub3A_820 = arith.subf %get3A_815, %get3A_819 : vector<16xf32>
          %abs3A_821 = math.absf %sub3A_820 : vector<16xf32>
          %swap3A_822 = arith.index_cast %scan3A_798 : i32 to index
          %swap3A_823 = arith.constant 16 : index
          %swap3A_824 = tpu.vector_load %arg20[%swap3A_822, %swap3A_823] {strides = array<i32>} : memref<16x128xf32, #tpu.memory_space<vmem>>, vector<1x16xf32>,
          %swap3A_825 = vector.shape_cast %swap3A_824 : vector<1x16xf32> to vector<16xf32>
          %swap3A_826 = vector.shape_cast %abs3A_821 : vector<16xf32> to vector<1x16xf32>
          tpu.vector_store %arg20[%swap3A_822, %swap3A_823], %swap3A_826 {strides = array<i32>} : memref<16x128xf32, #tpu.memory_space<vmem>>, vector<1x16xf32>,
          %get3A_827 = arith.index_cast %scan3A_798 : i32 to index
          %get3A_828 = arith.constant 32 : index
          %get3A_829 = tpu.vector_load %arg12[%get3A_827, %get3A_828] {strides = array<i32>} : memref<16x128xf32, #tpu.memory_space<vmem>>, vector<1x16xf32>,
          %get3A_830 = vector.shape_cast %get3A_829 : vector<1x16xf32> to vector<16xf32>
          %get3A_831 = arith.index_cast %scan3A_798 : i32 to index
          %get3A_832 = arith.constant 32 : index
          %get3A_833 = tpu.vector_load %arg17[%get3A_831, %get3A_832] {strides = array<i32>} : memref<16x128xf32, #tpu.memory_space<vmem>>, vector<1x16xf32>,
          %get3A_834 = vector.shape_cast %get3A_833 : vector<1x16xf32> to vector<16xf32>
          %sub3A_835 = arith.subf %get3A_830, %get3A_834 : vector<16xf32>
          %abs3A_836 = math.absf %sub3A_835 : vector<16xf32>
          %swap3A_837 = arith.index_cast %scan3A_798 : i32 to index
          %swap3A_838 = arith.constant 32 : index
          %swap3A_839 = tpu.vector_load %arg20[%swap3A_837, %swap3A_838] {strides = array<i32>} : memref<16x128xf32, #tpu.memory_space<vmem>>, vector<1x16xf32>,
          %swap3A_840 = vector.shape_cast %swap3A_839 : vector<1x16xf32> to vector<16xf32>
          %swap3A_841 = vector.shape_cast %abs3A_836 : vector<16xf32> to vector<1x16xf32>
          tpu.vector_store %arg20[%swap3A_837, %swap3A_838], %swap3A_841 {strides = array<i32>} : memref<16x128xf32, #tpu.memory_space<vmem>>, vector<1x16xf32>,
          %get3A_842 = arith.index_cast %scan3A_798 : i32 to index
          %get3A_843 = arith.constant 48 : index
          %get3A_844 = tpu.vector_load %arg12[%get3A_842, %get3A_843] {strides = array<i32>} : memref<16x128xf32, #tpu.memory_space<vmem>>, vector<1x16xf32>,
          %get3A_845 = vector.shape_cast %get3A_844 : vector<1x16xf32> to vector<16xf32>
          %get3A_846 = arith.index_cast %scan3A_798 : i32 to index
          %get3A_847 = arith.constant 48 : index
          %get3A_848 = tpu.vector_load %arg17[%get3A_846, %get3A_847] {strides = array<i32>} : memref<16x128xf32, #tpu.memory_space<vmem>>, vector<1x16xf32>,
          %get3A_849 = vector.shape_cast %get3A_848 : vector<1x16xf32> to vector<16xf32>
          %sub3A_850 = arith.subf %get3A_845, %get3A_849 : vector<16xf32>
          %abs3A_851 = math.absf %sub3A_850 : vector<16xf32>
          %swap3A_852 = arith.index_cast %scan3A_798 : i32 to index
          %swap3A_853 = arith.constant 48 : index
          %swap3A_854 = tpu.vector_load %arg20[%swap3A_852, %swap3A_853] {strides = array<i32>} : memref<16x128xf32, #tpu.memory_space<vmem>>, vector<1x16xf32>,
          %swap3A_855 = vector.shape_cast %swap3A_854 : vector<1x16xf32> to vector<16xf32>
          %swap3A_856 = vector.shape_cast %abs3A_851 : vector<16xf32> to vector<1x16xf32>
          tpu.vector_store %arg20[%swap3A_852, %swap3A_853], %swap3A_856 {strides = array<i32>} : memref<16x128xf32, #tpu.memory_space<vmem>>, vector<1x16xf32>,
          %get3A_857 = arith.index_cast %scan3A_798 : i32 to index
          %get3A_858 = arith.constant 64 : index
          %get3A_859 = tpu.vector_load %arg12[%get3A_857, %get3A_858] {strides = array<i32>} : memref<16x128xf32, #tpu.memory_space<vmem>>, vector<1x16xf32>,
          %get3A_860 = vector.shape_cast %get3A_859 : vector<1x16xf32> to vector<16xf32>
          %get3A_861 = arith.index_cast %scan3A_798 : i32 to index
          %get3A_862 = arith.constant 64 : index
          %get3A_863 = tpu.vector_load %arg17[%get3A_861, %get3A_862] {strides = array<i32>} : memref<16x128xf32, #tpu.memory_space<vmem>>, vector<1x16xf32>,
          %get3A_864 = vector.shape_cast %get3A_863 : vector<1x16xf32> to vector<16xf32>
          %sub3A_865 = arith.subf %get3A_860, %get3A_864 : vector<16xf32>
          %abs3A_866 = math.absf %sub3A_865 : vector<16xf32>
          %swap3A_867 = arith.index_cast %scan3A_798 : i32 to index
          %swap3A_868 = arith.constant 64 : index
          %swap3A_869 = tpu.vector_load %arg20[%swap3A_867, %swap3A_868] {strides = array<i32>} : memref<16x128xf32, #tpu.memory_space<vmem>>, vector<1x16xf32>,
          %swap3A_870 = vector.shape_cast %swap3A_869 : vector<1x16xf32> to vector<16xf32>
          %swap3A_871 = vector.shape_cast %abs3A_866 : vector<16xf32> to vector<1x16xf32>
          tpu.vector_store %arg20[%swap3A_867, %swap3A_868], %swap3A_871 {strides = array<i32>} : memref<16x128xf32, #tpu.memory_space<vmem>>, vector<1x16xf32>,
          %get3A_872 = arith.index_cast %scan3A_798 : i32 to index
          %get3A_873 = arith.constant 80 : index
          %get3A_874 = tpu.vector_load %arg12[%get3A_872, %get3A_873] {strides = array<i32>} : memref<16x128xf32, #tpu.memory_space<vmem>>, vector<1x16xf32>,
          %get3A_875 = vector.shape_cast %get3A_874 : vector<1x16xf32> to vector<16xf32>
          %get3A_876 = arith.index_cast %scan3A_798 : i32 to index
          %get3A_877 = arith.constant 80 : index
          %get3A_878 = tpu.vector_load %arg17[%get3A_876, %get3A_877] {strides = array<i32>} : memref<16x128xf32, #tpu.memory_space<vmem>>, vector<1x16xf32>,
          %get3A_879 = vector.shape_cast %get3A_878 : vector<1x16xf32> to vector<16xf32>
          %sub3A_880 = arith.subf %get3A_875, %get3A_879 : vector<16xf32>
          %abs3A_881 = math.absf %sub3A_880 : vector<16xf32>
          %swap3A_882 = arith.index_cast %scan3A_798 : i32 to index
          %swap3A_883 = arith.constant 80 : index
          %swap3A_884 = tpu.vector_load %arg20[%swap3A_882, %swap3A_883] {strides = array<i32>} : memref<16x128xf32, #tpu.memory_space<vmem>>, vector<1x16xf32>,
          %swap3A_885 = vector.shape_cast %swap3A_884 : vector<1x16xf32> to vector<16xf32>
          %swap3A_886 = vector.shape_cast %abs3A_881 : vector<16xf32> to vector<1x16xf32>
          tpu.vector_store %arg20[%swap3A_882, %swap3A_883], %swap3A_886 {strides = array<i32>} : memref<16x128xf32, #tpu.memory_space<vmem>>, vector<1x16xf32>,
          %get3A_887 = arith.index_cast %scan3A_798 : i32 to index
          %get3A_888 = arith.constant 96 : index
          %get3A_889 = tpu.vector_load %arg12[%get3A_887, %get3A_888] {strides = array<i32>} : memref<16x128xf32, #tpu.memory_space<vmem>>, vector<1x16xf32>,
          %get3A_890 = vector.shape_cast %get3A_889 : vector<1x16xf32> to vector<16xf32>
          %get3A_891 = arith.index_cast %scan3A_798 : i32 to index
          %get3A_892 = arith.constant 96 : index
          %get3A_893 = tpu.vector_load %arg17[%get3A_891, %get3A_892] {strides = array<i32>} : memref<16x128xf32, #tpu.memory_space<vmem>>, vector<1x16xf32>,
          %get3A_894 = vector.shape_cast %get3A_893 : vector<1x16xf32> to vector<16xf32>
          %sub3A_895 = arith.subf %get3A_890, %get3A_894 : vector<16xf32>
          %abs3A_896 = math.absf %sub3A_895 : vector<16xf32>
          %swap3A_897 = arith.index_cast %scan3A_798 : i32 to index
          %swap3A_898 = arith.constant 96 : index
          %swap3A_899 = tpu.vector_load %arg20[%swap3A_897, %swap3A_898] {strides = array<i32>} : memref<16x128xf32, #tpu.memory_space<vmem>>, vector<1x16xf32>,
          %swap3A_900 = vector.shape_cast %swap3A_899 : vector<1x16xf32> to vector<16xf32>
          %swap3A_901 = vector.shape_cast %abs3A_896 : vector<16xf32> to vector<1x16xf32>
          tpu.vector_store %arg20[%swap3A_897, %swap3A_898], %swap3A_901 {strides = array<i32>} : memref<16x128xf32, #tpu.memory_space<vmem>>, vector<1x16xf32>,
          %get3A_902 = arith.index_cast %scan3A_798 : i32 to index
          %get3A_903 = arith.constant 112 : index
          %get3A_904 = tpu.vector_load %arg12[%get3A_902, %get3A_903] {strides = array<i32>} : memref<16x128xf32, #tpu.memory_space<vmem>>, vector<1x16xf32>,
          %get3A_905 = vector.shape_cast %get3A_904 : vector<1x16xf32> to vector<16xf32>
          %get3A_906 = arith.index_cast %scan3A_798 : i32 to index
          %get3A_907 = arith.constant 112 : index
          %get3A_908 = tpu.vector_load %arg17[%get3A_906, %get3A_907] {strides = array<i32>} : memref<16x128xf32, #tpu.memory_space<vmem>>, vector<1x16xf32>,
          %get3A_909 = vector.shape_cast %get3A_908 : vector<1x16xf32> to vector<16xf32>
          %sub3A_910 = arith.subf %get3A_905, %get3A_909 : vector<16xf32>
          %abs3A_911 = math.absf %sub3A_910 : vector<16xf32>
          %swap3A_912 = arith.index_cast %scan3A_798 : i32 to index
          %swap3A_913 = arith.constant 112 : index
          %swap3A_914 = tpu.vector_load %arg20[%swap3A_912, %swap3A_913] {strides = array<i32>} : memref<16x128xf32, #tpu.memory_space<vmem>>, vector<1x16xf32>,
          %swap3A_915 = vector.shape_cast %swap3A_914 : vector<1x16xf32> to vector<16xf32>
          %swap3A_916 = vector.shape_cast %abs3A_911 : vector<16xf32> to vector<1x16xf32>
          tpu.vector_store %arg20[%swap3A_912, %swap3A_913], %swap3A_916 {strides = array<i32>} : memref<16x128xf32, #tpu.memory_space<vmem>>, vector<1x16xf32>,
          %scan3A_917 = arith.constant 0 : i32
          scf.yield %scan3A_917 : i32
        }
        %scan3A_722 = arith.constant 16 : i32
        %dma_start3A_723 = arith.constant 0 : i32
        %dma_start3A_724 = tpu.memref_slice %arg7[%add3A_688, %dma_start3A_723] : memref<25x16xi32, #tpu.memory_space<vmem>> -> memref<1x16xi32, #tpu.memory_space<vmem>>
        %dma_start3A_725 = tpu.memref_squeeze %dma_start3A_724 : memref<1x16xi32, #tpu.memory_space<vmem>> -> memref<16xi32, #tpu.memory_space<vmem>>
        %dma_start3A_726 = arith.constant 0 : i32
        %dma_start3A_727 = arith.constant 0 : i32
        %dma_start3A_728 = tpu.memref_slice %arg37[%dma_start3A_726, %dma_start3A_727] : memref<10240x128xf32, #tpu.memory_space<vmem_shared>> -> memref<10240x128xf32, #tpu.memory_space<vmem_shared>>
        tpu.enqueue_indirect_dma source(%arg20 : memref<16x128xf32, #tpu.memory_space<vmem>>) target(%dma_start3A_728 : memref<10240x128xf32, #tpu.memory_space<vmem_shared>>) offsets(%dma_start3A_725 : memref<16xi32, #tpu.memory_space<vmem>>) semaphore(%arg34 : memref<!tpu.dma_semaphore, #tpu.memory_space<semaphore_mem>>) {add = true}
        %dma_start3A_729 = arith.constant 0 : i32
        %dma_start3A_730 = tpu.memref_slice %arg22[%dma_start3A_729] : memref<16xf32, #tpu.memory_space<vmem>> -> memref<16xf32, #tpu.memory_space<vmem>>
        %dma_start3A_731 = arith.constant 0 : i32
        %dma_start3A_732 = tpu.memref_slice %arg7[%add3A_688, %dma_start3A_731] : memref<25x16xi32, #tpu.memory_space<vmem>> -> memref<1x16xi32, #tpu.memory_space<vmem>>
        %dma_start3A_733 = tpu.memref_squeeze %dma_start3A_732 : memref<1x16xi32, #tpu.memory_space<vmem>> -> memref<16xi32, #tpu.memory_space<vmem>>
        %dma_start3A_734 = arith.constant 0 : i32
        %dma_start3A_735 = tpu.memref_slice %arg38[%dma_start3A_734] : memref<10240xf32, #tpu.memory_space<vmem_shared>> -> memref<10240xf32, #tpu.memory_space<vmem_shared>>
        tpu.enqueue_indirect_dma source(%dma_start3A_730 : memref<16xf32, #tpu.memory_space<vmem>>) target(%dma_start3A_735 : memref<10240xf32, #tpu.memory_space<vmem_shared>>) offsets(%dma_start3A_733 : memref<16xi32, #tpu.memory_space<vmem>>) semaphore(%arg36 : memref<!tpu.dma_semaphore, #tpu.memory_space<semaphore_mem>>) {add = true}
        %lt3A_736 = arith.constant 4 : i32
        %lt3A_737 = arith.cmpi slt, %scan3A_539, %lt3A_736 : i32
        %convert_element_type3A_738 = arith.extui %lt3A_737 : i1 to i32
        %cond3A_739 = arith.constant 0 : i32
        %cond3A_740 = arith.cmpi ne, %convert_element_type3A_738, %cond3A_739 : i32
        scf.if %cond3A_740 {
          %add3A_798 = arith.constant 5 : i32
          %add3A_799 = arith.addi %add3A_688, %add3A_798 : i32
          %dma_start3A_800 = arith.constant 0 : i32
          %dma_start3A_801 = tpu.memref_slice %arg7[%add3A_799, %dma_start3A_800] : memref<25x16xi32, #tpu.memory_space<vmem>> -> memref<1x16xi32, #tpu.memory_space<vmem>>
          %dma_start3A_802 = tpu.memref_squeeze %dma_start3A_801 : memref<1x16xi32, #tpu.memory_space<vmem>> -> memref<16xi32, #tpu.memory_space<vmem>>
          %dma_start3A_803 = arith.constant 0 : i32
          %dma_start3A_804 = arith.constant 0 : i32
          %dma_start3A_805 = tpu.memref_slice %arg2[%dma_start3A_803, %dma_start3A_804] : memref<10000x128xf32, #tpu.memory_space<hbm>> -> memref<10000x128xf32, #tpu.memory_space<hbm>>
          tpu.enqueue_indirect_dma source(%dma_start3A_805 : memref<10000x128xf32, #tpu.memory_space<hbm>>) target(%arg12 : memref<16x128xf32, #tpu.memory_space<vmem>>) offsets(%dma_start3A_802 : memref<16xi32, #tpu.memory_space<vmem>>) semaphore(%arg26 : memref<!tpu.dma_semaphore, #tpu.memory_space<semaphore_mem>>)
          %add3A_806 = arith.constant 5 : i32
          %add3A_807 = arith.addi %add3A_688, %add3A_806 : i32
          %dma_start3A_808 = arith.constant 0 : i32
          %dma_start3A_809 = tpu.memref_slice %arg8[%add3A_807, %dma_start3A_808] : memref<25x16xi32, #tpu.memory_space<vmem>> -> memref<1x16xi32, #tpu.memory_space<vmem>>
          %dma_start3A_810 = tpu.memref_squeeze %dma_start3A_809 : memref<1x16xi32, #tpu.memory_space<vmem>> -> memref<16xi32, #tpu.memory_space<vmem>>
          %dma_start3A_811 = arith.constant 0 : i32
          %dma_start3A_812 = arith.constant 0 : i32
          %dma_start3A_813 = tpu.memref_slice %arg2[%dma_start3A_811, %dma_start3A_812] : memref<10000x128xf32, #tpu.memory_space<hbm>> -> memref<10000x128xf32, #tpu.memory_space<hbm>>
          tpu.enqueue_indirect_dma source(%dma_start3A_813 : memref<10000x128xf32, #tpu.memory_space<hbm>>) target(%arg17 : memref<16x128xf32, #tpu.memory_space<vmem>>) offsets(%dma_start3A_810 : memref<16xi32, #tpu.memory_space<vmem>>) semaphore(%arg31 : memref<!tpu.dma_semaphore, #tpu.memory_space<semaphore_mem>>)
        } else {
        }
        %mul3A_741 = arith.constant 5 : i32
        %mul3A_742 = arith.muli %mul3A_741, %scan3A_539 : i32
        %add3A_743 = arith.constant 4 : i32
        %add3A_744 = arith.addi %mul3A_742, %add3A_743 : i32
        %dma_wait3A_745 = arith.constant 0 : i32
        %dma_wait3A_746 = arith.constant 0 : i32
        %dma_wait3A_747 = tpu.memref_slice %arg2[%dma_wait3A_745, %dma_wait3A_746] : memref<10000x128xf32, #tpu.memory_space<hbm>> -> memref<16x128xf32, #tpu.memory_space<hbm>>
        %dma_wait3A_748 = arith.constant 0 : i32
        %dma_wait3A_749 = arith.constant 0 : i32
        %dma_wait3A_750 = tpu.memref_slice %arg2[%dma_wait3A_748, %dma_wait3A_749] : memref<10000x128xf32, #tpu.memory_space<hbm>> -> memref<16x128xf32, #tpu.memory_space<hbm>>
        tpu.wait_dma2 semaphore(%arg27 : memref<!tpu.dma_semaphore, #tpu.memory_space<semaphore_mem>>) src(%dma_wait3A_750 : memref<16x128xf32, #tpu.memory_space<hbm>>) dst(%arg13 : memref<16x128xf32, #tpu.memory_space<vmem>>)
        %dma_wait3A_751 = arith.constant 0 : i32
        %dma_wait3A_752 = arith.constant 0 : i32
        %dma_wait3A_753 = tpu.memref_slice %arg2[%dma_wait3A_751, %dma_wait3A_752] : memref<10000x128xf32, #tpu.memory_space<hbm>> -> memref<16x128xf32, #tpu.memory_space<hbm>>
        %dma_wait3A_754 = arith.constant 0 : i32
        %dma_wait3A_755 = arith.constant 0 : i32
        %dma_wait3A_756 = tpu.memref_slice %arg2[%dma_wait3A_754, %dma_wait3A_755] : memref<10000x128xf32, #tpu.memory_space<hbm>> -> memref<16x128xf32, #tpu.memory_space<hbm>>
        tpu.wait_dma2 semaphore(%arg32 : memref<!tpu.dma_semaphore, #tpu.memory_space<semaphore_mem>>) src(%dma_wait3A_756 : memref<16x128xf32, #tpu.memory_space<hbm>>) dst(%arg18 : memref<16x128xf32, #tpu.memory_space<vmem>>)
        %dma_wait3A_757 = arith.constant 0 : i32
        %dma_wait3A_758 = arith.constant 0 : i32
        %dma_wait3A_759 = tpu.memref_slice %arg7[%dma_wait3A_757, %dma_wait3A_758] : memref<25x16xi32, #tpu.memory_space<vmem>> -> memref<1x16xi32, #tpu.memory_space<vmem>>
        %dma_wait3A_760 = tpu.memref_squeeze %dma_wait3A_759 : memref<1x16xi32, #tpu.memory_space<vmem>> -> memref<16xi32, #tpu.memory_space<vmem>>
        %dma_wait3A_761 = arith.constant 0 : i32
        %dma_wait3A_762 = arith.constant 0 : i32
        %dma_wait3A_763 = tpu.memref_slice %arg37[%dma_wait3A_761, %dma_wait3A_762] : memref<10240x128xf32, #tpu.memory_space<vmem_shared>> -> memref<10240x128xf32, #tpu.memory_space<vmem_shared>>
        tpu.wait_indirect_dma semaphore(%arg33 : memref<!tpu.dma_semaphore, #tpu.memory_space<semaphore_mem>>) src(%arg19 : memref<16x128xf32, #tpu.memory_space<vmem>>) dst(%dma_wait3A_763 : memref<10240x128xf32, #tpu.memory_space<vmem_shared>>)
        %dma_wait3A_764 = arith.constant 0 : i32
        %dma_wait3A_765 = arith.constant 0 : i32
        %dma_wait3A_766 = tpu.memref_slice %arg22[%dma_wait3A_765] : memref<16xf32, #tpu.memory_space<vmem>> -> memref<16xf32, #tpu.memory_space<vmem>>
        %dma_wait3A_767 = arith.constant 0 : i32
        %dma_wait3A_768 = tpu.memref_slice %arg7[%dma_wait3A_764, %dma_wait3A_767] : memref<25x16xi32, #tpu.memory_space<vmem>> -> memref<1x16xi32, #tpu.memory_space<vmem>>
        %dma_wait3A_769 = tpu.memref_squeeze %dma_wait3A_768 : memref<1x16xi32, #tpu.memory_space<vmem>> -> memref<16xi32, #tpu.memory_space<vmem>>
        %dma_wait3A_770 = arith.constant 0 : i32
        %dma_wait3A_771 = tpu.memref_slice %arg38[%dma_wait3A_770] : memref<10240xf32, #tpu.memory_space<vmem_shared>> -> memref<10240xf32, #tpu.memory_space<vmem_shared>>
        tpu.wait_indirect_dma semaphore(%arg35 : memref<!tpu.dma_semaphore, #tpu.memory_space<semaphore_mem>>) src(%dma_wait3A_766 : memref<16xf32, #tpu.memory_space<vmem>>) dst(%dma_wait3A_771 : memref<10240xf32, #tpu.memory_space<vmem_shared>>)
        %scan3A_772 = arith.constant 0 : i32
        %scan3A_773 = arith.constant 0 : i32
        %scan3A_774 = arith.constant 16 : i32
        %scan3A_775 = arith.addi %scan3A_773, %scan3A_774 : i32
        %scan3A_776 = arith.constant 1 : i32
        %scan3A_777 = scf.for %scan3A_798 = %scan3A_773 to %scan3A_775 step %scan3A_776 iter_args(%scan3A_799 = %scan3A_772) -> (i32)  : i32 {
          %get3A = arith.index_cast %scan3A_798 : i32 to index
          %get3A_800 = arith.constant 0 : index
          %get3A_801 = tpu.vector_load %arg13[%get3A, %get3A_800] {strides = array<i32>} : memref<16x128xf32, #tpu.memory_space<vmem>>, vector<1x16xf32>,
          %get3A_802 = vector.shape_cast %get3A_801 : vector<1x16xf32> to vector<16xf32>
          %get3A_803 = arith.index_cast %scan3A_798 : i32 to index
          %get3A_804 = arith.constant 0 : index
          %get3A_805 = tpu.vector_load %arg18[%get3A_803, %get3A_804] {strides = array<i32>} : memref<16x128xf32, #tpu.memory_space<vmem>>, vector<1x16xf32>,
          %get3A_806 = vector.shape_cast %get3A_805 : vector<1x16xf32> to vector<16xf32>
          %sub3A = arith.subf %get3A_802, %get3A_806 : vector<16xf32>
          %abs3A = math.absf %sub3A : vector<16xf32>
          %swap3A_807 = arith.index_cast %scan3A_798 : i32 to index
          %swap3A_808 = arith.constant 0 : index
          %swap3A_809 = tpu.vector_load %arg19[%swap3A_807, %swap3A_808] {strides = array<i32>} : memref<16x128xf32, #tpu.memory_space<vmem>>, vector<1x16xf32>,
          %swap3A_810 = vector.shape_cast %swap3A_809 : vector<1x16xf32> to vector<16xf32>
          %swap3A_811 = vector.shape_cast %abs3A : vector<16xf32> to vector<1x16xf32>
          tpu.vector_store %arg19[%swap3A_807, %swap3A_808], %swap3A_811 {strides = array<i32>} : memref<16x128xf32, #tpu.memory_space<vmem>>, vector<1x16xf32>,
          %get3A_812 = arith.index_cast %scan3A_798 : i32 to index
          %get3A_813 = arith.constant 16 : index
          %get3A_814 = tpu.vector_load %arg13[%get3A_812, %get3A_813] {strides = array<i32>} : memref<16x128xf32, #tpu.memory_space<vmem>>, vector<1x16xf32>,
          %get3A_815 = vector.shape_cast %get3A_814 : vector<1x16xf32> to vector<16xf32>
          %get3A_816 = arith.index_cast %scan3A_798 : i32 to index
          %get3A_817 = arith.constant 16 : index
          %get3A_818 = tpu.vector_load %arg18[%get3A_816, %get3A_817] {strides = array<i32>} : memref<16x128xf32, #tpu.memory_space<vmem>>, vector<1x16xf32>,
          %get3A_819 = vector.shape_cast %get3A_818 : vector<1x16xf32> to vector<16xf32>
          %sub3A_820 = arith.subf %get3A_815, %get3A_819 : vector<16xf32>
          %abs3A_821 = math.absf %sub3A_820 : vector<16xf32>
          %swap3A_822 = arith.index_cast %scan3A_798 : i32 to index
          %swap3A_823 = arith.constant 16 : index
          %swap3A_824 = tpu.vector_load %arg19[%swap3A_822, %swap3A_823] {strides = array<i32>} : memref<16x128xf32, #tpu.memory_space<vmem>>, vector<1x16xf32>,
          %swap3A_825 = vector.shape_cast %swap3A_824 : vector<1x16xf32> to vector<16xf32>
          %swap3A_826 = vector.shape_cast %abs3A_821 : vector<16xf32> to vector<1x16xf32>
          tpu.vector_store %arg19[%swap3A_822, %swap3A_823], %swap3A_826 {strides = array<i32>} : memref<16x128xf32, #tpu.memory_space<vmem>>, vector<1x16xf32>,
          %get3A_827 = arith.index_cast %scan3A_798 : i32 to index
          %get3A_828 = arith.constant 32 : index
          %get3A_829 = tpu.vector_load %arg13[%get3A_827, %get3A_828] {strides = array<i32>} : memref<16x128xf32, #tpu.memory_space<vmem>>, vector<1x16xf32>,
          %get3A_830 = vector.shape_cast %get3A_829 : vector<1x16xf32> to vector<16xf32>
          %get3A_831 = arith.index_cast %scan3A_798 : i32 to index
          %get3A_832 = arith.constant 32 : index
          %get3A_833 = tpu.vector_load %arg18[%get3A_831, %get3A_832] {strides = array<i32>} : memref<16x128xf32, #tpu.memory_space<vmem>>, vector<1x16xf32>,
          %get3A_834 = vector.shape_cast %get3A_833 : vector<1x16xf32> to vector<16xf32>
          %sub3A_835 = arith.subf %get3A_830, %get3A_834 : vector<16xf32>
          %abs3A_836 = math.absf %sub3A_835 : vector<16xf32>
          %swap3A_837 = arith.index_cast %scan3A_798 : i32 to index
          %swap3A_838 = arith.constant 32 : index
          %swap3A_839 = tpu.vector_load %arg19[%swap3A_837, %swap3A_838] {strides = array<i32>} : memref<16x128xf32, #tpu.memory_space<vmem>>, vector<1x16xf32>,
          %swap3A_840 = vector.shape_cast %swap3A_839 : vector<1x16xf32> to vector<16xf32>
          %swap3A_841 = vector.shape_cast %abs3A_836 : vector<16xf32> to vector<1x16xf32>
          tpu.vector_store %arg19[%swap3A_837, %swap3A_838], %swap3A_841 {strides = array<i32>} : memref<16x128xf32, #tpu.memory_space<vmem>>, vector<1x16xf32>,
          %get3A_842 = arith.index_cast %scan3A_798 : i32 to index
          %get3A_843 = arith.constant 48 : index
          %get3A_844 = tpu.vector_load %arg13[%get3A_842, %get3A_843] {strides = array<i32>} : memref<16x128xf32, #tpu.memory_space<vmem>>, vector<1x16xf32>,
          %get3A_845 = vector.shape_cast %get3A_844 : vector<1x16xf32> to vector<16xf32>
          %get3A_846 = arith.index_cast %scan3A_798 : i32 to index
          %get3A_847 = arith.constant 48 : index
          %get3A_848 = tpu.vector_load %arg18[%get3A_846, %get3A_847] {strides = array<i32>} : memref<16x128xf32, #tpu.memory_space<vmem>>, vector<1x16xf32>,
          %get3A_849 = vector.shape_cast %get3A_848 : vector<1x16xf32> to vector<16xf32>
          %sub3A_850 = arith.subf %get3A_845, %get3A_849 : vector<16xf32>
          %abs3A_851 = math.absf %sub3A_850 : vector<16xf32>
          %swap3A_852 = arith.index_cast %scan3A_798 : i32 to index
          %swap3A_853 = arith.constant 48 : index
          %swap3A_854 = tpu.vector_load %arg19[%swap3A_852, %swap3A_853] {strides = array<i32>} : memref<16x128xf32, #tpu.memory_space<vmem>>, vector<1x16xf32>,
          %swap3A_855 = vector.shape_cast %swap3A_854 : vector<1x16xf32> to vector<16xf32>
          %swap3A_856 = vector.shape_cast %abs3A_851 : vector<16xf32> to vector<1x16xf32>
          tpu.vector_store %arg19[%swap3A_852, %swap3A_853], %swap3A_856 {strides = array<i32>} : memref<16x128xf32, #tpu.memory_space<vmem>>, vector<1x16xf32>,
          %get3A_857 = arith.index_cast %scan3A_798 : i32 to index
          %get3A_858 = arith.constant 64 : index
          %get3A_859 = tpu.vector_load %arg13[%get3A_857, %get3A_858] {strides = array<i32>} : memref<16x128xf32, #tpu.memory_space<vmem>>, vector<1x16xf32>,
          %get3A_860 = vector.shape_cast %get3A_859 : vector<1x16xf32> to vector<16xf32>
          %get3A_861 = arith.index_cast %scan3A_798 : i32 to index
          %get3A_862 = arith.constant 64 : index
          %get3A_863 = tpu.vector_load %arg18[%get3A_861, %get3A_862] {strides = array<i32>} : memref<16x128xf32, #tpu.memory_space<vmem>>, vector<1x16xf32>,
          %get3A_864 = vector.shape_cast %get3A_863 : vector<1x16xf32> to vector<16xf32>
          %sub3A_865 = arith.subf %get3A_860, %get3A_864 : vector<16xf32>
          %abs3A_866 = math.absf %sub3A_865 : vector<16xf32>
          %swap3A_867 = arith.index_cast %scan3A_798 : i32 to index
          %swap3A_868 = arith.constant 64 : index
          %swap3A_869 = tpu.vector_load %arg19[%swap3A_867, %swap3A_868] {strides = array<i32>} : memref<16x128xf32, #tpu.memory_space<vmem>>, vector<1x16xf32>,
          %swap3A_870 = vector.shape_cast %swap3A_869 : vector<1x16xf32> to vector<16xf32>
          %swap3A_871 = vector.shape_cast %abs3A_866 : vector<16xf32> to vector<1x16xf32>
          tpu.vector_store %arg19[%swap3A_867, %swap3A_868], %swap3A_871 {strides = array<i32>} : memref<16x128xf32, #tpu.memory_space<vmem>>, vector<1x16xf32>,
          %get3A_872 = arith.index_cast %scan3A_798 : i32 to index
          %get3A_873 = arith.constant 80 : index
          %get3A_874 = tpu.vector_load %arg13[%get3A_872, %get3A_873] {strides = array<i32>} : memref<16x128xf32, #tpu.memory_space<vmem>>, vector<1x16xf32>,
          %get3A_875 = vector.shape_cast %get3A_874 : vector<1x16xf32> to vector<16xf32>
          %get3A_876 = arith.index_cast %scan3A_798 : i32 to index
          %get3A_877 = arith.constant 80 : index
          %get3A_878 = tpu.vector_load %arg18[%get3A_876, %get3A_877] {strides = array<i32>} : memref<16x128xf32, #tpu.memory_space<vmem>>, vector<1x16xf32>,
          %get3A_879 = vector.shape_cast %get3A_878 : vector<1x16xf32> to vector<16xf32>
          %sub3A_880 = arith.subf %get3A_875, %get3A_879 : vector<16xf32>
          %abs3A_881 = math.absf %sub3A_880 : vector<16xf32>
          %swap3A_882 = arith.index_cast %scan3A_798 : i32 to index
          %swap3A_883 = arith.constant 80 : index
          %swap3A_884 = tpu.vector_load %arg19[%swap3A_882, %swap3A_883] {strides = array<i32>} : memref<16x128xf32, #tpu.memory_space<vmem>>, vector<1x16xf32>,
          %swap3A_885 = vector.shape_cast %swap3A_884 : vector<1x16xf32> to vector<16xf32>
          %swap3A_886 = vector.shape_cast %abs3A_881 : vector<16xf32> to vector<1x16xf32>
          tpu.vector_store %arg19[%swap3A_882, %swap3A_883], %swap3A_886 {strides = array<i32>} : memref<16x128xf32, #tpu.memory_space<vmem>>, vector<1x16xf32>,
          %get3A_887 = arith.index_cast %scan3A_798 : i32 to index
          %get3A_888 = arith.constant 96 : index
          %get3A_889 = tpu.vector_load %arg13[%get3A_887, %get3A_888] {strides = array<i32>} : memref<16x128xf32, #tpu.memory_space<vmem>>, vector<1x16xf32>,
          %get3A_890 = vector.shape_cast %get3A_889 : vector<1x16xf32> to vector<16xf32>
          %get3A_891 = arith.index_cast %scan3A_798 : i32 to index
          %get3A_892 = arith.constant 96 : index
          %get3A_893 = tpu.vector_load %arg18[%get3A_891, %get3A_892] {strides = array<i32>} : memref<16x128xf32, #tpu.memory_space<vmem>>, vector<1x16xf32>,
          %get3A_894 = vector.shape_cast %get3A_893 : vector<1x16xf32> to vector<16xf32>
          %sub3A_895 = arith.subf %get3A_890, %get3A_894 : vector<16xf32>
          %abs3A_896 = math.absf %sub3A_895 : vector<16xf32>
          %swap3A_897 = arith.index_cast %scan3A_798 : i32 to index
          %swap3A_898 = arith.constant 96 : index
          %swap3A_899 = tpu.vector_load %arg19[%swap3A_897, %swap3A_898] {strides = array<i32>} : memref<16x128xf32, #tpu.memory_space<vmem>>, vector<1x16xf32>,
          %swap3A_900 = vector.shape_cast %swap3A_899 : vector<1x16xf32> to vector<16xf32>
          %swap3A_901 = vector.shape_cast %abs3A_896 : vector<16xf32> to vector<1x16xf32>
          tpu.vector_store %arg19[%swap3A_897, %swap3A_898], %swap3A_901 {strides = array<i32>} : memref<16x128xf32, #tpu.memory_space<vmem>>, vector<1x16xf32>,
          %get3A_902 = arith.index_cast %scan3A_798 : i32 to index
          %get3A_903 = arith.constant 112 : index
          %get3A_904 = tpu.vector_load %arg13[%get3A_902, %get3A_903] {strides = array<i32>} : memref<16x128xf32, #tpu.memory_space<vmem>>, vector<1x16xf32>,
          %get3A_905 = vector.shape_cast %get3A_904 : vector<1x16xf32> to vector<16xf32>
          %get3A_906 = arith.index_cast %scan3A_798 : i32 to index
          %get3A_907 = arith.constant 112 : index
          %get3A_908 = tpu.vector_load %arg18[%get3A_906, %get3A_907] {strides = array<i32>} : memref<16x128xf32, #tpu.memory_space<vmem>>, vector<1x16xf32>,
          %get3A_909 = vector.shape_cast %get3A_908 : vector<1x16xf32> to vector<16xf32>
          %sub3A_910 = arith.subf %get3A_905, %get3A_909 : vector<16xf32>
          %abs3A_911 = math.absf %sub3A_910 : vector<16xf32>
          %swap3A_912 = arith.index_cast %scan3A_798 : i32 to index
          %swap3A_913 = arith.constant 112 : index
          %swap3A_914 = tpu.vector_load %arg19[%swap3A_912, %swap3A_913] {strides = array<i32>} : memref<16x128xf32, #tpu.memory_space<vmem>>, vector<1x16xf32>,
          %swap3A_915 = vector.shape_cast %swap3A_914 : vector<1x16xf32> to vector<16xf32>
          %swap3A_916 = vector.shape_cast %abs3A_911 : vector<16xf32> to vector<1x16xf32>
          tpu.vector_store %arg19[%swap3A_912, %swap3A_913], %swap3A_916 {strides = array<i32>} : memref<16x128xf32, #tpu.memory_space<vmem>>, vector<1x16xf32>,
          %scan3A_917 = arith.constant 0 : i32
          scf.yield %scan3A_917 : i32
        }
        %scan3A_778 = arith.constant 16 : i32
        %dma_start3A_779 = arith.constant 0 : i32
        %dma_start3A_780 = tpu.memref_slice %arg7[%add3A_744, %dma_start3A_779] : memref<25x16xi32, #tpu.memory_space<vmem>> -> memref<1x16xi32, #tpu.memory_space<vmem>>
        %dma_start3A_781 = tpu.memref_squeeze %dma_start3A_780 : memref<1x16xi32, #tpu.memory_space<vmem>> -> memref<16xi32, #tpu.memory_space<vmem>>
        %dma_start3A_782 = arith.constant 0 : i32
        %dma_start3A_783 = arith.constant 0 : i32
        %dma_start3A_784 = tpu.memref_slice %arg37[%dma_start3A_782, %dma_start3A_783] : memref<10240x128xf32, #tpu.memory_space<vmem_shared>> -> memref<10240x128xf32, #tpu.memory_space<vmem_shared>>
        tpu.enqueue_indirect_dma source(%arg19 : memref<16x128xf32, #tpu.memory_space<vmem>>) target(%dma_start3A_784 : memref<10240x128xf32, #tpu.memory_space<vmem_shared>>) offsets(%dma_start3A_781 : memref<16xi32, #tpu.memory_space<vmem>>) semaphore(%arg33 : memref<!tpu.dma_semaphore, #tpu.memory_space<semaphore_mem>>) {add = true}
        %dma_start3A_785 = arith.constant 0 : i32
        %dma_start3A_786 = tpu.memref_slice %arg22[%dma_start3A_785] : memref<16xf32, #tpu.memory_space<vmem>> -> memref<16xf32, #tpu.memory_space<vmem>>
        %dma_start3A_787 = arith.constant 0 : i32
        %dma_start3A_788 = tpu.memref_slice %arg7[%add3A_744, %dma_start3A_787] : memref<25x16xi32, #tpu.memory_space<vmem>> -> memref<1x16xi32, #tpu.memory_space<vmem>>
        %dma_start3A_789 = tpu.memref_squeeze %dma_start3A_788 : memref<1x16xi32, #tpu.memory_space<vmem>> -> memref<16xi32, #tpu.memory_space<vmem>>
        %dma_start3A_790 = arith.constant 0 : i32
        %dma_start3A_791 = tpu.memref_slice %arg38[%dma_start3A_790] : memref<10240xf32, #tpu.memory_space<vmem_shared>> -> memref<10240xf32, #tpu.memory_space<vmem_shared>>
        tpu.enqueue_indirect_dma source(%dma_start3A_786 : memref<16xf32, #tpu.memory_space<vmem>>) target(%dma_start3A_791 : memref<10240xf32, #tpu.memory_space<vmem_shared>>) offsets(%dma_start3A_789 : memref<16xi32, #tpu.memory_space<vmem>>) semaphore(%arg35 : memref<!tpu.dma_semaphore, #tpu.memory_space<semaphore_mem>>) {add = true}
        %lt3A_792 = arith.constant 4 : i32
        %lt3A_793 = arith.cmpi slt, %scan3A_539, %lt3A_792 : i32
        %convert_element_type3A_794 = arith.extui %lt3A_793 : i1 to i32
        %cond3A_795 = arith.constant 0 : i32
        %cond3A_796 = arith.cmpi ne, %convert_element_type3A_794, %cond3A_795 : i32
        scf.if %cond3A_796 {
          %add3A_798 = arith.constant 5 : i32
          %add3A_799 = arith.addi %add3A_744, %add3A_798 : i32
          %dma_start3A_800 = arith.constant 0 : i32
          %dma_start3A_801 = tpu.memref_slice %arg7[%add3A_799, %dma_start3A_800] : memref<25x16xi32, #tpu.memory_space<vmem>> -> memref<1x16xi32, #tpu.memory_space<vmem>>
          %dma_start3A_802 = tpu.memref_squeeze %dma_start3A_801 : memref<1x16xi32, #tpu.memory_space<vmem>> -> memref<16xi32, #tpu.memory_space<vmem>>
          %dma_start3A_803 = arith.constant 0 : i32
          %dma_start3A_804 = arith.constant 0 : i32
          %dma_start3A_805 = tpu.memref_slice %arg2[%dma_start3A_803, %dma_start3A_804] : memref<10000x128xf32, #tpu.memory_space<hbm>> -> memref<10000x128xf32, #tpu.memory_space<hbm>>
          tpu.enqueue_indirect_dma source(%dma_start3A_805 : memref<10000x128xf32, #tpu.memory_space<hbm>>) target(%arg13 : memref<16x128xf32, #tpu.memory_space<vmem>>) offsets(%dma_start3A_802 : memref<16xi32, #tpu.memory_space<vmem>>) semaphore(%arg27 : memref<!tpu.dma_semaphore, #tpu.memory_space<semaphore_mem>>)
          %add3A_806 = arith.constant 5 : i32
          %add3A_807 = arith.addi %add3A_744, %add3A_806 : i32
          %dma_start3A_808 = arith.constant 0 : i32
          %dma_start3A_809 = tpu.memref_slice %arg8[%add3A_807, %dma_start3A_808] : memref<25x16xi32, #tpu.memory_space<vmem>> -> memref<1x16xi32, #tpu.memory_space<vmem>>
          %dma_start3A_810 = tpu.memref_squeeze %dma_start3A_809 : memref<1x16xi32, #tpu.memory_space<vmem>> -> memref<16xi32, #tpu.memory_space<vmem>>
          %dma_start3A_811 = arith.constant 0 : i32
          %dma_start3A_812 = arith.constant 0 : i32
          %dma_start3A_813 = tpu.memref_slice %arg2[%dma_start3A_811, %dma_start3A_812] : memref<10000x128xf32, #tpu.memory_space<hbm>> -> memref<10000x128xf32, #tpu.memory_space<hbm>>
          tpu.enqueue_indirect_dma source(%dma_start3A_813 : memref<10000x128xf32, #tpu.memory_space<hbm>>) target(%arg18 : memref<16x128xf32, #tpu.memory_space<vmem>>) offsets(%dma_start3A_810 : memref<16xi32, #tpu.memory_space<vmem>>) semaphore(%arg32 : memref<!tpu.dma_semaphore, #tpu.memory_space<semaphore_mem>>)
        } else {
        }
        %scan3A_797 = arith.constant 0 : i32
        scf.yield %scan3A_797 : i32
      }
      %scan3A_507 = arith.constant 5 : i32
      %dma_wait3A_508 = arith.constant 0 : i32
      %dma_wait3A_509 = arith.constant 0 : i32
      %dma_wait3A_510 = tpu.memref_slice %arg7[%dma_wait3A_508, %dma_wait3A_509] : memref<25x16xi32, #tpu.memory_space<vmem>> -> memref<1x16xi32, #tpu.memory_space<vmem>>
      %dma_wait3A_511 = tpu.memref_squeeze %dma_wait3A_510 : memref<1x16xi32, #tpu.memory_space<vmem>> -> memref<16xi32, #tpu.memory_space<vmem>>
      %dma_wait3A_512 = arith.constant 0 : i32
      %dma_wait3A_513 = arith.constant 0 : i32
      %dma_wait3A_514 = tpu.memref_slice %arg37[%dma_wait3A_512, %dma_wait3A_513] : memref<10240x128xf32, #tpu.memory_space<vmem_shared>> -> memref<10240x128xf32, #tpu.memory_space<vmem_shared>>
      tpu.wait_indirect_dma semaphore(%arg33 : memref<!tpu.dma_semaphore, #tpu.memory_space<semaphore_mem>>) src(%arg19 : memref<16x128xf32, #tpu.memory_space<vmem>>) dst(%dma_wait3A_514 : memref<10240x128xf32, #tpu.memory_space<vmem_shared>>)
      %dma_wait3A_515 = arith.constant 0 : i32
      %dma_wait3A_516 = arith.constant 0 : i32
      %dma_wait3A_517 = tpu.memref_slice %arg22[%dma_wait3A_516] : memref<16xf32, #tpu.memory_space<vmem>> -> memref<16xf32, #tpu.memory_space<vmem>>
      %dma_wait3A_518 = arith.constant 0 : i32
      %dma_wait3A_519 = tpu.memref_slice %arg7[%dma_wait3A_515, %dma_wait3A_518] : memref<25x16xi32, #tpu.memory_space<vmem>> -> memref<1x16xi32, #tpu.memory_space<vmem>>
      %dma_wait3A_520 = tpu.memref_squeeze %dma_wait3A_519 : memref<1x16xi32, #tpu.memory_space<vmem>> -> memref<16xi32, #tpu.memory_space<vmem>>
      %dma_wait3A_521 = arith.constant 0 : i32
      %dma_wait3A_522 = tpu.memref_slice %arg38[%dma_wait3A_521] : memref<10240xf32, #tpu.memory_space<vmem_shared>> -> memref<10240xf32, #tpu.memory_space<vmem_shared>>
      tpu.wait_indirect_dma semaphore(%arg35 : memref<!tpu.dma_semaphore, #tpu.memory_space<semaphore_mem>>) src(%dma_wait3A_517 : memref<16xf32, #tpu.memory_space<vmem>>) dst(%dma_wait3A_522 : memref<10240xf32, #tpu.memory_space<vmem_shared>>)
      %dma_wait3A_523 = arith.constant 0 : i32
      %dma_wait3A_524 = arith.constant 0 : i32
      %dma_wait3A_525 = tpu.memref_slice %arg7[%dma_wait3A_523, %dma_wait3A_524] : memref<25x16xi32, #tpu.memory_space<vmem>> -> memref<1x16xi32, #tpu.memory_space<vmem>>
      %dma_wait3A_526 = tpu.memref_squeeze %dma_wait3A_525 : memref<1x16xi32, #tpu.memory_space<vmem>> -> memref<16xi32, #tpu.memory_space<vmem>>
      %dma_wait3A_527 = arith.constant 0 : i32
      %dma_wait3A_528 = arith.constant 0 : i32
      %dma_wait3A_529 = tpu.memref_slice %arg37[%dma_wait3A_527, %dma_wait3A_528] : memref<10240x128xf32, #tpu.memory_space<vmem_shared>> -> memref<10240x128xf32, #tpu.memory_space<vmem_shared>>
      tpu.wait_indirect_dma semaphore(%arg34 : memref<!tpu.dma_semaphore, #tpu.memory_space<semaphore_mem>>) src(%arg20 : memref<16x128xf32, #tpu.memory_space<vmem>>) dst(%dma_wait3A_529 : memref<10240x128xf32, #tpu.memory_space<vmem_shared>>)
      %dma_wait3A_530 = arith.constant 0 : i32
      %dma_wait3A_531 = arith.constant 0 : i32
      %dma_wait3A_532 = tpu.memref_slice %arg22[%dma_wait3A_531] : memref<16xf32, #tpu.memory_space<vmem>> -> memref<16xf32, #tpu.memory_space<vmem>>
      %dma_wait3A_533 = arith.constant 0 : i32
      %dma_wait3A_534 = tpu.memref_slice %arg7[%dma_wait3A_530, %dma_wait3A_533] : memref<25x16xi32, #tpu.memory_space<vmem>> -> memref<1x16xi32, #tpu.memory_space<vmem>>
      %dma_wait3A_535 = tpu.memref_squeeze %dma_wait3A_534 : memref<1x16xi32, #tpu.memory_space<vmem>> -> memref<16xi32, #tpu.memory_space<vmem>>
      %dma_wait3A_536 = arith.constant 0 : i32
      %dma_wait3A_537 = tpu.memref_slice %arg38[%dma_wait3A_536] : memref<10240xf32, #tpu.memory_space<vmem_shared>> -> memref<10240xf32, #tpu.memory_space<vmem_shared>>
      tpu.wait_indirect_dma semaphore(%arg36 : memref<!tpu.dma_semaphore, #tpu.memory_space<semaphore_mem>>) src(%dma_wait3A_532 : memref<16xf32, #tpu.memory_space<vmem>>) dst(%dma_wait3A_537 : memref<10240xf32, #tpu.memory_space<vmem_shared>>)
      %scan3A_538 = arith.constant 0 : i32
      scf.yield %scan3A_538 : i32
    }
    %scan3A_424 = arith.constant 25 : i32
    %barrier3A_425 = arith.constant 0 : index
    tpu.barrier barrier_id(%barrier3A_425)
    "tpu.region"() ({
      %run_scoped3A = tpu.sem_alloc : memref<!tpu.dma_semaphore, #tpu.memory_space<semaphore_mem>>
      %dma_start3A_429 = arith.constant 0 : i32
      %dma_start3A_430 = arith.constant 0 : i32
      %dma_start3A_431 = tpu.memref_slice %arg5[%arg0, %dma_start3A_429, %dma_start3A_430] : memref<2x10240x128xf32, #tpu.memory_space<hbm>> -> memref<1x10240x128xf32, #tpu.memory_space<hbm>>
      %dma_start3A_432 = tpu.memref_squeeze %dma_start3A_431 : memref<1x10240x128xf32, #tpu.memory_space<hbm>> -> memref<10240x128xf32, #tpu.memory_space<hbm>>
      %dma_start3A_433 = arith.constant 0 : i32
      %dma_start3A_434 = tpu.memref_slice %dma_start3A_432[%mul3A_19, %dma_start3A_433] : memref<10240x128xf32, #tpu.memory_space<hbm>> -> memref<640x128xf32, #tpu.memory_space<hbm>>
      %dma_start3A_435 = arith.constant 0 : i32
      %dma_start3A_436 = tpu.memref_slice %arg37[%mul3A_19, %dma_start3A_435] : memref<10240x128xf32, #tpu.memory_space<vmem_shared>> -> memref<640x128xf32, #tpu.memory_space<vmem_shared>>
      tpu.enqueue_dma source(%dma_start3A_436 : memref<640x128xf32, #tpu.memory_space<vmem_shared>>) target(%dma_start3A_434 : memref<640x128xf32, #tpu.memory_space<hbm>>) target_semaphore(%run_scoped3A : memref<!tpu.dma_semaphore, #tpu.memory_space<semaphore_mem>>)
      %dma_wait3A_437 = arith.constant 0 : i32
      %dma_wait3A_438 = arith.constant 0 : i32
      %dma_wait3A_439 = tpu.memref_slice %arg5[%arg0, %dma_wait3A_437, %dma_wait3A_438] : memref<2x10240x128xf32, #tpu.memory_space<hbm>> -> memref<1x10240x128xf32, #tpu.memory_space<hbm>>
      %dma_wait3A_440 = tpu.memref_squeeze %dma_wait3A_439 : memref<1x10240x128xf32, #tpu.memory_space<hbm>> -> memref<10240x128xf32, #tpu.memory_space<hbm>>
      %dma_wait3A_441 = arith.constant 0 : i32
      %dma_wait3A_442 = tpu.memref_slice %dma_wait3A_440[%mul3A_19, %dma_wait3A_441] : memref<10240x128xf32, #tpu.memory_space<hbm>> -> memref<640x128xf32, #tpu.memory_space<hbm>>
      %dma_wait3A_443 = arith.constant 0 : i32
      %dma_wait3A_444 = tpu.memref_slice %arg37[%mul3A_19, %dma_wait3A_443] : memref<10240x128xf32, #tpu.memory_space<vmem_shared>> -> memref<640x128xf32, #tpu.memory_space<vmem_shared>>
      tpu.wait_dma2 semaphore(%run_scoped3A : memref<!tpu.dma_semaphore, #tpu.memory_space<semaphore_mem>>) src(%dma_wait3A_444 : memref<640x128xf32, #tpu.memory_space<vmem_shared>>) dst(%dma_wait3A_442 : memref<640x128xf32, #tpu.memory_space<hbm>>)
      tpu.yield
    }) : () -> ()
    %mul3A_426 = arith.constant 10240 : i32
    %mul3A_427 = arith.muli %arg0, %mul3A_426 : i32
    %add3A_428 = arith.addi %mul3A_427, %mul3A_19 : i32
    "tpu.region"() ({
      %run_scoped3A = tpu.sem_alloc : memref<!tpu.dma_semaphore, #tpu.memory_space<semaphore_mem>>
      %dma_start3A_429 = tpu.memref_slice %arg6[%add3A_428] : memref<20480xf32, #tpu.memory_space<hbm>> -> memref<640xf32, #tpu.memory_space<hbm>>
      %dma_start3A_430 = tpu.memref_slice %arg38[%mul3A_19] : memref<10240xf32, #tpu.memory_space<vmem_shared>> -> memref<640xf32, #tpu.memory_space<vmem_shared>>
      tpu.enqueue_dma source(%dma_start3A_430 : memref<640xf32, #tpu.memory_space<vmem_shared>>) target(%dma_start3A_429 : memref<640xf32, #tpu.memory_space<hbm>>) target_semaphore(%run_scoped3A : memref<!tpu.dma_semaphore, #tpu.memory_space<semaphore_mem>>)
      %dma_wait3A_431 = tpu.memref_slice %arg6[%add3A_428] : memref<20480xf32, #tpu.memory_space<hbm>> -> memref<640xf32, #tpu.memory_space<hbm>>
      %dma_wait3A_432 = tpu.memref_slice %arg38[%mul3A_19] : memref<10240xf32, #tpu.memory_space<vmem_shared>> -> memref<640xf32, #tpu.memory_space<vmem_shared>>
      tpu.wait_dma2 semaphore(%run_scoped3A : memref<!tpu.dma_semaphore, #tpu.memory_space<semaphore_mem>>) src(%dma_wait3A_432 : memref<640xf32, #tpu.memory_space<vmem_shared>>) dst(%dma_wait3A_431 : memref<640xf32, #tpu.memory_space<hbm>>)
      tpu.yield
    }) : () -> ()
    return
  }
}

module attributes {stable_mosaic.version = 14 : i64} {
  func.func @_tc_body(%arg0: i32, %arg1: memref<2000x128xf32, #tpu.memory_space<vmem>>, %arg2: memref<2x2000x128xf32, #tpu.memory_space<vmem>>, %arg3: memref<2000x2xf32, #tpu.memory_space<vmem>>, %arg4: memref<128x128xf32, #tpu.memory_space<vmem>>, %arg5: memref<1x128xf32, #tpu.memory_space<vmem>>, %arg6: memref<2000x128xf32, #tpu.memory_space<vmem>>) attributes {dimension_semantics = [#tpu.dimension_semantics<arbitrary>], iteration_bounds = array<i64: 5>, scalar_prefetch = 0 : i64, scratch_operands = 0 : i64, tpu.core_type = #tpu.core_type<tc>, window_params = [{transform_indices = @transform_0, window_bounds = array<i64: 2000, 128>}, {transform_indices = @transform_1, window_bounds = array<i64: 2, 2000, 128>}, {transform_indices = @transform_2, window_bounds = array<i64: 2000, 2>}, {pipeline_mode = #tpu.pipeline_mode<synchronous>, transform_indices = @transform_3, window_bounds = array<i64: 128, 128>}, {pipeline_mode = #tpu.pipeline_mode<synchronous>, transform_indices = @transform_4, window_bounds = array<i64: 1, 128>}, {transform_indices = @transform_5, window_bounds = array<i64: 2000, 128>}]} {
    %get3A = arith.constant 0 : index
    %get3A_0 = arith.constant 0 : index
    %get3A_1 = vector.load %arg1[%get3A, %get3A_0] : memref<2000x128xf32, #tpu.memory_space<vmem>>, vector<2000x128xf32>
    %get3A_2 = arith.constant 0 : index
    %get3A_3 = arith.constant 0 : index
    %get3A_4 = arith.constant 0 : index
    %get3A_5 = vector.load %arg2[%get3A_2, %get3A_3, %get3A_4] : memref<2x2000x128xf32, #tpu.memory_space<vmem>>, vector<1x2000x128xf32>
    %get3A_6 = vector.shape_cast %get3A_5 : vector<1x2000x128xf32> to vector<2000x128xf32>
    %add3A = arith.addf %get3A_1, %get3A_6 : vector<2000x128xf32>
    %get3A_7 = arith.constant 1 : index
    %get3A_8 = arith.constant 0 : index
    %get3A_9 = arith.constant 0 : index
    %get3A_10 = vector.load %arg2[%get3A_7, %get3A_8, %get3A_9] : memref<2x2000x128xf32, #tpu.memory_space<vmem>>, vector<1x2000x128xf32>
    %get3A_11 = vector.shape_cast %get3A_10 : vector<1x2000x128xf32> to vector<2000x128xf32>
    %add3A_12 = arith.addf %add3A, %get3A_11 : vector<2000x128xf32>
    %get3A_13 = arith.constant 0 : index
    %get3A_14 = arith.constant 0 : index
    %get3A_15 = vector.load %arg3[%get3A_13, %get3A_14] : memref<2000x2xf32, #tpu.memory_space<vmem>>, vector<2000x2xf32>
    %reduce_sum3A = arith.constant dense<0.000000e+00> : vector<2000xf32>
    %reduce_sum3A_16 = vector.multi_reduction <add>, %get3A_15, %reduce_sum3A [1] : vector<2000x2xf32> to vector<2000xf32>
    %broadcast_in_dim3A = vector.shape_cast %reduce_sum3A_16 : vector<2000xf32> to vector<2000x1xf32>
    %add3A_17 = arith.constant 1.000000e+00 : f32
    %add3A_18 = vector.broadcast %add3A_17 : f32 to vector<2000x1xf32>
    %add3A_19 = arith.addf %broadcast_in_dim3A, %add3A_18 : vector<2000x1xf32>
    %div3A = vector.broadcast %add3A_19 : vector<2000x1xf32> to vector<2000x128xf32>
    %div3A_20 = arith.divf %add3A_12, %div3A : vector<2000x128xf32>
    %get3A_21 = arith.constant 0 : index
    %get3A_22 = arith.constant 0 : index
    %get3A_23 = vector.load %arg4[%get3A_21, %get3A_22] : memref<128x128xf32, #tpu.memory_space<vmem>>, vector<128x128xf32>
    %dot_general3A = arith.constant dense<0.000000e+00> : vector<2000x128xf32>
    %dot_general3A_24 = tpu.matmul %div3A_20, %get3A_23, %dot_general3A {dimension_numbers = #tpu.dot_dimension_numbers<[1], [1], [0], [0], [0, 0, 1, 0], [], []>, transpose_lhs_hint = false} : vector<2000x128xf32>, vector<128x128xf32>, vector<2000x128xf32> -> vector<2000x128xf32>
    %get3A_25 = arith.constant 0 : index
    %get3A_26 = arith.constant 0 : index
    %get3A_27 = vector.load %arg5[%get3A_25, %get3A_26] : memref<1x128xf32, #tpu.memory_space<vmem>>, vector<1x128xf32>
    %add3A_28 = vector.broadcast %get3A_27 : vector<1x128xf32> to vector<2000x128xf32>
    %add3A_29 = arith.addf %dot_general3A_24, %add3A_28 : vector<2000x128xf32>
    %swap3A = arith.constant 0 : index
    %swap3A_30 = arith.constant 0 : index
    %swap3A_31 = vector.load %arg6[%swap3A, %swap3A_30] : memref<2000x128xf32, #tpu.memory_space<vmem>>, vector<2000x128xf32>
    tpu.vector_store %arg6[%swap3A, %swap3A_30], %add3A_29 {strides = array<i32>} : memref<2000x128xf32, #tpu.memory_space<vmem>>, vector<2000x128xf32>,
    return
  }
  func.func @transform_0(%arg0: i32) -> (i32, i32) {
    %c0_i32 = arith.constant 0 : i32
    %c0_i32_0 = arith.constant 0 : i32
    return %arg0, %c0_i32 : i32, i32
  }
  func.func @transform_1(%arg0: i32) -> (i32, i32, i32) {
    %c0_i32 = arith.constant 0 : i32
    %c0_i32_0 = arith.constant 0 : i32
    %c0_i32_1 = arith.constant 0 : i32
    return %c0_i32, %arg0, %c0_i32_0 : i32, i32, i32
  }
  func.func @transform_2(%arg0: i32) -> (i32, i32) {
    %c0_i32 = arith.constant 0 : i32
    %c0_i32_0 = arith.constant 0 : i32
    return %arg0, %c0_i32 : i32, i32
  }
  func.func @transform_3(%arg0: i32) -> (i32, i32) {
    %c0_i32 = arith.constant 0 : i32
    %c0_i32_0 = arith.constant 0 : i32
    %c0_i32_1 = arith.constant 0 : i32
    return %c0_i32, %c0_i32_0 : i32, i32
  }
  func.func @transform_4(%arg0: i32) -> (i32, i32) {
    %c0_i32 = arith.constant 0 : i32
    %c0_i32_0 = arith.constant 0 : i32
    %c0_i32_1 = arith.constant 0 : i32
    return %c0_i32, %c0_i32_0 : i32, i32
  }
  func.func @transform_5(%arg0: i32) -> (i32, i32) {
    %c0_i32 = arith.constant 0 : i32
    %c0_i32_0 = arith.constant 0 : i32
    return %arg0, %c0_i32 : i32, i32
  }
}

</mosaic_0001>

<sc_bundles>
// kernel: kernel.4.cloned.1.call-start
scs
__scs_entry_jumppad:
0x0: {  	(pc) =	sbr.rel $0x88, $3  }
0x1: {  	(tag) =	ssettag $0x0;
	lr =	simm.s32 $0x1  }
0x2: {  	[smem:$0x3F9D] =	sst lr;
	_ =	strace $0xD0000000  }
0x3: {  	_ = 	snop  }
0x4: {  	_ = 	snop  }
0x5: {  	_ = 	snop  }
0x6: {  	_ = 	snop  }
0x7: {  	_ = 	snop  }
__scs_overlays_trampoline_lowered:
0x8: {  	[smem:$0x3FAC] =	sst s0  }
0x9: {  	[smem:$0x3FAD] =	sst s1  }
0xa: {  	[smem:$0x3FAE] =	sst s2  }
0xb: {  	[smem:$0x3FAF] =	sst s3  }
0xc: {  	[smem:$0x3FB0] =	sst s4  }
0xd: {  	[smem:$0x3FB1] =	sst s5  }
0xe: {  	[smem:$0x3FB2] =	sst s6  }
0xf: {  	[smem:$0x3FB3] =	sst s7  }
0x10: {  	[smem:$0x3FB4] =	sst s8  }
0x11: {  	[smem:$0x3FB5] =	sst s9;
	s0 =	simm.s32 @!p0 $0x0  }
0x12: {  	s1 =	sld [smem:$0x3F9B];
	s0 =	simm.s32 @p0 $0x1  }
0x13: {  	[smem:$0x3FB6] =	sst s0;
	s0 =	simm.s32 @!p1 $0x0  }
0x14: {  	s2 =	sld [smem:$0x3F9A];
	s0 =	simm.s32 @p1 $0x1  }
0x15: {  	[smem:$0x3FB7] =	sst s0;
	s0 =	simm.s32 @!p2 $0x0  }
0x16: {  	s3 =	sld [smem:$0x3FDB];
	s0 =	simm.s32 @p2 $0x1  }
0x17: {  	s4 =	simm.s32 $0x1BF5;
	[smem:$0x3FB9] =	sst s0  }
0x18: {  	s0 =	sld [smem:$0x3F9C];
	_ =	swait.ge [sflag:s4], $0x0  }
0x19: {  	s7 =	sld [smem:$0x3F9D]  }
0x1a: {  	s8 =	sadd.s32 $0xFFFFE003, lr  }
0x1b: {  	s9 =	sadd.s32 $0xFFFFFEF7, lr;
	s5 =	simm.s32 $0xFFFFFFFF;
	p2 =	slt.u32 s8, $0xFFFFF086  }
0x1c: {  	p1 =	slt.u32 s9, $0xF7A;
	s5 =	simm.s32 @!p2 $0x0  }
0x1d: {  	s5 =	simm.s32 @p1 $0x1;
	p0 =	seq.s32 s7, s2  }
0x1e: {  	s7 =	smul.u32 @!p0 $0xF7A, s2;
	p2 =	seq.s32 @!p0 s5, $0x0  }
0x1f: {  	s9 =	smul.u32 $0xF7A, s1;
	s8 =	simm.s32 @!p0 $0x1BF5;
	p2 =	por !p2, p0  }
0x20: {  	[sflag:s8] =	ssyncset.s32 @!p0 $0xFFFFF086;
	s6 =	sadd.s32 @!p0 s3, s7;
	s7 =	simm.s32 @!p0 $0x108  }
0x21: {  	s3 =	sadd.s32 s3, s9;
	s6 =	sadd.s32 @!p0 $0x88, s6;
	s7 =	simm.s32 @p2 $0x1082  }
0x22: {  	[simem:s7], [sflag:s8] =	dma.local @!p0 [hbm:s6], $0xF7A  }
0x23: {  	s9 =	sor.u32 $0xD0000000, s2;
	s6 =	simm.s32 $0x108;
	_ =	swait.ge @!p0 [sflag:s8], $0x0  }
0x24: {  	s3 =	sadd.s32 $0x88, s3;
	s6 =	simm.s32 @!p1 $0x1082;
	[sflag:s4] =	ssyncset.s32 $0xFFFFF086  }
0x25: {  	[simem:s6], [sflag:s4] =	dma.local [hbm:s3], $0xF7A  }
0x26: {  	[smem:$0x3F9D] =	sst s1;
	(tag) =	ssettag s2;
	_ =	strace s9  }
0x27: {  	s1 =	sld [smem:$0x3FAD]  }
0x28: {  	s2 =	sld [smem:$0x3FAE]  }
0x29: {  	s4 =	sld [smem:$0x3FB0]  }
0x2a: {  	p0 =	seq.s32 s5, $0x0;
	s5 =	sld [smem:$0x3FB1]  }
0x2b: {  	s6 =	sld [smem:$0x3FB2]  }
0x2c: {  	s7 =	sld [smem:$0x3FB3]  }
0x2d: {  	s3 =	simm.s32 $0x108;
	s8 =	sld [smem:$0x3FB4]  }
0x2e: {  	s3 =	simm.s32 @!p0 $0x1082;
	s9 =	sld [smem:$0x3FB5]  }
0x2f: {  	lr =	sadd.s32 s0, s3;
	s0 =	sld [smem:$0x3FAC]  }
0x30: {  	s3 =	sld [smem:$0x3FAF]  }
0x31: {  	[smem:$0x3FB8] =	sst s10  }
0x32: {  	s10 =	sld [smem:$0x3FB6];
	_ =	sdelay $0x3  }
0x33: {  	p0 =	seq.s32 s10, $0x1;
	s10 =	sld [smem:$0x3FB8];
	_ =	sdelay $0x3  }
0x34: {  	[smem:$0x3FB8] =	sst s10  }
0x35: {  	s10 =	sld [smem:$0x3FB7];
	_ =	sdelay $0x3  }
0x36: {  	p1 =	seq.s32 s10, $0x1;
	s10 =	sld [smem:$0x3FB8];
	_ =	sdelay $0x3  }
0x37: {  	[smem:$0x3FB8] =	sst s10  }
0x38: {  	s10 =	sld [smem:$0x3FB9]  }
0x39: {  	_ = 	snop;
	(pc) =	sbr.ind lr, $3  }
0x3a: {  	_ = 	snop  }
0x3b: {  	_ = 	snop  }
0x3c: {  	p2 =	seq.s32 s10, $0x1;
	s10 =	sld [smem:$0x3FB8]  }
0x3d: {  	_ =	shalt  }
0x3e: {  	_ =	shalt  }
0x3f: {  	_ =	shalt  }
0x40: {  	_ =	shalt  }
0x41: {  	_ =	shalt  }
0x42: {  	_ =	shalt  }
0x43: {  	_ =	shalt  }
0x44: {  	_ =	shalt  }
0x45: {  	_ =	shalt  }
0x46: {  	_ =	shalt  }
0x47: {  	_ =	shalt  }
0x48: {  	_ =	shalt  }
0x49: {  	_ =	shalt  }
0x4a: {  	_ =	shalt  }
0x4b: {  	_ =	shalt  }
0x4c: {  	_ =	shalt  }
0x4d: {  	_ =	shalt  }
0x4e: {  	_ =	shalt  }
0x4f: {  	_ =	shalt  }
0x50: {  	_ =	shalt  }
0x51: {  	_ =	shalt  }
0x52: {  	_ =	shalt  }
0x53: {  	_ =	shalt  }
0x54: {  	_ =	shalt  }
0x55: {  	_ =	shalt  }
0x56: {  	_ =	shalt  }
0x57: {  	_ =	shalt  }
0x58: {  	_ =	shalt  }
0x59: {  	_ =	shalt  }
0x5a: {  	_ =	shalt  }
0x5b: {  	_ =	shalt  }
0x5c: {  	_ =	shalt  }
0x5d: {  	_ =	shalt  }
0x5e: {  	_ =	shalt  }
0x5f: {  	_ =	shalt  }
0x60: {  	_ =	shalt  }
0x61: {  	_ =	shalt  }
0x62: {  	_ =	shalt  }
0x63: {  	_ =	shalt  }
0x64: {  	_ =	shalt  }
0x65: {  	_ =	shalt  }
0x66: {  	_ =	shalt  }
0x67: {  	_ =	shalt  }
0x68: {  	_ =	shalt  }
0x69: {  	_ =	shalt  }
0x6a: {  	_ =	shalt  }
0x6b: {  	_ =	shalt  }
0x6c: {  	_ =	shalt  }
0x6d: {  	_ =	shalt  }
0x6e: {  	_ =	shalt  }
0x6f: {  	_ =	shalt  }
0x70: {  	_ =	shalt  }
0x71: {  	_ =	shalt  }
0x72: {  	_ =	shalt  }
0x73: {  	_ =	shalt  }
0x74: {  	_ =	shalt  }
0x75: {  	_ =	shalt  }
0x76: {  	_ =	shalt  }
0x77: {  	_ =	shalt  }
0x78: {  	_ =	shalt  }
0x79: {  	_ =	shalt  }
0x7a: {  	_ =	shalt  }
0x7b: {  	_ =	shalt  }
0x7c: {  	_ =	shalt  }
0x7d: {  	_ =	shalt  }
0x7e: {  	_ =	shalt  }
0x7f: {  	_ =	shalt  }
0x80: {  	_ =	shalt  }
0x81: {  	_ =	shalt  }
0x82: {  	_ =	shalt  }
0x83: {  	_ =	shalt  }
0x84: {  	_ =	shalt  }
0x85: {  	_ =	shalt  }
0x86: {  	_ =	shalt  }
0x87: {  	_ =	shalt  }
.Lfunc_end0:
.L_simem_size_0:
called_computation_lowered:
.L_overlay_start_0:
0x88: {  	s2 =	sld [smem:$0x3FD9]  }
0x89: {  	s3 =	sld [smem:$0x3FFE];
	_ =	sdelay $0x1  }
0x8a: {  	s1 =	srdreg.scid  }
0x8b: {  	s0 =	sand.u32 $0x1, s1  }
0x8c: {  	s17 =	sshll.u32 s0, $0xA;
	s2 =	sadd.s32 s3, s2  }
0x8d: {  	s2 =	sadd.s32 s2, s17  }
0x8e: {  	[smem:$0x3FC4] =	sst s2  }
0x8f: {  	_ = 	snop  }
0x90: {  	s2 =	sld [smem:$0x3FC9]  }
0x91: {  	s18 =	sld [smem:$0x3FD0];
	(tm) =	ssettm $0x1  }
0x92: {  	s4 =	sld [smem:$0x3FFB];
	_ =	sdelay $0x3  }
0x93: {  	_ =	strace s4  }
0x94: {  	s4 =	sld [smem:$0x3FFC];
	_ =	sdelay $0x3  }
0x95: {  	_ =	strace s4  }
0x96: {  	s4 =	sld [smem:$0x3FFD];
	_ =	sdelay $0x3  }
0x97: {  	_ =	strace s4  }
0x98: {  	_ =	strace $0x8FFFFFFF  }
0x99: {  	s19 =	sld [smem:$0x3FDB];
	_ =	sdelay $0x1  }
0x9a: {  	s5 =	simm.s32 $_scs_section_size  }
0x9b: {  	s6 =	simm.s32 $_size__tile_overlayer_lowered;
	s7 =	simm.s32 $_tile_overlayer_lowered  }
0x9c: {  	s22 =	simm.s32 $0x1BFF;
	s21 =	sshll.u32 s7, $0x1;
	s4 =	sadd.s32 s5, s19  }
0x9d: {  	s8 =	simm.s32 $0x0;
	s20 =	sshll.u32 s6, $0x1;
	s6 =	sadd.s32 s21, s4  }
0x9e: {  	[timem:s8], [sflag:s22] =	dma.local [hbm:s6], s20  }
0x9f: {  	_ =	swait.ge [sflag:s22], s20  }
0xa0: {  	s5 =	ssub.s32 $0x0, s20;
	[sflag:s22] =	ssyncset.done $0x0  }
0xa1: {  	[sflag:s22] =	ssyncadd.s32 s5;
	_ =	sdelay $0x1  }
0xa2: {  	s23 =	simm.s32 $0x1B8B  }
0xa3: {  	_ =	swait.ge [sflag:s23], $0x1  }
0xa4: {  	[sflag:s23] =	ssyncset.done $0x0  }
0xa5: {  	s25 =	simm.s32 $0x1B8E;
	s24 =	sld [smem:$0x3FFE];
	[sflag:s23] =	ssyncadd.s32 $0xFFFFFFFF  }
0xa6: {  	s26 =	simm.s32 $execute0_lowered;
	[smem:$0x3FD2] =	sst s25  }
0xa7: {  	s6 =	sshll.u32 s26, $0x1;
	_ =	strace $0x80000046;
	[dreg:$0x1] =	wrdreg $0xFFFFFFFF  }
0xa8: {  	s28 =	simm.s32 $_size_execute0_lowered;
	s4 =	sadd.s32 s4, s6;
	[dreg:$0x0] =	wrdreg $0x0  }
0xa9: {  	s6 =	sshll.u32 s28, $0x1;
	[dreg:$0x2] =	wrdreg s4  }
0xaa: {  	[dreg:$0x3] =	wrdreg s6  }
0xab: {  	[dreg:$0x4] =	wrdreg $0xC0  }
0xac: {  	_ =	task [dreg:s8], $0x5FFFF  }
0xad: {  	[dreg:$0x1] =	wrdreg $0xFFFFFFFF  }
0xae: {  	[dreg:$0x0] =	wrdreg $0x60  }
0xaf: {  	[dreg:$0x2] =	wrdreg s2  }
0xb0: {  	[dreg:$0x3] =	wrdreg s24  }
0xb1: {  	[dreg:$0x4] =	wrdreg s18  }
0xb2: {  	[dreg:$0x5] =	wrdreg $0x83000  }
0xb3: {  	[dreg:$0x6] =	wrdreg $0x1C3000  }
0xb4: {  	[dreg:$0x7] =	wrdreg $0x9  }
0xb5: {  	_ =	task.clear_ibuf [dreg:s8], $0x8FFFF;
	_ =	strace $0x90000046  }
0xb6: {  	s29 =	simm.s32 $0x9;
	_ =	strace $0x80000048  }
0xb7: {  	_ =	swait.ge [sflag:s29], $0x1  }
0xb8: {  	[sflag:s29] =	ssyncadd.s32 $0xFFFFFFFF  }
0xb9: {  	_ =	strace $0x90000048  }
0xba: {  	_ =	sfence  }
0xbb: {  	s30 =	sld [smem:$0x0];
	_ =	sdelay $0x2  }
0xbc: {  	s31 =	sshll.u32 s1, $0xD;
	s1 =	sshrl.u32 s1, $0x2  }
0xbd: {  	s3 =	sand.u32 $0x4000, s31;
	s1 =	sadd.s32 s1, s30  }
0xbe: {  	s0 =	sor.u32 s3, s0;
	s1 =	sshll.u32 s1, $0x11  }
0xbf: {  	s0 =	sor.u32 s1, s0  }
0xc0: {  	s0 =	sadd.s32 $0x8F2B, s0  }
0xc1: {  	[sflag:s0] =	ssyncadd.remote.s32 $0x1  }
0xc2: {  	_ =	sfence.sel $0xFFFF  }
0xc3: {  	[dreg:$0x0] =	wrdreg $0xFFFFFFFF;
	(pc) =	sbr.abs _section_cstart, $3  }
0xc4: {  	[dreg:$0x1] =	wrdreg $0xFFFFFFFF  }
0xc5: {  	_ =	task.clear_ibuf [dreg:s8], $0x2FFFF;
	_ =	strace $0x9FFFFFFF  }
0xc6: {  	(tm) =	ssettm $0x7FFFFFFF  }
0xc7: {  	_ =	shalt  }
tec
execute0_lowered:
.L_overlay_start_1:
0x0: {  	(tag) =	ssettag $0x1  }
0x1: {  	s1 =	rddreg [dreg:$0x0]  }
0x2: {  	s0 =	rddreg [dreg:$0x1]  }
0x3: {  	s4 =	rddreg [dreg:$0x2]  }
0x4: {  	s2 =	rddreg [dreg:$0x3]  }
0x5: {  	s3 =	rddreg [dreg:$0x4];
	s9 =	stileid.u32  }
0x6: {  	s10 =	simm.s32 $0x0;
	s5 =	srdreg.scid;
	s7 =	smul.u32 $0x50000, s9  }
0x7: {  	[smem:$0x7FF] =	sst s10;
	s5 =	sand.u32 $0x1, s5;
	s29 =	smul.u32 $0x280, s9  }
0x8: {  	s8 =	sadd.s32 $0x64E00, s0;
	s22 =	sadd.s32 $0xE00, s0;
	s6 =	smul.u32 $0x28000, s5  }
0x9: {  	_ =	strace $0x80000047;
	[dreg:$0x7] =	wrdreg s8;
	s23 =	ssub.s32 $0x2, s5  }
0xa: {  	[dreg:$0x8] =	wrdreg s22;
	s24 =	sshrl.u32 s23, $0x1  }
0xb: {  	s7 =	sshrl.u32 s7, $0x2;
	s28 =	sadd.s32 s29, s3;
	s0 =	sadd.s32 s6, s0  }
0xc: {  	s6 =	ssub.s32 s23, s24;
	s24 =	sadd.s32 s7, s2;
	[dreg:$0x18] =	wrdreg s28  }
0xd: {  	s11 =	sadd.s32 $0x800, s24;
	[dreg:$0x9] =	wrdreg s24  }
0xe: {  	s31 =	sadd.s32 $0x1000, s24;
	[dreg:$0xa] =	wrdreg s11  }
0xf: {  	s12 =	sadd.s32 $0x1800, s24;
	[dreg:$0xb] =	wrdreg s31  }
0x10: {  	s13 =	sadd.s32 $0x2000, s24;
	[dreg:$0xc] =	wrdreg s12  }
0x11: {  	s14 =	sadd.s32 $0x2800, s24;
	[dreg:$0xd] =	wrdreg s13  }
0x12: {  	s15 =	sadd.s32 $0x3000, s24;
	[dreg:$0xe] =	wrdreg s14  }
0x13: {  	s16 =	sadd.s32 $0x3800, s24;
	[dreg:$0xf] =	wrdreg s15  }
0x14: {  	s17 =	sadd.s32 $0x4000, s24;
	[dreg:$0x10] =	wrdreg s16  }
0x15: {  	s18 =	sadd.s32 $0x4800, s24;
	[dreg:$0x11] =	wrdreg s17  }
0x16: {  	s25 =	sshll.u32 s5, $0x4;
	s19 =	sadd.s32 $0x5000, s24;
	[dreg:$0x12] =	wrdreg s18  }
0x17: {  	s26 =	sor.u32 s9, s25;
	s20 =	sadd.s32 $0x5800, s24;
	[dreg:$0x13] =	wrdreg s19  }
0x18: {  	s22 =	smul.u32 $0x19000, s26;
	s21 =	sadd.s32 $0x6000, s24;
	[dreg:$0x15] =	wrdreg s20  }
0x19: {  	[dreg:$0x17] =	wrdreg s21  }
0x1a: {  	s23 =	smax.u32 s6, $0x1;
	[dreg:$0x19] =	wrdreg s22  }
0x1b: {  	s5 =	smul.u32 $0x2800, s5;
	s25 =	sadd.s32 $0x6800, s24;
	[dreg:$0x1a] =	wrdreg s23  }
0x1c: {  	s26 =	sadd.s32 $0x7000, s24;
	[dreg:$0x1b] =	wrdreg s25  }
0x1d: {  	s5 =	sadd.s32 s29, s5;
	s29 =	sadd.s32 $0x7800, s24;
	[dreg:$0x1c] =	wrdreg s26  }
0x1e: {  	s6 =	sadd.s32 $0x9800, s24;
	[dreg:$0x1d] =	wrdreg s29  }
0x1f: {  	s9 =	smul.u32 $0x2800, s9;
	s7 =	sadd.s32 $0xA000, s24;
	[smem:$0x7E9] =	sst s6  }
0x20: {  	s5 =	sshrl.u32 s5, $0x3;
	s8 =	sadd.s32 $0xA800, s24;
	[smem:$0x7EA] =	sst s7  }
0x21: {  	s0 =	sadd.s32 $0xC8E00, s0;
	s4 =	sadd.s32 s4, s5;
	[smem:$0x7EB] =	sst s8  }
0x22: {  	s0 =	sadd.s32 s9, s0;
	[dreg:$0x14] =	wrdreg s4  }
0x23: {  	s31 =	sadd.s32 $0x8000, s24;
	[dreg:$0x16] =	wrdreg s0  }
0x24: {  	s5 =	sadd.s32 $0x9000, s24;
	[dreg:$0x1e] =	wrdreg s31  }
0x25: {  	s9 =	sadd.s32 $0xB000, s24;
	[smem:$0x7E8] =	sst s5  }
0x26: {  	s11 =	sadd.s32 $0xB800, s24;
	[smem:$0x7EC] =	sst s9  }
0x27: {  	s12 =	sadd.s32 $0xC000, s24;
	[smem:$0x7ED] =	sst s11  }
0x28: {  	s13 =	sadd.s32 $0xC800, s24;
	[smem:$0x7EE] =	sst s12  }
0x29: {  	s14 =	sadd.s32 $0xD000, s24;
	[smem:$0x7EF] =	sst s13  }
0x2a: {  	s15 =	sadd.s32 $0xD800, s24;
	[smem:$0x7F0] =	sst s14  }
0x2b: {  	s16 =	sadd.s32 $0xE000, s24;
	[smem:$0x7F1] =	sst s15  }
0x2c: {  	s17 =	sadd.s32 $0xE800, s24;
	[smem:$0x7F2] =	sst s16  }
0x2d: {  	s18 =	sadd.s32 $0xF000, s24;
	[smem:$0x7F3] =	sst s17  }
0x2e: {  	s19 =	sadd.s32 $0xF800, s24;
	[smem:$0x7F4] =	sst s18  }
0x2f: {  	s20 =	sadd.s32 $0x10000, s24;
	[smem:$0x7F5] =	sst s19  }
0x30: {  	s21 =	sadd.s32 $0x10800, s24;
	[smem:$0x7F6] =	sst s20  }
0x31: {  	s22 =	sadd.s32 $0x11000, s24;
	[smem:$0x7F7] =	sst s21  }
0x32: {  	s23 =	sadd.s32 $0x11800, s24;
	[smem:$0x7F8] =	sst s22  }
0x33: {  	s30 =	simm.s32 $0x4000;
	s25 =	sadd.s32 $0x12000, s24;
	[smem:$0x7F9] =	sst s23  }
0x34: {  	s26 =	sadd.s32 $0x12800, s24;
	s29 =	sadd.s32 $0x13000, s24;
	[smem:$0x7FA] =	sst s25  }
0x35: {  	s8 =	simm.s32 $0x1;
	s4 =	sadd.s32 $0x8800, s24;
	[smem:$0x7FB] =	sst s26  }
0x36: {  	[smem:$0x7FC] =	sst s29;
	s31 =	sadd.s32 $0x13800, s24;
	s0 =	simm.s32 $0x7000  }
0x37: {  	s5 =	simm.s32 $0xB;
	s9 =	simm.s32 $0xF;
	s11 =	simm.s32 $0x10  }
0x38: {  	s23 =	simm.s32 $0x6800;
	s12 =	simm.s32 $0x8280;
	s13 =	simm.s32 $0x2  }
.Ltmp0:
0x39: {  	s14 =	simm.s32 $0x7;
	s15 =	simm.s32 $0x7800;
	(pc) =	sbr.rel .LBB2_1-.Ltmp0, $4  }
0x3a: {  	s16 =	simm.s32 $0x3;
	s17 =	simm.s32 $0x8;
	s18 =	simm.s32 $0xD  }
0x3b: {  	s19 =	simm.s32 $0x4;
	s20 =	simm.s32 $0x9;
	s21 =	simm.s32 $0xC  }
0x3c: {  	s22 =	simm.s32 $0xE;
	s25 =	simm.s32 $0x5;
	[dreg:$0x1f] =	wrdreg s4  }
0x3d: {  	v0 =	vimm.f32 $0.0e+00;
	v1 =	vimm.f32 $1.000000000e+00;
	s26 =	simm.s32 $0xA;
	[smem:$0x7FD] =	sst s31;
	s4 =	simm.s32 $0x6  }
.LBB2_18:
0x3e: {  	s6 =	stileid.u32;
	[bflag:$0x0] =	sbarrier.arrive $0xFFFF  }
0x3f: {  	s6 =	sshll.u32 s6, $0x6;
	s24 =	rddreg [dreg:$0x9]  }
0x40: {  	s10 =	rddreg [dreg:$0x16];
	s6 =	sor.u32 $0x1C0F, s6;
	s7 =	sshrl.u32 s24, $0x3  }
0x41: {  	[hbm:s10], [sflag:s6] =	dma.local [spmem:s7], $0x2800  }
0x42: {  	_ =	swait.ge [sflag:s9], $0x2800  }
0x43: {  	[sflag:s9] =	ssyncset.done $0x0;
	s28 =	rddreg [dreg:$0x18]  }
0x44: {  	s31 =	rddreg [dreg:$0x14];
	[sflag:s9] =	ssyncadd.s32 $0xFFFFD800;
	s29 =	sshrl.u32 s28, $0x3  }
0x45: {  	[hbm:s31], [sflag:s6] =	dma.local [spmem:s29], $0x50  }
0x46: {  	_ =	swait.ge [sflag:s9], $0x50  }
0x47: {  	s29 =	rddreg [dreg:$0x6]  }
0x48: {  	s31 =	rddreg [dreg:$0x1a];
	s10 =	sadd.s32 $0x1, s29  }
0x49: {  	p0 =	sne.s32 s10, s31  }
.Ltmp1:
0x4a: {  	_ = 	snop;
	(pc) =	sbr.rel @!p0 .LBB2_19-.Ltmp1, $3  }
0x4b: {  	_ =	sdelay $0x1  }
0x4c: {  	[sflag:s9] =	ssyncset.done $0x0  }
0x4d: {  	[sflag:s9] =	ssyncadd.s32 $0xFFFFFFB0  }
.LBB2_1:
0x4e: {  	[dreg:$0x6] =	wrdreg s10;
	s6 =	simm.s32 $0x0;
	s7 =	simm.s32 $0x200  }
.LBB2_2:
0x4f: {  	p0 =	sne.s32 s7, $0x1E00;
	[tilespmem:s6+$0x7070] =	vst v0  }
0x50: {  	[tilespmem:s6+$0x7000] =	vst v0  }
0x51: {  	[tilespmem:s6+$0x7010] =	vst v0  }
.Ltmp2:
0x52: {  	[tilespmem:s6+$0x7020] =	vst v0;
	(pc) =	sbr.rel @p0 .LBB2_2-.Ltmp2, $4  }
0x53: {  	[tilespmem:s6+$0x7030] =	vst v0  }
0x54: {  	[tilespmem:s6+$0x7040] =	vst v0  }
0x55: {  	[tilespmem:s6+$0x7050] =	vst v0  }
0x56: {  	[tilespmem:s6+$0x7060] =	vst v0;
	s6 =	sshra.s32 s7, $0x2;
	s7 =	sadd.s32 $0x200, s7  }
0x57: {  	[tilespmem:s6+$0x7070] =	vst v0  }
0x58: {  	[tilespmem:s6+$0x7000] =	vst v0  }
0x59: {  	[tilespmem:s6+$0x7010] =	vst v0  }
0x5a: {  	[tilespmem:s6+$0x7020] =	vst v0  }
0x5b: {  	[tilespmem:s6+$0x7030] =	vst v0  }
0x5c: {  	[tilespmem:s6+$0x7040] =	vst v0  }
0x5d: {  	[tilespmem:s6+$0x7050] =	vst v0  }
0x5e: {  	[tilespmem:s6+$0x7060] =	vst v0  }
0x5f: {  	[tilespmem:$0x8000] =	vst v0  }
0x60: {  	[tilespmem:$0x8010] =	vst v0  }
0x61: {  	[tilespmem:$0x8020] =	vst v0  }
0x62: {  	[tilespmem:$0x8030] =	vst v0  }
0x63: {  	[tilespmem:$0x8040] =	vst v0  }
0x64: {  	[tilespmem:$0x8050] =	vst v0  }
0x65: {  	[tilespmem:$0x8060] =	vst v0  }
0x66: {  	[tilespmem:$0x8070] =	vst v0  }
0x67: {  	[tilespmem:$0x8080] =	vst v0  }
0x68: {  	[tilespmem:$0x8090] =	vst v0  }
0x69: {  	[tilespmem:$0x80A0] =	vst v0  }
0x6a: {  	[tilespmem:$0x80B0] =	vst v0  }
0x6b: {  	[tilespmem:$0x80C0] =	vst v0  }
0x6c: {  	[tilespmem:$0x80D0] =	vst v0  }
0x6d: {  	[tilespmem:$0x80E0] =	vst v0  }
0x6e: {  	[tilespmem:$0x80F0] =	vst v0  }
0x6f: {  	[tilespmem:$0x8100] =	vst v0  }
0x70: {  	[tilespmem:$0x8110] =	vst v0  }
0x71: {  	[tilespmem:$0x8120] =	vst v0  }
0x72: {  	[tilespmem:$0x8130] =	vst v0  }
0x73: {  	[tilespmem:$0x8140] =	vst v0  }
0x74: {  	[tilespmem:$0x8150] =	vst v0  }
0x75: {  	[tilespmem:$0x8160] =	vst v0  }
0x76: {  	[tilespmem:$0x8170] =	vst v0  }
0x77: {  	[tilespmem:$0x8180] =	vst v0  }
0x78: {  	[tilespmem:$0x8190] =	vst v0  }
0x79: {  	[tilespmem:$0x81A0] =	vst v0  }
0x7a: {  	[tilespmem:$0x81B0] =	vst v0  }
0x7b: {  	[tilespmem:$0x81C0] =	vst v0  }
0x7c: {  	[tilespmem:$0x81D0] =	vst v0  }
0x7d: {  	[tilespmem:$0x81E0] =	vst v0  }
0x7e: {  	[tilespmem:$0x81F0] =	vst v0  }
0x7f: {  	[tilespmem:$0x8200] =	vst v0  }
0x80: {  	[tilespmem:$0x8210] =	vst v0  }
0x81: {  	[tilespmem:$0x8220] =	vst v0  }
0x82: {  	[tilespmem:$0x8230] =	vst v0  }
0x83: {  	[tilespmem:$0x8240] =	vst v0  }
0x84: {  	[tilespmem:$0x8250] =	vst v0  }
0x85: {  	[tilespmem:$0x8260] =	vst v0  }
0x86: {  	[tilespmem:$0x8270] =	vst v0  }
0x87: {  	s7 =	rddreg [dreg:$0xa];
	[tilespmem:$0x8280] =	vst v1  }
0x88: {  	[spmem:s24] =	stream.linear.scatter [tilespmem:s0], [sflag:$0xB], $0x800, $0x38;
	[tilespmem:$0x1C580] =	vst v63  }
0x89: {  	s10 =	rddreg [dreg:$0xb]  }
0x8a: {  	[spmem:s7] =	stream.linear.scatter [tilespmem:s0], [sflag:$0xB], $0x800, $0x38;
	[tilespmem:$0x1C580] =	vst v63  }
0x8b: {  	s31 =	rddreg [dreg:$0xd]  }
0x8c: {  	[spmem:s10] =	stream.linear.scatter [tilespmem:s0], [sflag:$0xB], $0x800, $0x38;
	[tilespmem:$0x1C580] =	vst v63  }
0x8d: {  	s24 =	rddreg [dreg:$0xc]  }
0x8e: {  	[spmem:s24] =	stream.linear.scatter [tilespmem:s0], [sflag:$0xB], $0x800, $0x38;
	[tilespmem:$0x1C580] =	vst v63  }
0x8f: {  	s7 =	rddreg [dreg:$0xe]  }
0x90: {  	[spmem:s31] =	stream.linear.scatter [tilespmem:s0], [sflag:$0xB], $0x800, $0x38;
	[tilespmem:$0x1C580] =	vst v63  }
0x91: {  	s10 =	rddreg [dreg:$0xf]  }
0x92: {  	[spmem:s7] =	stream.linear.scatter [tilespmem:s0], [sflag:$0xB], $0x800, $0x38;
	[tilespmem:$0x1C580] =	vst v63  }
0x93: {  	s24 =	rddreg [dreg:$0x10]  }
0x94: {  	[spmem:s10] =	stream.linear.scatter [tilespmem:s0], [sflag:$0xB], $0x800, $0x38;
	[tilespmem:$0x1C580] =	vst v63  }
0x95: {  	s31 =	rddreg [dreg:$0x11]  }
0x96: {  	[spmem:s24] =	stream.linear.scatter [tilespmem:s0], [sflag:$0xB], $0x800, $0x38;
	[tilespmem:$0x1C580] =	vst v63  }
0x97: {  	s7 =	rddreg [dreg:$0x12]  }
0x98: {  	[spmem:s31] =	stream.linear.scatter [tilespmem:s0], [sflag:$0xB], $0x800, $0x38;
	[tilespmem:$0x1C580] =	vst v63  }
0x99: {  	s10 =	rddreg [dreg:$0x13]  }
0x9a: {  	[spmem:s7] =	stream.linear.scatter [tilespmem:s0], [sflag:$0xB], $0x800, $0x38;
	[tilespmem:$0x1C580] =	vst v63  }
0x9b: {  	s24 =	rddreg [dreg:$0x15]  }
0x9c: {  	[spmem:s10] =	stream.linear.scatter [tilespmem:s0], [sflag:$0xB], $0x800, $0x38;
	[tilespmem:$0x1C580] =	vst v63  }
0x9d: {  	s31 =	rddreg [dreg:$0x17]  }
0x9e: {  	[spmem:s24] =	stream.linear.scatter [tilespmem:s0], [sflag:$0xB], $0x800, $0x38;
	[tilespmem:$0x1C580] =	vst v63  }
0x9f: {  	s7 =	rddreg [dreg:$0x1b]  }
0xa0: {  	[spmem:s31] =	stream.linear.scatter [tilespmem:s0], [sflag:$0xB], $0x800, $0x38;
	[tilespmem:$0x1C580] =	vst v63  }
0xa1: {  	s10 =	rddreg [dreg:$0x1c]  }
0xa2: {  	[spmem:s7] =	stream.linear.scatter [tilespmem:s0], [sflag:$0xB], $0x800, $0x38;
	[tilespmem:$0x1C580] =	vst v63  }
0xa3: {  	s24 =	rddreg [dreg:$0x1d]  }
0xa4: {  	[spmem:s10] =	stream.linear.scatter [tilespmem:s0], [sflag:$0xB], $0x800, $0x38;
	[tilespmem:$0x1C580] =	vst v63  }
0xa5: {  	s31 =	rddreg [dreg:$0x1e]  }
0xa6: {  	[spmem:s24] =	stream.linear.scatter [tilespmem:s0], [sflag:$0xB], $0x800, $0x38;
	[tilespmem:$0x1C580] =	vst v63  }
0xa7: {  	s7 =	rddreg [dreg:$0x1f]  }
0xa8: {  	[spmem:s31] =	stream.linear.scatter [tilespmem:s0], [sflag:$0xB], $0x800, $0x38;
	[tilespmem:$0x1C580] =	vst v63  }
0xa9: {  	s10 =	sld [smem:$0x7E8]  }
0xaa: {  	[spmem:s7] =	stream.linear.scatter [tilespmem:s0], [sflag:$0xB], $0x800, $0x38;
	[tilespmem:$0x1C580] =	vst v63  }
0xab: {  	s24 =	sld [smem:$0x7E9]  }
0xac: {  	[spmem:s10] =	stream.linear.scatter [tilespmem:s0], [sflag:$0xB], $0x800, $0x38;
	[tilespmem:$0x1C580] =	vst v63  }
0xad: {  	s31 =	sld [smem:$0x7EA]  }
0xae: {  	[spmem:s24] =	stream.linear.scatter [tilespmem:s0], [sflag:$0xB], $0x800, $0x38;
	[tilespmem:$0x1C580] =	vst v63  }
0xaf: {  	s7 =	sld [smem:$0x7EB]  }
0xb0: {  	[spmem:s31] =	stream.linear.scatter [tilespmem:s0], [sflag:$0xB], $0x800, $0x38;
	[tilespmem:$0x1C580] =	vst v63  }
0xb1: {  	s10 =	sld [smem:$0x7EC]  }
0xb2: {  	[spmem:s7] =	stream.linear.scatter [tilespmem:s0], [sflag:$0xB], $0x800, $0x38;
	[tilespmem:$0x1C580] =	vst v63  }
0xb3: {  	s24 =	sld [smem:$0x7ED]  }
0xb4: {  	[spmem:s10] =	stream.linear.scatter [tilespmem:s0], [sflag:$0xB], $0x800, $0x38;
	[tilespmem:$0x1C580] =	vst v63  }
0xb5: {  	s31 =	sld [smem:$0x7EE]  }
0xb6: {  	[spmem:s24] =	stream.linear.scatter [tilespmem:s0], [sflag:$0xB], $0x800, $0x38;
	[tilespmem:$0x1C580] =	vst v63  }
0xb7: {  	s7 =	sld [smem:$0x7EF]  }
0xb8: {  	[spmem:s31] =	stream.linear.scatter [tilespmem:s0], [sflag:$0xB], $0x800, $0x38;
	[tilespmem:$0x1C580] =	vst v63  }
0xb9: {  	s10 =	sld [smem:$0x7F0]  }
0xba: {  	[spmem:s7] =	stream.linear.scatter [tilespmem:s0], [sflag:$0xB], $0x800, $0x38;
	[tilespmem:$0x1C580] =	vst v63  }
0xbb: {  	s24 =	sld [smem:$0x7F1]  }
0xbc: {  	[spmem:s10] =	stream.linear.scatter [tilespmem:s0], [sflag:$0xB], $0x800, $0x38;
	[tilespmem:$0x1C580] =	vst v63  }
0xbd: {  	s31 =	sld [smem:$0x7F2]  }
0xbe: {  	[spmem:s24] =	stream.linear.scatter [tilespmem:s0], [sflag:$0xB], $0x800, $0x38;
	[tilespmem:$0x1C580] =	vst v63  }
0xbf: {  	s7 =	sld [smem:$0x7F3]  }
0xc0: {  	[spmem:s31] =	stream.linear.scatter [tilespmem:s0], [sflag:$0xB], $0x800, $0x38;
	[tilespmem:$0x1C580] =	vst v63  }
0xc1: {  	s10 =	sld [smem:$0x7F4]  }
0xc2: {  	[spmem:s7] =	stream.linear.scatter [tilespmem:s0], [sflag:$0xB], $0x800, $0x38;
	[tilespmem:$0x1C580] =	vst v63  }
0xc3: {  	s24 =	sld [smem:$0x7F5]  }
0xc4: {  	[spmem:s10] =	stream.linear.scatter [tilespmem:s0], [sflag:$0xB], $0x800, $0x38;
	[tilespmem:$0x1C580] =	vst v63  }
0xc5: {  	s31 =	sld [smem:$0x7F6]  }
0xc6: {  	[spmem:s24] =	stream.linear.scatter [tilespmem:s0], [sflag:$0xB], $0x800, $0x38;
	[tilespmem:$0x1C580] =	vst v63  }
0xc7: {  	s7 =	sld [smem:$0x7F7]  }
0xc8: {  	[spmem:s31] =	stream.linear.scatter [tilespmem:s0], [sflag:$0xB], $0x800, $0x38;
	[tilespmem:$0x1C580] =	vst v63  }
0xc9: {  	s10 =	sld [smem:$0x7F8]  }
0xca: {  	[spmem:s7] =	stream.linear.scatter [tilespmem:s0], [sflag:$0xB], $0x800, $0x38;
	[tilespmem:$0x1C580] =	vst v63  }
0xcb: {  	s24 =	sld [smem:$0x7F9]  }
0xcc: {  	[spmem:s10] =	stream.linear.scatter [tilespmem:s0], [sflag:$0xB], $0x800, $0x38;
	[tilespmem:$0x1C580] =	vst v63  }
0xcd: {  	s31 =	sld [smem:$0x7FA]  }
0xce: {  	[spmem:s24] =	stream.linear.scatter [tilespmem:s0], [sflag:$0xB], $0x800, $0x38;
	[tilespmem:$0x1C580] =	vst v63  }
0xcf: {  	s7 =	sld [smem:$0x7FB]  }
0xd0: {  	[spmem:s31] =	stream.linear.scatter [tilespmem:s0], [sflag:$0xB], $0x800, $0x38;
	[tilespmem:$0x1C580] =	vst v63  }
0xd1: {  	s10 =	sld [smem:$0x7FC]  }
0xd2: {  	[spmem:s7] =	stream.linear.scatter [tilespmem:s0], [sflag:$0xB], $0x800, $0x38;
	[tilespmem:$0x1C580] =	vst v63  }
0xd3: {  	s24 =	sld [smem:$0x7FD]  }
0xd4: {  	[spmem:s10] =	stream.linear.scatter [tilespmem:s0], [sflag:$0xB], $0x800, $0x38;
	[tilespmem:$0x1C580] =	vst v63  }
0xd5: {  	_ = 	snop  }
0xd6: {  	[spmem:s24] =	stream.linear.scatter [tilespmem:s0], [sflag:$0xB], $0x800, $0x38;
	[tilespmem:$0x1C580] =	vst v63  }
0xd7: {  	_ =	swait.ge [sflag:s5], $0x800  }
0xd8: {  	[sflag:s5] =	ssyncset.done $0x0  }
0xd9: {  	[sflag:s5] =	ssyncadd.s32 $0xFFFFF800  }
0xda: {  	_ =	swait.ge [sflag:s5], $0x800  }
0xdb: {  	[sflag:s5] =	ssyncset.done $0x0  }
0xdc: {  	[sflag:s5] =	ssyncadd.s32 $0xFFFFF800  }
0xdd: {  	_ =	swait.ge [sflag:s5], $0x800  }
0xde: {  	[sflag:s5] =	ssyncset.done $0x0  }
0xdf: {  	[sflag:s5] =	ssyncadd.s32 $0xFFFFF800  }
0xe0: {  	_ =	swait.ge [sflag:s5], $0x800  }
0xe1: {  	[sflag:s5] =	ssyncset.done $0x0  }
0xe2: {  	[sflag:s5] =	ssyncadd.s32 $0xFFFFF800  }
0xe3: {  	_ =	swait.ge [sflag:s5], $0x800  }
0xe4: {  	[sflag:s5] =	ssyncset.done $0x0  }
0xe5: {  	[sflag:s5] =	ssyncadd.s32 $0xFFFFF800  }
0xe6: {  	_ =	swait.ge [sflag:s5], $0x800  }
0xe7: {  	[sflag:s5] =	ssyncset.done $0x0  }
0xe8: {  	[sflag:s5] =	ssyncadd.s32 $0xFFFFF800  }
0xe9: {  	_ =	swait.ge [sflag:s5], $0x800  }
0xea: {  	[sflag:s5] =	ssyncset.done $0x0  }
0xeb: {  	[sflag:s5] =	ssyncadd.s32 $0xFFFFF800  }
0xec: {  	_ =	swait.ge [sflag:s5], $0x800  }
0xed: {  	[sflag:s5] =	ssyncset.done $0x0  }
0xee: {  	[sflag:s5] =	ssyncadd.s32 $0xFFFFF800  }
0xef: {  	_ =	swait.ge [sflag:s5], $0x800  }
0xf0: {  	[sflag:s5] =	ssyncset.done $0x0  }
0xf1: {  	[sflag:s5] =	ssyncadd.s32 $0xFFFFF800  }
0xf2: {  	_ =	swait.ge [sflag:s5], $0x800  }
0xf3: {  	[sflag:s5] =	ssyncset.done $0x0  }
0xf4: {  	[sflag:s5] =	ssyncadd.s32 $0xFFFFF800  }
0xf5: {  	_ =	swait.ge [sflag:s5], $0x800  }
0xf6: {  	[sflag:s5] =	ssyncset.done $0x0  }
0xf7: {  	[sflag:s5] =	ssyncadd.s32 $0xFFFFF800  }
0xf8: {  	_ =	swait.ge [sflag:s5], $0x800  }
0xf9: {  	[sflag:s5] =	ssyncset.done $0x0  }
0xfa: {  	[sflag:s5] =	ssyncadd.s32 $0xFFFFF800  }
0xfb: {  	_ =	swait.ge [sflag:s5], $0x800  }
0xfc: {  	[sflag:s5] =	ssyncset.done $0x0  }
0xfd: {  	[sflag:s5] =	ssyncadd.s32 $0xFFFFF800  }
0xfe: {  	_ =	swait.ge [sflag:s5], $0x800  }
0xff: {  	[sflag:s5] =	ssyncset.done $0x0  }
0x100: {  	[sflag:s5] =	ssyncadd.s32 $0xFFFFF800  }
0x101: {  	_ =	swait.ge [sflag:s5], $0x800  }
0x102: {  	[sflag:s5] =	ssyncset.done $0x0  }
0x103: {  	[sflag:s5] =	ssyncadd.s32 $0xFFFFF800  }
0x104: {  	_ =	swait.ge [sflag:s5], $0x800  }
0x105: {  	[sflag:s5] =	ssyncset.done $0x0  }
0x106: {  	[sflag:s5] =	ssyncadd.s32 $0xFFFFF800  }
0x107: {  	_ =	swait.ge [sflag:s5], $0x800  }
0x108: {  	[sflag:s5] =	ssyncset.done $0x0  }
0x109: {  	[sflag:s5] =	ssyncadd.s32 $0xFFFFF800  }
0x10a: {  	_ =	swait.ge [sflag:s5], $0x800  }
0x10b: {  	[sflag:s5] =	ssyncset.done $0x0  }
0x10c: {  	[sflag:s5] =	ssyncadd.s32 $0xFFFFF800  }
0x10d: {  	_ =	swait.ge [sflag:s5], $0x800  }
0x10e: {  	[sflag:s5] =	ssyncset.done $0x0  }
0x10f: {  	[sflag:s5] =	ssyncadd.s32 $0xFFFFF800  }
0x110: {  	_ =	swait.ge [sflag:s5], $0x800  }
0x111: {  	[sflag:s5] =	ssyncset.done $0x0  }
0x112: {  	[sflag:s5] =	ssyncadd.s32 $0xFFFFF800  }
0x113: {  	_ =	swait.ge [sflag:s5], $0x800  }
0x114: {  	[sflag:s5] =	ssyncset.done $0x0  }
0x115: {  	[sflag:s5] =	ssyncadd.s32 $0xFFFFF800  }
0x116: {  	_ =	swait.ge [sflag:s5], $0x800  }
0x117: {  	[sflag:s5] =	ssyncset.done $0x0  }
0x118: {  	[sflag:s5] =	ssyncadd.s32 $0xFFFFF800  }
0x119: {  	_ =	swait.ge [sflag:s5], $0x800  }
0x11a: {  	[sflag:s5] =	ssyncset.done $0x0  }
0x11b: {  	[sflag:s5] =	ssyncadd.s32 $0xFFFFF800  }
0x11c: {  	_ =	swait.ge [sflag:s5], $0x800  }
0x11d: {  	[sflag:s5] =	ssyncset.done $0x0  }
0x11e: {  	[sflag:s5] =	ssyncadd.s32 $0xFFFFF800  }
0x11f: {  	_ =	swait.ge [sflag:s5], $0x800  }
0x120: {  	[sflag:s5] =	ssyncset.done $0x0  }
0x121: {  	[sflag:s5] =	ssyncadd.s32 $0xFFFFF800  }
0x122: {  	_ =	swait.ge [sflag:s5], $0x800  }
0x123: {  	[sflag:s5] =	ssyncset.done $0x0  }
0x124: {  	[sflag:s5] =	ssyncadd.s32 $0xFFFFF800  }
0x125: {  	_ =	swait.ge [sflag:s5], $0x800  }
0x126: {  	[sflag:s5] =	ssyncset.done $0x0  }
0x127: {  	[sflag:s5] =	ssyncadd.s32 $0xFFFFF800  }
0x128: {  	_ =	swait.ge [sflag:s5], $0x800  }
0x129: {  	[sflag:s5] =	ssyncset.done $0x0  }
0x12a: {  	[sflag:s5] =	ssyncadd.s32 $0xFFFFF800  }
0x12b: {  	_ =	swait.ge [sflag:s5], $0x800  }
0x12c: {  	[sflag:s5] =	ssyncset.done $0x0  }
0x12d: {  	[sflag:s5] =	ssyncadd.s32 $0xFFFFF800  }
0x12e: {  	_ =	swait.ge [sflag:s5], $0x800  }
0x12f: {  	[sflag:s5] =	ssyncset.done $0x0  }
0x130: {  	[sflag:s5] =	ssyncadd.s32 $0xFFFFF800  }
0x131: {  	_ =	swait.ge [sflag:s5], $0x800  }
0x132: {  	[sflag:s5] =	ssyncset.done $0x0  }
0x133: {  	[sflag:s5] =	ssyncadd.s32 $0xFFFFF800  }
0x134: {  	_ =	swait.ge [sflag:s5], $0x800  }
0x135: {  	[sflag:s5] =	ssyncset.done $0x0  }
0x136: {  	[sflag:s5] =	ssyncadd.s32 $0xFFFFF800  }
0x137: {  	_ =	swait.ge [sflag:s5], $0x800  }
0x138: {  	[sflag:s5] =	ssyncset.done $0x0  }
0x139: {  	[sflag:s5] =	ssyncadd.s32 $0xFFFFF800  }
0x13a: {  	_ =	swait.ge [sflag:s5], $0x800  }
0x13b: {  	[sflag:s5] =	ssyncset.done $0x0  }
0x13c: {  	[sflag:s5] =	ssyncadd.s32 $0xFFFFF800  }
0x13d: {  	_ =	swait.ge [sflag:s5], $0x800  }
0x13e: {  	[sflag:s5] =	ssyncset.done $0x0  }
0x13f: {  	[sflag:s5] =	ssyncadd.s32 $0xFFFFF800  }
0x140: {  	_ =	swait.ge [sflag:s5], $0x800  }
0x141: {  	[sflag:s5] =	ssyncset.done $0x0  }
0x142: {  	[sflag:s5] =	ssyncadd.s32 $0xFFFFF800  }
0x143: {  	_ =	swait.ge [sflag:s5], $0x800  }
0x144: {  	[sflag:s5] =	ssyncset.done $0x0  }
0x145: {  	[sflag:s5] =	ssyncadd.s32 $0xFFFFF800  }
0x146: {  	_ =	swait.ge [sflag:s5], $0x800  }
0x147: {  	[sflag:s5] =	ssyncset.done $0x0  }
0x148: {  	[sflag:s5] =	ssyncadd.s32 $0xFFFFF800  }
0x149: {  	_ =	swait.ge [sflag:s5], $0x800  }
0x14a: {  	[sflag:s5] =	ssyncset.done $0x0  }
0x14b: {  	[sflag:s5] =	ssyncadd.s32 $0xFFFFF800  }
0x14c: {  	_ =	swait.ge [sflag:s5], $0x800  }
0x14d: {  	[sflag:s5] =	ssyncset.done $0x0  }
0x14e: {  	s31 =	simm.s32 $0x8000;
	[sflag:s5] =	ssyncadd.s32 $0xFFFFF800  }
0x14f: {  	[spmem:s28] =	stream.linear.scatter [tilespmem:s31], [sflag:$0xF], $0x280, $0x38;
	[tilespmem:$0x1C580] =	vst v63  }
.Ltmp3:
0x150: {  	_ =	swait.ge [sflag:s9], $0x280;
	(pc) =	sbr.rel .LBB2_4-.Ltmp3, $4  }
0x151: {  	[sflag:s9] =	ssyncset.done $0x0  }
0x152: {  	[sflag:s9] =	ssyncadd.s32 $0xFFFFFD80  }
0x153: {  	[bflag:$0x0] =	sbarrier.arrive $0xFFFF  }
0x154: {  	s29 =	simm.s32 $0x0  }
.LBB2_17:
0x155: {  	_ =	swait.ge [sflag:s5], $0x800  }
0x156: {  	[sflag:s5] =	ssyncset.done $0x0  }
0x157: {  	[sflag:s5] =	ssyncadd.s32 $0xFFFFF800  }
0x158: {  	_ =	swait.ge [sflag:s18], $0x10  }
0x159: {  	[sflag:s18] =	ssyncset.done $0x0  }
0x15a: {  	s29 =	sadd.s32 $0x1, s29;
	[sflag:s18] =	ssyncadd.s32 $0xFFFFFFF0  }
0x15b: {  	p0 =	sne.s32 s29, $0x19;
	_ =	swait.ge [sflag:s21], $0x800  }
.Ltmp4:
0x15c: {  	[sflag:s21] =	ssyncset.done $0x0;
	(pc) =	sbr.rel @!p0 .LBB2_18-.Ltmp4, $4  }
0x15d: {  	[sflag:s21] =	ssyncadd.s32 $0xFFFFF800  }
0x15e: {  	_ =	swait.ge [sflag:s22], $0x10  }
0x15f: {  	[sflag:s22] =	ssyncset.done $0x0  }
0x160: {  	[sflag:s22] =	ssyncadd.s32 $0xFFFFFFF0  }
.LBB2_4:
0x161: {  	s6 =	sshll.u32 s29, $0xC;
	s7 =	rddreg [dreg:$0x19]  }
0x162: {  	s6 =	sadd.s32 s7, s6  }
0x163: {  	s24 =	rddreg [dreg:$0x7];
	s6 =	sshrl.u32 s6, $0x3  }
0x164: {  	s10 =	simm.s32 $0x0;
	s7 =	sadd.s32 s24, s6  }
0x165: {  	[tilespmem:s10], [sflag:$0xF] =	stream.linear.gather [hbm4b:s7+s10], $0xC80, $0x38;
	[tilespmem:$0x1C580] =	vst v63  }
0x166: {  	_ =	swait.ge [sflag:s9], $0xC80  }
0x167: {  	[sflag:s9] =	ssyncset.done $0x0;
	s28 =	rddreg [dreg:$0x8]  }
0x168: {  	s24 =	simm.s32 $0x1000;
	[sflag:s9] =	ssyncadd.s32 $0xFFFFF380;
	s6 =	sadd.s32 s28, s6  }
0x169: {  	[tilespmem:s24], [sflag:$0xF] =	stream.linear.gather [hbm4b:s6+s10], $0xC80, $0x38;
	[tilespmem:$0x1C580] =	vst v63  }
0x16a: {  	_ =	swait.ge [sflag:s9], $0xC80  }
0x16b: {  	[sflag:s9] =	ssyncset.done $0x0  }
0x16c: {  	s28 =	simm.s32 $0x2000;
	[sflag:s9] =	ssyncadd.s32 $0xFFFFF380  }
0x16d: {  	[tilespmem:s28], [sflag:$0x1] =	stream.indirect.gather [hbm4b:s1+s11], $0x80, s10, s11, $0xb8;
	[tilespmem:$0x1C580] =	vst v63  }
0x16e: {  	s10 =	simm.s32 $0x4800  }
0x16f: {  	[tilespmem:s10], [sflag:$0x6] =	stream.indirect.gather [hbm4b:s1+s11], $0x80, s24, s11, $0xb8;
	[tilespmem:$0x1C580] =	vst v63  }
0x170: {  	s28 =	simm.s32 $0x2800;
	s24 =	simm.s32 $0x80  }
0x171: {  	[tilespmem:s28], [sflag:$0x2] =	stream.indirect.gather [hbm4b:s1+s11], $0x80, s24, s11, $0xb8;
	[tilespmem:$0x1C580] =	vst v63  }
0x172: {  	s7 =	simm.s32 $0x1080;
	s10 =	simm.s32 $0x5000  }
0x173: {  	[tilespmem:s10], [sflag:$0x7] =	stream.indirect.gather [hbm4b:s1+s11], $0x80, s7, s11, $0xb8;
	[tilespmem:$0x1C580] =	vst v63  }
0x174: {  	s24 =	simm.s32 $0x100;
	s28 =	simm.s32 $0x3000  }
0x175: {  	[tilespmem:s28], [sflag:$0x3] =	stream.indirect.gather [hbm4b:s1+s11], $0x80, s24, s11, $0xb8;
	[tilespmem:$0x1C580] =	vst v63  }
0x176: {  	s7 =	simm.s32 $0x1100;
	s10 =	simm.s32 $0x5800  }
0x177: {  	[tilespmem:s10], [sflag:$0x8] =	stream.indirect.gather [hbm4b:s1+s11], $0x80, s7, s11, $0xb8;
	[tilespmem:$0x1C580] =	vst v63  }
0x178: {  	s24 =	simm.s32 $0x180;
	s28 =	simm.s32 $0x3800  }
0x179: {  	[tilespmem:s28], [sflag:$0x4] =	stream.indirect.gather [hbm4b:s1+s11], $0x80, s24, s11, $0xb8;
	[tilespmem:$0x1C580] =	vst v63  }
0x17a: {  	s7 =	simm.s32 $0x1180;
	s10 =	simm.s32 $0x6000  }
0x17b: {  	[tilespmem:s10], [sflag:$0x9] =	stream.indirect.gather [hbm4b:s1+s11], $0x80, s7, s11, $0xb8;
	[tilespmem:$0x1C580] =	vst v63  }
0x17c: {  	s24 =	simm.s32 $0x200  }
0x17d: {  	[tilespmem:s30], [sflag:$0x5] =	stream.indirect.gather [hbm4b:s1+s11], $0x80, s24, s11, $0xb8;
	[tilespmem:$0x1C580] =	vst v63  }
0x17e: {  	s31 =	simm.s32 $0x0;
	s28 =	simm.s32 $0x1200  }
0x17f: {  	[tilespmem:s23], [sflag:$0xA] =	stream.indirect.gather [hbm4b:s1+s11], $0x80, s28, s11, $0xb8;
	[tilespmem:$0x1C580] =	vst v63  }
.LBB2_5:
0x180: {  	_ =	swait.ge [sflag:s8], $0x800  }
0x181: {  	[sflag:s8] =	ssyncset.done $0x0  }
0x182: {  	[sflag:s8] =	ssyncadd.s32 $0xFFFFF800  }
0x183: {  	_ =	swait.ge [sflag:s4], $0x800  }
0x184: {  	p1 =	seq.s32 s31, $0x0;
	[sflag:s4] =	ssyncset.done $0x0  }
0x185: {  	s6 =	simm.s32 @!p1 $0xB;
	[sflag:s4] =	ssyncadd.s32 $0xFFFFF800  }
0x186: {  	_ =	swait.ge @!p1 [sflag:s6], $0x800  }
0x187: {  	[sflag:s6] =	ssyncset.done @!p1 $0x0  }
0x188: {  	[sflag:s6] =	ssyncadd.s32 @!p1 $0xFFFFF800;
	s6 =	simm.s32 @!p1 $0xD  }
0x189: {  	_ =	swait.ge @!p1 [sflag:s6], $0x10  }
0x18a: {  	[sflag:s6] =	ssyncset.done @!p1 $0x0  }
0x18b: {  	[sflag:s6] =	ssyncadd.s32 @!p1 $0xFFFFFFF0;
	s6 =	simm.s32 $0x0  }
0x18c: {  	v2 =	vld [tilespmem:s6+$0x2070]  }
0x18d: {  	v3 =	vld [tilespmem:s6+$0x4870]  }
0x18e: {  	v4 =	vld [tilespmem:s6+$0x2000]  }
0x18f: {  	v5 =	vld [tilespmem:s6+$0x4800]  }
0x190: {  	v6 =	vld [tilespmem:s6+$0x2010]  }
0x191: {  	v7 =	vld [tilespmem:s6+$0x4810]  }
0x192: {  	v8 =	vld [tilespmem:s6+$0x2020]  }
0x193: {  	v2 =	vsub.f32 v2, v3;
	v3 =	vld [tilespmem:s6+$0x4820]  }
0x194: {  	v9 =	vld [tilespmem:s6+$0x2030]  }
0x195: {  	v10 =	vld [tilespmem:s6+$0x4830];
	v4 =	vsub.f32 v4, v5  }
0x196: {  	v11 =	vld [tilespmem:s6+$0x2040];
	v2 =	vand.u32 $0x7FFFFFFF, v2  }
0x197: {  	[tilespmem:s6+$0x7070] =	vst v2;
	v2 =	vand.u32 $0x7FFFFFFF, v4;
	v4 =	vsub.f32 v6, v7;
	v7 =	vld [tilespmem:s6+$0x4840]  }
0x198: {  	v5 =	vld [tilespmem:s6+$0x4850];
	v3 =	vsub.f32 v8, v3  }
0x199: {  	[tilespmem:s6+$0x7000] =	vst v2;
	v2 =	vld [tilespmem:s6+$0x2050];
	v4 =	vand.u32 $0x7FFFFFFF, v4  }
0x19a: {  	v6 =	vld [tilespmem:s6+$0x4860];
	v8 =	vsub.f32 v9, v10;
	[tilespmem:s6+$0x7010] =	vst v4;
	v4 =	vand.u32 $0x7FFFFFFF, v3  }
0x19b: {  	s7 =	simm.s32 $0x80;
	v3 =	vld [tilespmem:s6+$0x2060];
	[tilespmem:s6+$0x7020] =	vst v4  }
0x19c: {  	s10 =	simm.s32 $0x400;
	v8 =	vand.u32 $0x7FFFFFFF, v8;
	v7 =	vsub.f32 v11, v7;
	v4 =	vld [tilespmem:s7+$0x2070]  }
.LBB2_6:
0x19d: {  	p0 =	sne.s32 s10, $0x1E00;
	v9 =	vld [tilespmem:s7+$0x4870];
	[tilespmem:s6+$0x7030] =	vst v8  }
0x19e: {  	v8 =	vld [tilespmem:s7+$0x2000];
	v7 =	vand.u32 $0x7FFFFFFF, v7;
	v2 =	vsub.f32 v2, v5  }
0x19f: {  	v5 =	vld [tilespmem:s7+$0x4800];
	[tilespmem:s6+$0x7040] =	vst v7  }
0x1a0: {  	v7 =	vld [tilespmem:s7+$0x2010];
	v2 =	vand.u32 $0x7FFFFFFF, v2;
	v3 =	vsub.f32 v3, v6  }
0x1a1: {  	v6 =	vld [tilespmem:s7+$0x4810];
	[tilespmem:s6+$0x7050] =	vst v2  }
0x1a2: {  	v2 =	vld [tilespmem:s7+$0x2020];
	v4 =	vsub.f32 v4, v9;
	v3 =	vand.u32 $0x7FFFFFFF, v3  }
0x1a3: {  	v9 =	vld [tilespmem:s7+$0x4820];
	[tilespmem:s6+$0x7060] =	vst v3;
	s6 =	smov.u32 s7  }
0x1a4: {  	v3 =	vsub.f32 v8, v5;
	v8 =	vld [tilespmem:s6+$0x2030];
	v4 =	vand.u32 $0x7FFFFFFF, v4  }
0x1a5: {  	v10 =	vld [tilespmem:s6+$0x4830];
	[tilespmem:s6+$0x7070] =	vst v4  }
0x1a6: {  	v3 =	vand.u32 $0x7FFFFFFF, v3;
	v4 =	vsub.f32 v7, v6;
	v7 =	vld [tilespmem:s6+$0x2040]  }
0x1a7: {  	[tilespmem:s6+$0x7000] =	vst v3;
	v11 =	vld [tilespmem:s6+$0x4840]  }
.Ltmp5:
0x1a8: {  	v3 =	vand.u32 $0x7FFFFFFF, v4;
	v4 =	vsub.f32 v2, v9;
	v2 =	vld [tilespmem:s6+$0x2050];
	(pc) =	sbr.rel @p0 .LBB2_6-.Ltmp5, $4  }
0x1a9: {  	[tilespmem:s6+$0x7010] =	vst v3;
	v5 =	vld [tilespmem:s6+$0x4850]  }
0x1aa: {  	v4 =	vand.u32 $0x7FFFFFFF, v4;
	v8 =	vsub.f32 v8, v10;
	v3 =	vld [tilespmem:s6+$0x2060]  }
0x1ab: {  	s7 =	sshra.s32 s10, $0x2;
	[tilespmem:s6+$0x7020] =	vst v4;
	v6 =	vld [tilespmem:s6+$0x4860]  }
0x1ac: {  	s10 =	sadd.s32 $0x200, s10;
	v4 =	vld [tilespmem:s7+$0x2070];
	v8 =	vand.u32 $0x7FFFFFFF, v8;
	v7 =	vsub.f32 v7, v11  }
0x1ad: {  	v9 =	vld [tilespmem:s7+$0x4870];
	[tilespmem:s6+$0x7030] =	vst v8  }
0x1ae: {  	v8 =	vld [tilespmem:s7+$0x2000];
	v7 =	vand.u32 $0x7FFFFFFF, v7;
	v2 =	vsub.f32 v2, v5  }
0x1af: {  	v10 =	vld [tilespmem:s7+$0x4800];
	[tilespmem:s6+$0x7040] =	vst v7  }
0x1b0: {  	v5 =	vld [tilespmem:s7+$0x2010];
	v2 =	vand.u32 $0x7FFFFFFF, v2;
	v3 =	vsub.f32 v3, v6  }
0x1b1: {  	v7 =	vld [tilespmem:s7+$0x4810];
	[tilespmem:s6+$0x7050] =	vst v2  }
0x1b2: {  	v2 =	vld [tilespmem:s7+$0x2020];
	v3 =	vand.u32 $0x7FFFFFFF, v3  }
0x1b3: {  	v6 =	vld [tilespmem:s7+$0x4820];
	v4 =	vsub.f32 v4, v9;
	[tilespmem:s6+$0x7060] =	vst v3  }
0x1b4: {  	v8 =	vsub.f32 v8, v10;
	v3 =	vld [tilespmem:s7+$0x2030]  }
0x1b5: {  	v4 =	vand.u32 $0x7FFFFFFF, v4;
	v9 =	vld [tilespmem:s7+$0x4830]  }
0x1b6: {  	[tilespmem:s7+$0x7070] =	vst v4;
	v4 =	vand.u32 $0x7FFFFFFF, v8;
	v8 =	vld [tilespmem:s7+$0x2040]  }
0x1b7: {  	v5 =	vsub.f32 v5, v7;
	v7 =	vld [tilespmem:s7+$0x2050]  }
0x1b8: {  	[tilespmem:s7+$0x7000] =	vst v4;
	v4 =	vld [tilespmem:s7+$0x4840];
	v2 =	vsub.f32 v2, v6  }
0x1b9: {  	v5 =	vand.u32 $0x7FFFFFFF, v5;
	v6 =	vld [tilespmem:s7+$0x2060]  }
0x1ba: {  	[tilespmem:s7+$0x7010] =	vst v5;
	v5 =	vld [tilespmem:s7+$0x4850];
	v2 =	vand.u32 $0x7FFFFFFF, v2  }
0x1bb: {  	[tilespmem:s7+$0x7020] =	vst v2;
	v2 =	vld [tilespmem:s7+$0x4860];
	_ =	sdelay $0x1  }
0x1bc: {  	v3 =	vsub.f32 v3, v9  }
0x1bd: {  	v4 =	vsub.f32 v8, v4  }
0x1be: {  	v3 =	vand.u32 $0x7FFFFFFF, v3;
	v5 =	vsub.f32 v7, v5  }
0x1bf: {  	[tilespmem:s7+$0x7030] =	vst v3;
	v3 =	vand.u32 $0x7FFFFFFF, v4;
	v2 =	vsub.f32 v6, v2  }
0x1c0: {  	s24 =	smul.u32 $0xA00, s31;
	[tilespmem:s7+$0x7040] =	vst v3;
	v3 =	vand.u32 $0x7FFFFFFF, v5  }
0x1c1: {  	[tilespmem:s7+$0x7050] =	vst v3;
	v2 =	vand.u32 $0x7FFFFFFF, v2  }
0x1c2: {  	p0 =	seq.s32 s31, $0x4;
	s6 =	sshra.s32 s24, $0x2;
	[tilespmem:s7+$0x7060] =	vst v2  }
0x1c3: {  	[spmem:s2] =	stream.indirect.scatter.add.f32 [tilespmem:s0], [sflag:$0xB], $0x80, s6, s11, $0xb8;
	[tilespmem:$0x1C580] =	vst v63  }
0x1c4: {  	s7 =	smul.u32 @!p0 $0x280, s31  }
0x1c5: {  	[spmem:s3] =	stream.indirect.scatter.add.f32 [tilespmem:s12], [sflag:$0xD], $0x1, s6, s11, $0xb8;
	[tilespmem:$0x1C580] =	vst v63  }
0x1c6: {  	s28 =	simm.s32 @!p0 $0x2000;
	s24 =	simm.s32 @!p0 $0x10;
	s10 =	sadd.s32 @!p0 $0x280, s7  }
0x1c7: {  	[tilespmem:s28], [sflag:$0x1] =	stream.indirect.gather @!p0 [hbm4b:s1+s24], $0x80, s10, s24, $0xb8;
	[tilespmem:$0x1C580] =	vst v63  }
0x1c8: {  	s10 =	sadd.s32 @!p0 $0x1280, s7;
	s28 =	simm.s32 @!p0 $0x4800  }
0x1c9: {  	[tilespmem:s28], [sflag:$0x6] =	stream.indirect.gather @!p0 [hbm4b:s1+s24], $0x80, s10, s24, $0xb8;
	[tilespmem:$0x1C580] =	vst v63  }
0x1ca: {  	_ =	swait.ge [sflag:s13], $0x800  }
0x1cb: {  	[sflag:s13] =	ssyncset.done $0x0  }
0x1cc: {  	[sflag:s13] =	ssyncadd.s32 $0xFFFFF800  }
0x1cd: {  	_ =	swait.ge [sflag:s14], $0x800  }
0x1ce: {  	[sflag:s14] =	ssyncset.done $0x0  }
0x1cf: {  	s10 =	simm.s32 @!p1 $0xC;
	[sflag:s14] =	ssyncadd.s32 $0xFFFFF800  }
0x1d0: {  	_ =	swait.ge @!p1 [sflag:s10], $0x800  }
0x1d1: {  	[sflag:s10] =	ssyncset.done @!p1 $0x0  }
0x1d2: {  	[sflag:s10] =	ssyncadd.s32 @!p1 $0xFFFFF800;
	s10 =	simm.s32 @!p1 $0xE  }
0x1d3: {  	_ =	swait.ge @!p1 [sflag:s10], $0x10  }
0x1d4: {  	[sflag:s10] =	ssyncset.done @!p1 $0x0  }
0x1d5: {  	s24 =	simm.s32 $0x0;
	[sflag:s10] =	ssyncadd.s32 @!p1 $0xFFFFFFF0  }
0x1d6: {  	v2 =	vld [tilespmem:s24+$0x2870]  }
0x1d7: {  	v3 =	vld [tilespmem:s24+$0x5070]  }
0x1d8: {  	v4 =	vld [tilespmem:s24+$0x2800]  }
0x1d9: {  	v5 =	vld [tilespmem:s24+$0x5000]  }
0x1da: {  	v6 =	vld [tilespmem:s24+$0x2810]  }
0x1db: {  	v7 =	vld [tilespmem:s24+$0x5010]  }
0x1dc: {  	v8 =	vld [tilespmem:s24+$0x2820]  }
0x1dd: {  	v2 =	vsub.f32 v2, v3;
	v3 =	vld [tilespmem:s24+$0x5020]  }
0x1de: {  	v9 =	vld [tilespmem:s24+$0x2830]  }
0x1df: {  	v10 =	vld [tilespmem:s24+$0x5030];
	v4 =	vsub.f32 v4, v5  }
0x1e0: {  	v11 =	vld [tilespmem:s24+$0x2840];
	v2 =	vand.u32 $0x7FFFFFFF, v2  }
0x1e1: {  	[tilespmem:s24+$0x7870] =	vst v2;
	v2 =	vand.u32 $0x7FFFFFFF, v4;
	v4 =	vsub.f32 v6, v7;
	v7 =	vld [tilespmem:s24+$0x5040]  }
0x1e2: {  	v5 =	vld [tilespmem:s24+$0x5050];
	v3 =	vsub.f32 v8, v3  }
0x1e3: {  	[tilespmem:s24+$0x7800] =	vst v2;
	v2 =	vld [tilespmem:s24+$0x2850];
	v4 =	vand.u32 $0x7FFFFFFF, v4  }
0x1e4: {  	v6 =	vld [tilespmem:s24+$0x5060];
	v8 =	vsub.f32 v9, v10;
	[tilespmem:s24+$0x7810] =	vst v4;
	v4 =	vand.u32 $0x7FFFFFFF, v3  }
0x1e5: {  	s10 =	simm.s32 $0x80;
	v3 =	vld [tilespmem:s24+$0x2860];
	[tilespmem:s24+$0x7820] =	vst v4  }
0x1e6: {  	s28 =	simm.s32 $0x400;
	v8 =	vand.u32 $0x7FFFFFFF, v8;
	v7 =	vsub.f32 v11, v7;
	v4 =	vld [tilespmem:s10+$0x2870]  }
.LBB2_8:
0x1e7: {  	p1 =	sne.s32 s28, $0x1E00;
	v9 =	vld [tilespmem:s10+$0x5070];
	[tilespmem:s24+$0x7830] =	vst v8  }
0x1e8: {  	v8 =	vld [tilespmem:s10+$0x2800];
	v7 =	vand.u32 $0x7FFFFFFF, v7;
	v2 =	vsub.f32 v2, v5  }
0x1e9: {  	v5 =	vld [tilespmem:s10+$0x5000];
	[tilespmem:s24+$0x7840] =	vst v7  }
0x1ea: {  	v7 =	vld [tilespmem:s10+$0x2810];
	v2 =	vand.u32 $0x7FFFFFFF, v2;
	v3 =	vsub.f32 v3, v6  }
0x1eb: {  	v6 =	vld [tilespmem:s10+$0x5010];
	[tilespmem:s24+$0x7850] =	vst v2  }
0x1ec: {  	v2 =	vld [tilespmem:s10+$0x2820];
	v4 =	vsub.f32 v4, v9;
	v3 =	vand.u32 $0x7FFFFFFF, v3  }
0x1ed: {  	v9 =	vld [tilespmem:s10+$0x5020];
	[tilespmem:s24+$0x7860] =	vst v3;
	s24 =	smov.u32 s10  }
0x1ee: {  	v3 =	vsub.f32 v8, v5;
	v8 =	vld [tilespmem:s24+$0x2830];
	v4 =	vand.u32 $0x7FFFFFFF, v4  }
0x1ef: {  	v10 =	vld [tilespmem:s24+$0x5030];
	[tilespmem:s24+$0x7870] =	vst v4  }
0x1f0: {  	v3 =	vand.u32 $0x7FFFFFFF, v3;
	v4 =	vsub.f32 v7, v6;
	v7 =	vld [tilespmem:s24+$0x2840]  }
0x1f1: {  	[tilespmem:s24+$0x7800] =	vst v3;
	v11 =	vld [tilespmem:s24+$0x5040]  }
.Ltmp6:
0x1f2: {  	v3 =	vand.u32 $0x7FFFFFFF, v4;
	v4 =	vsub.f32 v2, v9;
	v2 =	vld [tilespmem:s24+$0x2850];
	(pc) =	sbr.rel @p1 .LBB2_8-.Ltmp6, $4  }
0x1f3: {  	[tilespmem:s24+$0x7810] =	vst v3;
	v5 =	vld [tilespmem:s24+$0x5050]  }
0x1f4: {  	v4 =	vand.u32 $0x7FFFFFFF, v4;
	v8 =	vsub.f32 v8, v10;
	v3 =	vld [tilespmem:s24+$0x2860]  }
0x1f5: {  	s10 =	sshra.s32 s28, $0x2;
	[tilespmem:s24+$0x7820] =	vst v4;
	v6 =	vld [tilespmem:s24+$0x5060]  }
0x1f6: {  	s28 =	sadd.s32 $0x200, s28;
	v4 =	vld [tilespmem:s10+$0x2870];
	v8 =	vand.u32 $0x7FFFFFFF, v8;
	v7 =	vsub.f32 v7, v11  }
0x1f7: {  	v9 =	vld [tilespmem:s10+$0x5070];
	[tilespmem:s24+$0x7830] =	vst v8  }
0x1f8: {  	v8 =	vld [tilespmem:s10+$0x2800];
	v7 =	vand.u32 $0x7FFFFFFF, v7;
	v2 =	vsub.f32 v2, v5  }
0x1f9: {  	v10 =	vld [tilespmem:s10+$0x5000];
	[tilespmem:s24+$0x7840] =	vst v7  }
0x1fa: {  	v5 =	vld [tilespmem:s10+$0x2810];
	v2 =	vand.u32 $0x7FFFFFFF, v2;
	v3 =	vsub.f32 v3, v6  }
0x1fb: {  	v7 =	vld [tilespmem:s10+$0x5010];
	[tilespmem:s24+$0x7850] =	vst v2  }
0x1fc: {  	v2 =	vld [tilespmem:s10+$0x2820];
	v3 =	vand.u32 $0x7FFFFFFF, v3  }
0x1fd: {  	v6 =	vld [tilespmem:s10+$0x5020];
	v4 =	vsub.f32 v4, v9;
	[tilespmem:s24+$0x7860] =	vst v3  }
0x1fe: {  	v8 =	vsub.f32 v8, v10;
	v3 =	vld [tilespmem:s10+$0x2830]  }
0x1ff: {  	v4 =	vand.u32 $0x7FFFFFFF, v4;
	v9 =	vld [tilespmem:s10+$0x5030]  }
0x200: {  	[tilespmem:s10+$0x7870] =	vst v4;
	v4 =	vand.u32 $0x7FFFFFFF, v8;
	v8 =	vld [tilespmem:s10+$0x2840]  }
0x201: {  	v5 =	vsub.f32 v5, v7;
	v7 =	vld [tilespmem:s10+$0x2850]  }
0x202: {  	[tilespmem:s10+$0x7800] =	vst v4;
	v4 =	vld [tilespmem:s10+$0x5040];
	v2 =	vsub.f32 v2, v6  }
0x203: {  	v5 =	vand.u32 $0x7FFFFFFF, v5;
	v6 =	vld [tilespmem:s10+$0x2860]  }
0x204: {  	[tilespmem:s10+$0x7810] =	vst v5;
	v5 =	vld [tilespmem:s10+$0x5050];
	v2 =	vand.u32 $0x7FFFFFFF, v2  }
0x205: {  	[tilespmem:s10+$0x7820] =	vst v2;
	v2 =	vld [tilespmem:s10+$0x5060];
	_ =	sdelay $0x1  }
0x206: {  	v3 =	vsub.f32 v3, v9  }
0x207: {  	v4 =	vsub.f32 v8, v4  }
0x208: {  	v3 =	vand.u32 $0x7FFFFFFF, v3;
	v5 =	vsub.f32 v7, v5  }
0x209: {  	[tilespmem:s10+$0x7830] =	vst v3;
	v3 =	vand.u32 $0x7FFFFFFF, v4;
	v2 =	vsub.f32 v6, v2  }
0x20a: {  	[tilespmem:s10+$0x7840] =	vst v3;
	v3 =	vand.u32 $0x7FFFFFFF, v5  }
0x20b: {  	[tilespmem:s10+$0x7850] =	vst v3;
	v2 =	vand.u32 $0x7FFFFFFF, v2  }
0x20c: {  	s24 =	sadd.s32 $0x80, s6;
	[tilespmem:s10+$0x7860] =	vst v2  }
0x20d: {  	[spmem:s2] =	stream.indirect.scatter.add.f32 [tilespmem:s15], [sflag:$0xC], $0x80, s24, s11, $0xb8;
	[tilespmem:$0x1C580] =	vst v63  }
0x20e: {  	_ = 	snop  }
0x20f: {  	[spmem:s3] =	stream.indirect.scatter.add.f32 [tilespmem:s12], [sflag:$0xE], $0x1, s24, s11, $0xb8;
	[tilespmem:$0x1C580] =	vst v63  }
0x210: {  	s28 =	simm.s32 @!p0 $0x2800;
	s10 =	sadd.s32 @!p0 $0x300, s7;
	s24 =	simm.s32 @!p0 $0x10  }
0x211: {  	[tilespmem:s28], [sflag:$0x2] =	stream.indirect.gather @!p0 [hbm4b:s1+s24], $0x80, s10, s24, $0xb8;
	[tilespmem:$0x1C580] =	vst v63  }
0x212: {  	s10 =	sadd.s32 @!p0 $0x1300, s7;
	s28 =	simm.s32 @!p0 $0x5000  }
0x213: {  	[tilespmem:s28], [sflag:$0x7] =	stream.indirect.gather @!p0 [hbm4b:s1+s24], $0x80, s10, s24, $0xb8;
	[tilespmem:$0x1C580] =	vst v63  }
0x214: {  	_ =	swait.ge [sflag:s16], $0x800  }
0x215: {  	[sflag:s16] =	ssyncset.done $0x0  }
0x216: {  	[sflag:s16] =	ssyncadd.s32 $0xFFFFF800  }
0x217: {  	_ =	swait.ge [sflag:s17], $0x800  }
0x218: {  	[sflag:s17] =	ssyncset.done $0x0  }
0x219: {  	[sflag:s17] =	ssyncadd.s32 $0xFFFFF800  }
0x21a: {  	_ =	swait.ge [sflag:s5], $0x800  }
0x21b: {  	[sflag:s5] =	ssyncset.done $0x0  }
0x21c: {  	[sflag:s5] =	ssyncadd.s32 $0xFFFFF800  }
0x21d: {  	_ =	swait.ge [sflag:s18], $0x10  }
0x21e: {  	[sflag:s18] =	ssyncset.done $0x0  }
0x21f: {  	s24 =	simm.s32 $0x0;
	[sflag:s18] =	ssyncadd.s32 $0xFFFFFFF0  }
0x220: {  	v2 =	vld [tilespmem:s24+$0x3070]  }
0x221: {  	v3 =	vld [tilespmem:s24+$0x5870]  }
0x222: {  	v4 =	vld [tilespmem:s24+$0x3000]  }
0x223: {  	v5 =	vld [tilespmem:s24+$0x5800]  }
0x224: {  	v6 =	vld [tilespmem:s24+$0x3010]  }
0x225: {  	v7 =	vld [tilespmem:s24+$0x5810]  }
0x226: {  	v8 =	vld [tilespmem:s24+$0x3020]  }
0x227: {  	v2 =	vsub.f32 v2, v3;
	v3 =	vld [tilespmem:s24+$0x5820]  }
0x228: {  	v9 =	vld [tilespmem:s24+$0x3030]  }
0x229: {  	v10 =	vld [tilespmem:s24+$0x5830];
	v4 =	vsub.f32 v4, v5  }
0x22a: {  	v11 =	vld [tilespmem:s24+$0x3040];
	v2 =	vand.u32 $0x7FFFFFFF, v2  }
0x22b: {  	[tilespmem:s24+$0x7070] =	vst v2;
	v2 =	vand.u32 $0x7FFFFFFF, v4;
	v4 =	vsub.f32 v6, v7;
	v7 =	vld [tilespmem:s24+$0x5840]  }
0x22c: {  	v5 =	vld [tilespmem:s24+$0x5850];
	v3 =	vsub.f32 v8, v3  }
0x22d: {  	[tilespmem:s24+$0x7000] =	vst v2;
	v2 =	vld [tilespmem:s24+$0x3050];
	v4 =	vand.u32 $0x7FFFFFFF, v4  }
0x22e: {  	v6 =	vld [tilespmem:s24+$0x5860];
	v8 =	vsub.f32 v9, v10;
	[tilespmem:s24+$0x7010] =	vst v4;
	v4 =	vand.u32 $0x7FFFFFFF, v3  }
0x22f: {  	s10 =	simm.s32 $0x80;
	v3 =	vld [tilespmem:s24+$0x3060];
	[tilespmem:s24+$0x7020] =	vst v4  }
0x230: {  	s28 =	simm.s32 $0x400;
	v8 =	vand.u32 $0x7FFFFFFF, v8;
	v7 =	vsub.f32 v11, v7;
	v4 =	vld [tilespmem:s10+$0x3070]  }
.LBB2_10:
0x231: {  	p1 =	sne.s32 s28, $0x1E00;
	v9 =	vld [tilespmem:s10+$0x5870];
	[tilespmem:s24+$0x7030] =	vst v8  }
0x232: {  	v8 =	vld [tilespmem:s10+$0x3000];
	v7 =	vand.u32 $0x7FFFFFFF, v7;
	v2 =	vsub.f32 v2, v5  }
0x233: {  	v5 =	vld [tilespmem:s10+$0x5800];
	[tilespmem:s24+$0x7040] =	vst v7  }
0x234: {  	v7 =	vld [tilespmem:s10+$0x3010];
	v2 =	vand.u32 $0x7FFFFFFF, v2;
	v3 =	vsub.f32 v3, v6  }
0x235: {  	v6 =	vld [tilespmem:s10+$0x5810];
	[tilespmem:s24+$0x7050] =	vst v2  }
0x236: {  	v2 =	vld [tilespmem:s10+$0x3020];
	v4 =	vsub.f32 v4, v9;
	v3 =	vand.u32 $0x7FFFFFFF, v3  }
0x237: {  	v9 =	vld [tilespmem:s10+$0x5820];
	[tilespmem:s24+$0x7060] =	vst v3;
	s24 =	smov.u32 s10  }
0x238: {  	v3 =	vsub.f32 v8, v5;
	v8 =	vld [tilespmem:s24+$0x3030];
	v4 =	vand.u32 $0x7FFFFFFF, v4  }
0x239: {  	v10 =	vld [tilespmem:s24+$0x5830];
	[tilespmem:s24+$0x7070] =	vst v4  }
0x23a: {  	v3 =	vand.u32 $0x7FFFFFFF, v3;
	v4 =	vsub.f32 v7, v6;
	v7 =	vld [tilespmem:s24+$0x3040]  }
0x23b: {  	[tilespmem:s24+$0x7000] =	vst v3;
	v11 =	vld [tilespmem:s24+$0x5840]  }
.Ltmp7:
0x23c: {  	v3 =	vand.u32 $0x7FFFFFFF, v4;
	v4 =	vsub.f32 v2, v9;
	v2 =	vld [tilespmem:s24+$0x3050];
	(pc) =	sbr.rel @p1 .LBB2_10-.Ltmp7, $4  }
0x23d: {  	[tilespmem:s24+$0x7010] =	vst v3;
	v5 =	vld [tilespmem:s24+$0x5850]  }
0x23e: {  	v4 =	vand.u32 $0x7FFFFFFF, v4;
	v8 =	vsub.f32 v8, v10;
	v3 =	vld [tilespmem:s24+$0x3060]  }
0x23f: {  	s10 =	sshra.s32 s28, $0x2;
	[tilespmem:s24+$0x7020] =	vst v4;
	v6 =	vld [tilespmem:s24+$0x5860]  }
0x240: {  	s28 =	sadd.s32 $0x200, s28;
	v4 =	vld [tilespmem:s10+$0x3070];
	v8 =	vand.u32 $0x7FFFFFFF, v8;
	v7 =	vsub.f32 v7, v11  }
0x241: {  	v9 =	vld [tilespmem:s10+$0x5870];
	[tilespmem:s24+$0x7030] =	vst v8  }
0x242: {  	v8 =	vld [tilespmem:s10+$0x3000];
	v7 =	vand.u32 $0x7FFFFFFF, v7;
	v2 =	vsub.f32 v2, v5  }
0x243: {  	v10 =	vld [tilespmem:s10+$0x5800];
	[tilespmem:s24+$0x7040] =	vst v7  }
0x244: {  	v5 =	vld [tilespmem:s10+$0x3010];
	v2 =	vand.u32 $0x7FFFFFFF, v2;
	v3 =	vsub.f32 v3, v6  }
0x245: {  	v7 =	vld [tilespmem:s10+$0x5810];
	[tilespmem:s24+$0x7050] =	vst v2  }
0x246: {  	v2 =	vld [tilespmem:s10+$0x3020];
	v3 =	vand.u32 $0x7FFFFFFF, v3  }
0x247: {  	v6 =	vld [tilespmem:s10+$0x5820];
	v4 =	vsub.f32 v4, v9;
	[tilespmem:s24+$0x7060] =	vst v3  }
0x248: {  	v8 =	vsub.f32 v8, v10;
	v3 =	vld [tilespmem:s10+$0x3030]  }
0x249: {  	v4 =	vand.u32 $0x7FFFFFFF, v4;
	v9 =	vld [tilespmem:s10+$0x5830]  }
0x24a: {  	[tilespmem:s10+$0x7070] =	vst v4;
	v4 =	vand.u32 $0x7FFFFFFF, v8;
	v8 =	vld [tilespmem:s10+$0x3040]  }
0x24b: {  	v5 =	vsub.f32 v5, v7;
	v7 =	vld [tilespmem:s10+$0x3050]  }
0x24c: {  	[tilespmem:s10+$0x7000] =	vst v4;
	v4 =	vld [tilespmem:s10+$0x5840];
	v2 =	vsub.f32 v2, v6  }
0x24d: {  	v5 =	vand.u32 $0x7FFFFFFF, v5;
	v6 =	vld [tilespmem:s10+$0x3060]  }
0x24e: {  	[tilespmem:s10+$0x7010] =	vst v5;
	v5 =	vld [tilespmem:s10+$0x5850];
	v2 =	vand.u32 $0x7FFFFFFF, v2  }
0x24f: {  	[tilespmem:s10+$0x7020] =	vst v2;
	v2 =	vld [tilespmem:s10+$0x5860];
	_ =	sdelay $0x1  }
0x250: {  	v3 =	vsub.f32 v3, v9  }
0x251: {  	v4 =	vsub.f32 v8, v4  }
0x252: {  	v3 =	vand.u32 $0x7FFFFFFF, v3;
	v5 =	vsub.f32 v7, v5  }
0x253: {  	[tilespmem:s10+$0x7030] =	vst v3;
	v3 =	vand.u32 $0x7FFFFFFF, v4;
	v2 =	vsub.f32 v6, v2  }
0x254: {  	[tilespmem:s10+$0x7040] =	vst v3;
	v3 =	vand.u32 $0x7FFFFFFF, v5  }
0x255: {  	[tilespmem:s10+$0x7050] =	vst v3;
	v2 =	vand.u32 $0x7FFFFFFF, v2  }
0x256: {  	s24 =	sadd.s32 $0x100, s6;
	[tilespmem:s10+$0x7060] =	vst v2  }
0x257: {  	[spmem:s2] =	stream.indirect.scatter.add.f32 [tilespmem:s0], [sflag:$0xB], $0x80, s24, s11, $0xb8;
	[tilespmem:$0x1C580] =	vst v63  }
0x258: {  	_ = 	snop  }
0x259: {  	[spmem:s3] =	stream.indirect.scatter.add.f32 [tilespmem:s12], [sflag:$0xD], $0x1, s24, s11, $0xb8;
	[tilespmem:$0x1C580] =	vst v63  }
0x25a: {  	s28 =	simm.s32 @!p0 $0x3000;
	s10 =	sadd.s32 @!p0 $0x380, s7;
	s24 =	simm.s32 @!p0 $0x10  }
0x25b: {  	[tilespmem:s28], [sflag:$0x3] =	stream.indirect.gather @!p0 [hbm4b:s1+s24], $0x80, s10, s24, $0xb8;
	[tilespmem:$0x1C580] =	vst v63  }
0x25c: {  	s10 =	sadd.s32 @!p0 $0x1380, s7;
	s28 =	simm.s32 @!p0 $0x5800  }
0x25d: {  	[tilespmem:s28], [sflag:$0x8] =	stream.indirect.gather @!p0 [hbm4b:s1+s24], $0x80, s10, s24, $0xb8;
	[tilespmem:$0x1C580] =	vst v63  }
0x25e: {  	_ =	swait.ge [sflag:s19], $0x800  }
0x25f: {  	[sflag:s19] =	ssyncset.done $0x0  }
0x260: {  	[sflag:s19] =	ssyncadd.s32 $0xFFFFF800  }
0x261: {  	_ =	swait.ge [sflag:s20], $0x800  }
0x262: {  	[sflag:s20] =	ssyncset.done $0x0  }
0x263: {  	[sflag:s20] =	ssyncadd.s32 $0xFFFFF800  }
0x264: {  	_ =	swait.ge [sflag:s21], $0x800  }
0x265: {  	[sflag:s21] =	ssyncset.done $0x0  }
0x266: {  	[sflag:s21] =	ssyncadd.s32 $0xFFFFF800  }
0x267: {  	_ =	swait.ge [sflag:s22], $0x10  }
0x268: {  	[sflag:s22] =	ssyncset.done $0x0  }
0x269: {  	s24 =	simm.s32 $0x0;
	[sflag:s22] =	ssyncadd.s32 $0xFFFFFFF0  }
0x26a: {  	v2 =	vld [tilespmem:s24+$0x3870]  }
0x26b: {  	v3 =	vld [tilespmem:s24+$0x6070]  }
0x26c: {  	v4 =	vld [tilespmem:s24+$0x3800]  }
0x26d: {  	v5 =	vld [tilespmem:s24+$0x6000]  }
0x26e: {  	v6 =	vld [tilespmem:s24+$0x3810]  }
0x26f: {  	v7 =	vld [tilespmem:s24+$0x6010]  }
0x270: {  	v8 =	vld [tilespmem:s24+$0x3820]  }
0x271: {  	v2 =	vsub.f32 v2, v3;
	v3 =	vld [tilespmem:s24+$0x6020]  }
0x272: {  	v9 =	vld [tilespmem:s24+$0x3830]  }
0x273: {  	v10 =	vld [tilespmem:s24+$0x6030];
	v4 =	vsub.f32 v4, v5  }
0x274: {  	v11 =	vld [tilespmem:s24+$0x3840];
	v2 =	vand.u32 $0x7FFFFFFF, v2  }
0x275: {  	[tilespmem:s24+$0x7870] =	vst v2;
	v2 =	vand.u32 $0x7FFFFFFF, v4;
	v4 =	vsub.f32 v6, v7;
	v7 =	vld [tilespmem:s24+$0x6040]  }
0x276: {  	v5 =	vld [tilespmem:s24+$0x6050];
	v3 =	vsub.f32 v8, v3  }
0x277: {  	[tilespmem:s24+$0x7800] =	vst v2;
	v2 =	vld [tilespmem:s24+$0x3850];
	v4 =	vand.u32 $0x7FFFFFFF, v4  }
0x278: {  	v6 =	vld [tilespmem:s24+$0x6060];
	v8 =	vsub.f32 v9, v10;
	[tilespmem:s24+$0x7810] =	vst v4;
	v4 =	vand.u32 $0x7FFFFFFF, v3  }
0x279: {  	s10 =	simm.s32 $0x80;
	v3 =	vld [tilespmem:s24+$0x3860];
	[tilespmem:s24+$0x7820] =	vst v4  }
0x27a: {  	s28 =	simm.s32 $0x400;
	v8 =	vand.u32 $0x7FFFFFFF, v8;
	v7 =	vsub.f32 v11, v7;
	v4 =	vld [tilespmem:s10+$0x3870]  }
.LBB2_12:
0x27b: {  	p1 =	sne.s32 s28, $0x1E00;
	v9 =	vld [tilespmem:s10+$0x6070];
	[tilespmem:s24+$0x7830] =	vst v8  }
0x27c: {  	v8 =	vld [tilespmem:s10+$0x3800];
	v7 =	vand.u32 $0x7FFFFFFF, v7;
	v2 =	vsub.f32 v2, v5  }
0x27d: {  	v5 =	vld [tilespmem:s10+$0x6000];
	[tilespmem:s24+$0x7840] =	vst v7  }
0x27e: {  	v7 =	vld [tilespmem:s10+$0x3810];
	v2 =	vand.u32 $0x7FFFFFFF, v2;
	v3 =	vsub.f32 v3, v6  }
0x27f: {  	v6 =	vld [tilespmem:s10+$0x6010];
	[tilespmem:s24+$0x7850] =	vst v2  }
0x280: {  	v2 =	vld [tilespmem:s10+$0x3820];
	v4 =	vsub.f32 v4, v9;
	v3 =	vand.u32 $0x7FFFFFFF, v3  }
0x281: {  	v9 =	vld [tilespmem:s10+$0x6020];
	[tilespmem:s24+$0x7860] =	vst v3;
	s24 =	smov.u32 s10  }
0x282: {  	v3 =	vsub.f32 v8, v5;
	v8 =	vld [tilespmem:s24+$0x3830];
	v4 =	vand.u32 $0x7FFFFFFF, v4  }
0x283: {  	v10 =	vld [tilespmem:s24+$0x6030];
	[tilespmem:s24+$0x7870] =	vst v4  }
0x284: {  	v3 =	vand.u32 $0x7FFFFFFF, v3;
	v4 =	vsub.f32 v7, v6;
	v7 =	vld [tilespmem:s24+$0x3840]  }
0x285: {  	[tilespmem:s24+$0x7800] =	vst v3;
	v11 =	vld [tilespmem:s24+$0x6040]  }
.Ltmp8:
0x286: {  	v3 =	vand.u32 $0x7FFFFFFF, v4;
	v4 =	vsub.f32 v2, v9;
	v2 =	vld [tilespmem:s24+$0x3850];
	(pc) =	sbr.rel @p1 .LBB2_12-.Ltmp8, $4  }
0x287: {  	[tilespmem:s24+$0x7810] =	vst v3;
	v5 =	vld [tilespmem:s24+$0x6050]  }
0x288: {  	v4 =	vand.u32 $0x7FFFFFFF, v4;
	v8 =	vsub.f32 v8, v10;
	v3 =	vld [tilespmem:s24+$0x3860]  }
0x289: {  	s10 =	sshra.s32 s28, $0x2;
	[tilespmem:s24+$0x7820] =	vst v4;
	v6 =	vld [tilespmem:s24+$0x6060]  }
0x28a: {  	s28 =	sadd.s32 $0x200, s28;
	v4 =	vld [tilespmem:s10+$0x3870];
	v8 =	vand.u32 $0x7FFFFFFF, v8;
	v7 =	vsub.f32 v7, v11  }
0x28b: {  	v9 =	vld [tilespmem:s10+$0x6070];
	[tilespmem:s24+$0x7830] =	vst v8  }
0x28c: {  	v8 =	vld [tilespmem:s10+$0x3800];
	v7 =	vand.u32 $0x7FFFFFFF, v7;
	v2 =	vsub.f32 v2, v5  }
0x28d: {  	v10 =	vld [tilespmem:s10+$0x6000];
	[tilespmem:s24+$0x7840] =	vst v7  }
0x28e: {  	v5 =	vld [tilespmem:s10+$0x3810];
	v2 =	vand.u32 $0x7FFFFFFF, v2;
	v3 =	vsub.f32 v3, v6  }
0x28f: {  	v7 =	vld [tilespmem:s10+$0x6010];
	[tilespmem:s24+$0x7850] =	vst v2  }
0x290: {  	v2 =	vld [tilespmem:s10+$0x3820];
	v3 =	vand.u32 $0x7FFFFFFF, v3  }
0x291: {  	v6 =	vld [tilespmem:s10+$0x6020];
	v4 =	vsub.f32 v4, v9;
	[tilespmem:s24+$0x7860] =	vst v3  }
0x292: {  	v8 =	vsub.f32 v8, v10;
	v3 =	vld [tilespmem:s10+$0x3830]  }
0x293: {  	v4 =	vand.u32 $0x7FFFFFFF, v4;
	v9 =	vld [tilespmem:s10+$0x6030]  }
0x294: {  	[tilespmem:s10+$0x7870] =	vst v4;
	v4 =	vand.u32 $0x7FFFFFFF, v8;
	v8 =	vld [tilespmem:s10+$0x3840]  }
0x295: {  	v5 =	vsub.f32 v5, v7;
	v7 =	vld [tilespmem:s10+$0x3850]  }
0x296: {  	[tilespmem:s10+$0x7800] =	vst v4;
	v4 =	vld [tilespmem:s10+$0x6040];
	v2 =	vsub.f32 v2, v6  }
0x297: {  	v5 =	vand.u32 $0x7FFFFFFF, v5;
	v6 =	vld [tilespmem:s10+$0x3860]  }
0x298: {  	[tilespmem:s10+$0x7810] =	vst v5;
	v5 =	vld [tilespmem:s10+$0x6050];
	v2 =	vand.u32 $0x7FFFFFFF, v2  }
0x299: {  	[tilespmem:s10+$0x7820] =	vst v2;
	v2 =	vld [tilespmem:s10+$0x6060];
	_ =	sdelay $0x1  }
0x29a: {  	v3 =	vsub.f32 v3, v9  }
0x29b: {  	v4 =	vsub.f32 v8, v4  }
0x29c: {  	v3 =	vand.u32 $0x7FFFFFFF, v3;
	v5 =	vsub.f32 v7, v5  }
0x29d: {  	[tilespmem:s10+$0x7830] =	vst v3;
	v3 =	vand.u32 $0x7FFFFFFF, v4;
	v2 =	vsub.f32 v6, v2  }
0x29e: {  	[tilespmem:s10+$0x7840] =	vst v3;
	v3 =	vand.u32 $0x7FFFFFFF, v5  }
0x29f: {  	[tilespmem:s10+$0x7850] =	vst v3;
	v2 =	vand.u32 $0x7FFFFFFF, v2  }
0x2a0: {  	s28 =	sadd.s32 $0x180, s6;
	[tilespmem:s10+$0x7860] =	vst v2  }
0x2a1: {  	[spmem:s2] =	stream.indirect.scatter.add.f32 [tilespmem:s15], [sflag:$0xC], $0x80, s28, s11, $0xb8;
	[tilespmem:$0x1C580] =	vst v63  }
0x2a2: {  	_ = 	snop  }
0x2a3: {  	[spmem:s3] =	stream.indirect.scatter.add.f32 [tilespmem:s12], [sflag:$0xE], $0x1, s28, s11, $0xb8;
	[tilespmem:$0x1C580] =	vst v63  }
0x2a4: {  	s24 =	simm.s32 @!p0 $0x10;
	s10 =	sadd.s32 @!p0 $0x400, s7;
	s28 =	simm.s32 @!p0 $0x3800  }
0x2a5: {  	[tilespmem:s28], [sflag:$0x4] =	stream.indirect.gather @!p0 [hbm4b:s1+s24], $0x80, s10, s24, $0xb8;
	[tilespmem:$0x1C580] =	vst v63  }
0x2a6: {  	s7 =	sadd.s32 @!p0 $0x1400, s7;
	s10 =	simm.s32 @!p0 $0x6000  }
0x2a7: {  	[tilespmem:s10], [sflag:$0x9] =	stream.indirect.gather @!p0 [hbm4b:s1+s24], $0x80, s7, s24, $0xb8;
	[tilespmem:$0x1C580] =	vst v63  }
0x2a8: {  	_ =	swait.ge [sflag:s25], $0x800  }
0x2a9: {  	[sflag:s25] =	ssyncset.done $0x0  }
0x2aa: {  	[sflag:s25] =	ssyncadd.s32 $0xFFFFF800  }
0x2ab: {  	_ =	swait.ge [sflag:s26], $0x800  }
0x2ac: {  	[sflag:s26] =	ssyncset.done $0x0  }
0x2ad: {  	[sflag:s26] =	ssyncadd.s32 $0xFFFFF800  }
0x2ae: {  	_ =	swait.ge [sflag:s5], $0x800  }
0x2af: {  	[sflag:s5] =	ssyncset.done $0x0  }
0x2b0: {  	[sflag:s5] =	ssyncadd.s32 $0xFFFFF800  }
0x2b1: {  	_ =	swait.ge [sflag:s18], $0x10  }
0x2b2: {  	[sflag:s18] =	ssyncset.done $0x0  }
0x2b3: {  	s7 =	simm.s32 $0x0;
	[sflag:s18] =	ssyncadd.s32 $0xFFFFFFF0  }
0x2b4: {  	v2 =	vld [tilespmem:s7+$0x4070]  }
0x2b5: {  	v3 =	vld [tilespmem:s7+$0x6870]  }
0x2b6: {  	v4 =	vld [tilespmem:s7+$0x4000]  }
0x2b7: {  	v5 =	vld [tilespmem:s7+$0x6800]  }
0x2b8: {  	v6 =	vld [tilespmem:s7+$0x4010]  }
0x2b9: {  	v7 =	vld [tilespmem:s7+$0x6810]  }
0x2ba: {  	v8 =	vld [tilespmem:s7+$0x4020]  }
0x2bb: {  	v2 =	vsub.f32 v2, v3;
	v3 =	vld [tilespmem:s7+$0x6820]  }
0x2bc: {  	v9 =	vld [tilespmem:s7+$0x4030]  }
0x2bd: {  	v10 =	vld [tilespmem:s7+$0x6830];
	v4 =	vsub.f32 v4, v5  }
0x2be: {  	v11 =	vld [tilespmem:s7+$0x4040];
	v2 =	vand.u32 $0x7FFFFFFF, v2  }
0x2bf: {  	[tilespmem:s7+$0x7070] =	vst v2;
	v2 =	vand.u32 $0x7FFFFFFF, v4;
	v4 =	vsub.f32 v6, v7;
	v7 =	vld [tilespmem:s7+$0x6840]  }
0x2c0: {  	v5 =	vld [tilespmem:s7+$0x6850];
	v3 =	vsub.f32 v8, v3  }
0x2c1: {  	[tilespmem:s7+$0x7000] =	vst v2;
	v2 =	vld [tilespmem:s7+$0x4050];
	v4 =	vand.u32 $0x7FFFFFFF, v4  }
0x2c2: {  	v6 =	vld [tilespmem:s7+$0x6860];
	v8 =	vsub.f32 v9, v10;
	[tilespmem:s7+$0x7010] =	vst v4;
	v4 =	vand.u32 $0x7FFFFFFF, v3  }
0x2c3: {  	s10 =	simm.s32 $0x80;
	v3 =	vld [tilespmem:s7+$0x4060];
	[tilespmem:s7+$0x7020] =	vst v4  }
0x2c4: {  	s24 =	simm.s32 $0x400;
	v8 =	vand.u32 $0x7FFFFFFF, v8;
	v7 =	vsub.f32 v11, v7;
	v4 =	vld [tilespmem:s10+$0x4070]  }
.LBB2_14:
0x2c5: {  	p1 =	sne.s32 s24, $0x1E00;
	v9 =	vld [tilespmem:s10+$0x6870];
	[tilespmem:s7+$0x7030] =	vst v8  }
0x2c6: {  	v8 =	vld [tilespmem:s10+$0x4000];
	v7 =	vand.u32 $0x7FFFFFFF, v7;
	v2 =	vsub.f32 v2, v5  }
0x2c7: {  	v5 =	vld [tilespmem:s10+$0x6800];
	[tilespmem:s7+$0x7040] =	vst v7  }
0x2c8: {  	v7 =	vld [tilespmem:s10+$0x4010];
	v2 =	vand.u32 $0x7FFFFFFF, v2;
	v3 =	vsub.f32 v3, v6  }
0x2c9: {  	v6 =	vld [tilespmem:s10+$0x6810];
	[tilespmem:s7+$0x7050] =	vst v2  }
0x2ca: {  	v2 =	vld [tilespmem:s10+$0x4020];
	v4 =	vsub.f32 v4, v9;
	v3 =	vand.u32 $0x7FFFFFFF, v3  }
0x2cb: {  	v9 =	vld [tilespmem:s10+$0x6820];
	[tilespmem:s7+$0x7060] =	vst v3;
	s7 =	smov.u32 s10  }
0x2cc: {  	v3 =	vsub.f32 v8, v5;
	v8 =	vld [tilespmem:s7+$0x4030];
	v4 =	vand.u32 $0x7FFFFFFF, v4  }
0x2cd: {  	v10 =	vld [tilespmem:s7+$0x6830];
	[tilespmem:s7+$0x7070] =	vst v4  }
0x2ce: {  	v3 =	vand.u32 $0x7FFFFFFF, v3;
	v4 =	vsub.f32 v7, v6;
	v7 =	vld [tilespmem:s7+$0x4040]  }
0x2cf: {  	[tilespmem:s7+$0x7000] =	vst v3;
	v11 =	vld [tilespmem:s7+$0x6840]  }
.Ltmp9:
0x2d0: {  	v3 =	vand.u32 $0x7FFFFFFF, v4;
	v4 =	vsub.f32 v2, v9;
	v2 =	vld [tilespmem:s7+$0x4050];
	(pc) =	sbr.rel @p1 .LBB2_14-.Ltmp9, $4  }
0x2d1: {  	[tilespmem:s7+$0x7010] =	vst v3;
	v5 =	vld [tilespmem:s7+$0x6850]  }
0x2d2: {  	v4 =	vand.u32 $0x7FFFFFFF, v4;
	v8 =	vsub.f32 v8, v10;
	v3 =	vld [tilespmem:s7+$0x4060]  }
0x2d3: {  	s10 =	sshra.s32 s24, $0x2;
	[tilespmem:s7+$0x7020] =	vst v4;
	v6 =	vld [tilespmem:s7+$0x6860]  }
0x2d4: {  	s24 =	sadd.s32 $0x200, s24;
	v4 =	vld [tilespmem:s10+$0x4070];
	v8 =	vand.u32 $0x7FFFFFFF, v8;
	v7 =	vsub.f32 v7, v11  }
0x2d5: {  	v9 =	vld [tilespmem:s10+$0x6870];
	[tilespmem:s7+$0x7030] =	vst v8  }
0x2d6: {  	v8 =	vld [tilespmem:s10+$0x4000];
	v7 =	vand.u32 $0x7FFFFFFF, v7;
	v2 =	vsub.f32 v2, v5  }
0x2d7: {  	v10 =	vld [tilespmem:s10+$0x6800];
	[tilespmem:s7+$0x7040] =	vst v7  }
0x2d8: {  	v55 =	vld [tilespmem:s10+$0x4010];
	v2 =	vand.u32 $0x7FFFFFFF, v2;
	v3 =	vsub.f32 v3, v6  }
0x2d9: {  	v7 =	vld [tilespmem:s10+$0x6810];
	[tilespmem:s7+$0x7050] =	vst v2  }
0x2da: {  	v2 =	vld [tilespmem:s10+$0x4020];
	v3 =	vand.u32 $0x7FFFFFFF, v3  }
0x2db: {  	v56 =	vld [tilespmem:s10+$0x6820];
	[tilespmem:s7+$0x7060] =	vst v3  }
0x2dc: {  	v3 =	vld [tilespmem:s10+$0x4030]  }
0x2dd: {  	v57 =	vld [tilespmem:s10+$0x6830]  }
0x2de: {  	v59 =	vld [tilespmem:s10+$0x4040]  }
0x2df: {  	v60 =	vld [tilespmem:s10+$0x6840]  }
0x2e0: {  	v61 =	vld [tilespmem:s10+$0x4050];
	v2 =	vsub.f32 v2, v56  }
0x2e1: {  	v62 =	vld [tilespmem:s10+$0x6850]  }
0x2e2: {  	v4 =	vsub.f32 v4, v9;
	v63 =	vld [tilespmem:s10+$0x4060];
	v2 =	vand.u32 $0x7FFFFFFF, v2  }
0x2e3: {  	v8 =	vsub.f32 v8, v10;
	[tilespmem:s10+$0x7020] =	vst v2;
	v2 =	vld [tilespmem:s10+$0x6860]  }
0x2e4: {  	v4 =	vand.u32 $0x7FFFFFFF, v4;
	v5 =	vsub.f32 v55, v7  }
0x2e5: {  	[tilespmem:s10+$0x7070] =	vst v4;
	v58 =	vand.u32 $0x7FFFFFFF, v8;
	v3 =	vsub.f32 v3, v57  }
0x2e6: {  	[tilespmem:s10+$0x7000] =	vst v58;
	v5 =	vand.u32 $0x7FFFFFFF, v5;
	v4 =	vsub.f32 v59, v60  }
0x2e7: {  	[tilespmem:s10+$0x7010] =	vst v5;
	v5 =	vsub.f32 v61, v62;
	v3 =	vand.u32 $0x7FFFFFFF, v3  }
0x2e8: {  	[tilespmem:s10+$0x7030] =	vst v3;
	v3 =	vand.u32 $0x7FFFFFFF, v4;
	v2 =	vsub.f32 v63, v2  }
0x2e9: {  	[tilespmem:s10+$0x7040] =	vst v3;
	v3 =	vand.u32 $0x7FFFFFFF, v5  }
.Ltmp10:
0x2ea: {  	[tilespmem:s10+$0x7050] =	vst v3;
	v2 =	vand.u32 $0x7FFFFFFF, v2;
	(pc) =	sbr.rel @p0 .LBB2_17-.Ltmp10, $4  }
0x2eb: {  	s6 =	sadd.s32 $0x200, s6;
	[tilespmem:s10+$0x7060] =	vst v2  }
0x2ec: {  	[spmem:s2] =	stream.indirect.scatter.add.f32 [tilespmem:s0], [sflag:$0xB], $0x80, s6, s11, $0xb8;
	[tilespmem:$0x1C580] =	vst v63  }
0x2ed: {  	_ = 	snop  }
0x2ee: {  	[spmem:s3] =	stream.indirect.scatter.add.f32 [tilespmem:s12], [sflag:$0xD], $0x1, s6, s11, $0xb8;
	[tilespmem:$0x1C580] =	vst v63  }
0x2ef: {  	s6 =	smul.u32 $0x280, s31  }
.Ltmp11:
0x2f0: {  	_ = 	snop;
	(pc) =	sbr.rel .LBB2_5-.Ltmp11, $4  }
0x2f1: {  	s7 =	sadd.s32 $0x480, s6  }
0x2f2: {  	[tilespmem:s30], [sflag:$0x5] =	stream.indirect.gather [hbm4b:s1+s11], $0x80, s7, s11, $0xb8;
	[tilespmem:$0x1C580] =	vst v63  }
0x2f3: {  	s31 =	sadd.s32 $0x1, s31;
	s6 =	sadd.s32 $0x1480, s6  }
0x2f4: {  	[tilespmem:s23], [sflag:$0xA] =	stream.indirect.gather [hbm4b:s1+s11], $0x80, s6, s11, $0xb8;
	[tilespmem:$0x1C580] =	vst v63  }
.LBB2_19:
0x2f5: {  	_ =	sfence.sel $0x180000  }
0x2f6: {  	[bflag:$0x0] =	sbarrier.arrive $0xFFFF  }
0x2f7: {  	_ =	strace $0x90000047  }
0x2f8: {  	s0 =	stileid.u32;
	[bflag:$0x2] =	sbarrier.arrive $0xFFFF  }
0x2f9: {  	p0 =	sne.s32 s0, $0x0;
	s0 =	rddreg [dreg:$0x5]  }
0x2fa: {  	s0 =	sadd.s32 @!p0 $0x100000, s0  }
0x2fb: {  	[sflag:s0] =	ssyncadd.tile.s32 @!p0 $0x1;
	_ =	shalt  }
.Lfunc_end2:
_tile_overlayer_lowered:
.L_overlay_start_2:
0x2fc: {  	(tag) =	ssettag $0x2  }
0x2fd: {  	s0 =	rddreg [dreg:$0x0];
	s2 =	stileid.u32  }
0x2fe: {  	s1 =	rddreg [dreg:$0x1];
	p0 =	sne.s32 s2, $0x0  }
0x2ff: {  	s3 =	rddreg [dreg:$0x2];
	[bflag:$0x3] =	sbarrier.arrive $0xFFFF;
	s2 =	simm.s32 @!p0 $0x1C0F  }
0x300: {  	[timem:s3], [sflag:s2] =	dma.local @!p0 [hbm:s0], s1  }
0x301: {  	s0 =	simm.s32 @!p0 $0xF  }
0x302: {  	_ =	swait.ge @!p0 [sflag:s0], s1  }
0x303: {  	s1 =	ssub.s32 @!p0 $0x0, s1;
	[sflag:s0] =	ssyncset.done @!p0 $0x0  }
0x304: {  	[sflag:s0] =	ssyncadd.s32 @!p0 s1  }
0x305: {  	[bflag:$0x3] =	sbarrier.arrive $0xFFFF  }
0x306: {  	_ =	shalt  }

</sc_bundles>
